<compile_context>
chip_gen: v7x
topology: tpu7x:2x2x1
jax: 0.10.2.dev20260603
libtpu: 0.0.44.dev20260713+nightly
codegen_flags: <defaults>
</compile_context>

<pallas_src>
import functools

import jax
import jax.numpy as jnp
from jax import lax
from jax.experimental import pallas as pl
from jax.experimental.pallas import tpu as pltpu
from jax.experimental.pallas import tpu_sc as plsc

OUT_DIM = 64
PAD_W = 128
SEQ = 200
PAD_IDX = 0
NUM_CORES = 2
NUM_SUBCORES = 16
NUM_WORKERS = NUM_CORES * NUM_SUBCORES
CHUNK_B = 4
CHUNK = CHUNK_B * SEQ


def _emb_body(idx_hbm, table_hbm, out_hbm,
              idx_v0, idx_v1, rows_v0, rows_v1,
              gsem0, gsem1, wsem0, wsem1, *, b_per_w):
  wid = lax.axis_index("s") * NUM_CORES + lax.axis_index("c")
  base = wid * b_per_w
  nchunk = b_per_w // CHUNK
  idx_v = (idx_v0, idx_v1)
  rows_v = (rows_v0, rows_v1)
  gsem = (gsem0, gsem1)
  wsem = (wsem0, wsem1)

  def fixup(iv, rv):
    def grp(g, tot):
      v = iv[pl.ds(g * 16, 16)]
      return tot + jnp.sum((v == PAD_IDX).astype(jnp.int32))

    tot = lax.fori_loop(0, CHUNK // 16, grp, jnp.int32(0))

    @pl.when(tot > 0)
    def _():
      zeros = jnp.zeros((16,), jnp.float32)

      def fix_grp(g, c):
        v = iv[pl.ds(g * 16, 16)]
        cnt = jnp.sum((v == PAD_IDX).astype(jnp.int32))

        @pl.when(cnt > 0)
        def _():
          for j in range(16):
            @pl.when(v[j] == PAD_IDX)
            def _():
              for q in range(OUT_DIM // 16):
                rv[g * 16 + j, pl.ds(q * 16, 16)] = zeros

        return c

      lax.fori_loop(0, CHUNK // 16, fix_grp, 0)

  def start_writes(k, cur):
    bent = (base + k * CHUNK) // SEQ
    for e in range(CHUNK_B):
      pltpu.async_copy(rows_v[cur].at[pl.ds(e * SEQ, SEQ)],
                       out_hbm.at[bent + e, :, pl.ds(0, OUT_DIM)],
                       wsem[cur])

  def drain_writes(k, cur):
    bent = (base + k * CHUNK) // SEQ
    for e in range(CHUNK_B):
      pltpu.make_async_copy(rows_v[cur].at[pl.ds(e * SEQ, SEQ)],
                            out_hbm.at[bent + e, :, pl.ds(0, OUT_DIM)],
                            wsem[cur]).wait()

  pltpu.sync_copy(idx_hbm.at[pl.ds(base, CHUNK)], idx_v[0])
  pltpu.async_copy(table_hbm.at[idx_v[0]], rows_v[0], gsem[0])

  def pair_body(k2, carry):
    for h in range(2):
      cur, oth = h, 1 - h
      k = k2 * 2 + h
      pltpu.make_async_copy(table_hbm.at[idx_v[cur]], rows_v[cur],
                            gsem[cur]).wait()
      fixup(idx_v[cur], rows_v[cur])
      start_writes(k, cur)

      @pl.when(k + 1 < nchunk)
      def _():
        @pl.when(k >= 1)
        def _():
          drain_writes(k - 1, oth)

        off = base + (k + 1) * CHUNK
        pltpu.sync_copy(idx_hbm.at[pl.ds(off, CHUNK)], idx_v[oth])
        pltpu.async_copy(table_hbm.at[idx_v[oth]], rows_v[oth], gsem[oth])

    return carry

  lax.fori_loop(0, nchunk // 2, pair_body, 0)
  drain_writes(nchunk - 2, 0)
  drain_writes(nchunk - 1, 1)


def kernel(inputs, embeddings):
  b, l = inputs.shape
  n = b * l
  assert n % NUM_WORKERS == 0
  b_per_w = n // NUM_WORKERS
  assert b_per_w % CHUNK == 0 and (b_per_w // CHUNK) % 2 == 0
  v = embeddings.shape[0]

  idx = inputs.reshape(n).astype(jnp.int32)
  emb2 = embeddings.reshape(v // 2, 2 * OUT_DIM)
  emb2 = lax.optimization_barrier(emb2)
  emb_lin = emb2.reshape(v, OUT_DIM)

  mesh = plsc.VectorSubcoreMesh(
      core_axis_name="c", subcore_axis_name="s", num_cores=NUM_CORES,
      num_subcores=NUM_SUBCORES)
  fn = pl.kernel(
      functools.partial(_emb_body, b_per_w=b_per_w),
      out_type=jax.ShapeDtypeStruct((b, l, PAD_W), jnp.float32),
      mesh=mesh,
      scratch_types=[
          pltpu.VMEM((CHUNK,), jnp.int32),
          pltpu.VMEM((CHUNK,), jnp.int32),
          pltpu.VMEM((CHUNK, OUT_DIM), jnp.float32),
          pltpu.VMEM((CHUNK, OUT_DIM), jnp.float32),
          pltpu.SemaphoreType.DMA,
          pltpu.SemaphoreType.DMA,
          pltpu.SemaphoreType.DMA,
          pltpu.SemaphoreType.DMA,
      ],
      compiler_params=pltpu.CompilerParams(
          use_tc_tiling_on_sc=False, needs_layout_passes=False),
  )
  return fn(idx, emb_lin)[:, :, :OUT_DIM]

# --- scband reference (transcript-rebuilt; emitter-appended) ---
"""Pipeline reference for scband-embedding-17420387352927 (READ-ONLY COPY).

The authoritative reference and input builder live on the scoring server;
editing this copy changes nothing except your own understanding.
"""

import jax, jax.numpy as jnp
import numpy as np

INPUT_DIM = 1000000
OUTPUT_DIM = 64
PADDING_IDX = 0
BATCH = 4096
SEQ_LEN = 200


def setup_inputs(seed: int = 0) -> dict:
    key = jax.random.key(seed)
    k_idx, k_tab = jax.random.split(key)
    inputs = jax.random.randint(k_idx, (BATCH, SEQ_LEN), 0, INPUT_DIM, dtype=jnp.int64 if jax.config.jax_enable_x64 else jnp.int32)
    embeddings = jax.random.normal(k_tab, (INPUT_DIM, OUTPUT_DIM), dtype=jnp.float32) * 0.05
    return {"inputs": inputs, "embeddings": embeddings}


def reference(inputs, embeddings):
    # embedding lookup (gather)
    embeds = jnp.take(embeddings, inputs, axis=0)  # [B, L, D]
    # padding mask: zero out rows where index == padding_idx
    mask = jnp.not_equal(inputs, PADDING_IDX)  # [B, L]
    mask = jnp.tile(mask[:, :, None], (1, 1, OUTPUT_DIM))  # [B, L, D]
    mask = mask.astype(jnp.float32)
    masked_embeds = embeds * mask
    return masked_embeds

if __name__ == "__main__":
    import jax
    _d = setup_inputs()
    print(jax.jit(kernel)(*tuple(_d.values())))

</pallas_src>

<mosaic_0001>
#map = affine_map<(d0, d1) -> (0)>
#map1 = affine_map<(d0, d1) -> (0, 0)>
#map2 = affine_map<(d0, d1) -> (0, 0, 0)>
module attributes {stable_mosaic.version = 14 : i64} {
  func.func @_emb_body(%arg0: i32, %arg1: i32, %arg2: memref<819200xi32, #tpu.memory_space<hbm>>, %arg3: memref<1000000x64xf32, #tpu.memory_space<hbm>>, %arg4: memref<4096x200x128xf32, #tpu.memory_space<hbm>>, %arg5: memref<800xi32, #tpu.memory_space<vmem>>, %arg6: memref<800xi32, #tpu.memory_space<vmem>>, %arg7: memref<800x64xf32, #tpu.memory_space<vmem>>, %arg8: memref<800x64xf32, #tpu.memory_space<vmem>>, %arg9: memref<!tpu.dma_semaphore, #tpu.memory_space<semaphore_mem>>, %arg10: memref<!tpu.dma_semaphore, #tpu.memory_space<semaphore_mem>>, %arg11: memref<!tpu.dma_semaphore, #tpu.memory_space<semaphore_mem>>, %arg12: memref<!tpu.dma_semaphore, #tpu.memory_space<semaphore_mem>>) attributes {dimension_semantics = [#tpu.dimension_semantics<core_parallel>, #tpu.dimension_semantics<subcore_parallel>], iteration_bounds = array<i64: 2, 16>, scalar_prefetch = 0 : i64, scratch_operands = 8 : i64, tpu.core_type = #tpu.core_type<sc_vector_subcore>, window_params = [{transform_indices = #map}, {transform_indices = #map1}, {transform_indices = #map2}]} {
    %mul3A = arith.constant 2 : i32
    %mul3A_0 = arith.muli %arg1, %mul3A : i32
    %add3A = arith.addi %mul3A_0, %arg0 : i32
    %mul3A_1 = arith.constant 25600 : i32
    %mul3A_2 = arith.muli %add3A, %mul3A_1 : i32
    "tpu.region"() ({
      %run_scoped3A = tpu.sem_alloc : memref<!tpu.dma_semaphore, #tpu.memory_space<semaphore_mem>>
      %dma_start3A_181 = tpu.memref_slice %arg2[%mul3A_2] : memref<819200xi32, #tpu.memory_space<hbm>> -> memref<800xi32, #tpu.memory_space<hbm>>
      %dma_start3A_182 = tpu.memref_slice %arg2[%mul3A_2] : memref<819200xi32, #tpu.memory_space<hbm>> -> memref<800xi32, #tpu.memory_space<hbm>>
      tpu.enqueue_dma source(%dma_start3A_182 : memref<800xi32, #tpu.memory_space<hbm>>) target(%arg5 : memref<800xi32, #tpu.memory_space<vmem>>) target_semaphore(%run_scoped3A : memref<!tpu.dma_semaphore, #tpu.memory_space<semaphore_mem>>)
      %dma_wait3A_183 = tpu.memref_slice %arg2[%mul3A_2] : memref<819200xi32, #tpu.memory_space<hbm>> -> memref<800xi32, #tpu.memory_space<hbm>>
      %dma_wait3A_184 = tpu.memref_slice %arg2[%mul3A_2] : memref<819200xi32, #tpu.memory_space<hbm>> -> memref<800xi32, #tpu.memory_space<hbm>>
      tpu.wait_dma2 semaphore(%run_scoped3A : memref<!tpu.dma_semaphore, #tpu.memory_space<semaphore_mem>>) src(%dma_wait3A_184 : memref<800xi32, #tpu.memory_space<hbm>>) dst(%arg5 : memref<800xi32, #tpu.memory_space<vmem>>)
      tpu.yield
    }) : () -> ()
    %dma_start3A = arith.constant 0 : i32
    %dma_start3A_3 = arith.constant 0 : i32
    %dma_start3A_4 = tpu.memref_slice %arg3[%dma_start3A, %dma_start3A_3] : memref<1000000x64xf32, #tpu.memory_space<hbm>> -> memref<1000000x64xf32, #tpu.memory_space<hbm>>
    tpu.enqueue_indirect_dma source(%dma_start3A_4 : memref<1000000x64xf32, #tpu.memory_space<hbm>>) target(%arg7 : memref<800x64xf32, #tpu.memory_space<vmem>>) offsets(%arg5 : memref<800xi32, #tpu.memory_space<vmem>>) semaphore(%arg9 : memref<!tpu.dma_semaphore, #tpu.memory_space<semaphore_mem>>)
    %scan3A = arith.constant 0 : i32
    %scan3A_5 = arith.constant 0 : i32
    %scan3A_6 = arith.constant 16 : i32
    %scan3A_7 = arith.addi %scan3A_5, %scan3A_6 : i32
    %scan3A_8 = arith.constant 1 : i32
    scf.for %scan3A_181 = %scan3A_5 to %scan3A_7 step %scan3A_8  : i32 {
      %mul3A_182 = arith.constant 2 : i32
      %mul3A_183 = arith.muli %scan3A_181, %mul3A_182 : i32
      %add3A_184 = arith.constant 0 : i32
      %add3A_185 = arith.addi %mul3A_183, %add3A_184 : i32
      %dma_wait3A_186 = arith.constant 0 : i32
      %dma_wait3A_187 = arith.constant 0 : i32
      %dma_wait3A_188 = tpu.memref_slice %arg3[%dma_wait3A_186, %dma_wait3A_187] : memref<1000000x64xf32, #tpu.memory_space<hbm>> -> memref<1000000x64xf32, #tpu.memory_space<hbm>>
      tpu.wait_indirect_dma semaphore(%arg9 : memref<!tpu.dma_semaphore, #tpu.memory_space<semaphore_mem>>) src(%dma_wait3A_188 : memref<1000000x64xf32, #tpu.memory_space<hbm>>) dst(%arg7 : memref<800x64xf32, #tpu.memory_space<vmem>>)
      %scan3A_189 = arith.constant 0 : i32
      %scan3A_190 = arith.constant 0 : i32
      %scan3A_191 = arith.constant 50 : i32
      %scan3A_192 = arith.addi %scan3A_190, %scan3A_191 : i32
      %scan3A_193 = arith.constant 1 : i32
      %scan3A_194 = scf.for %scan3A_412 = %scan3A_190 to %scan3A_192 step %scan3A_193 iter_args(%scan3A_413 = %scan3A_189) -> (i32)  : i32 {
        %mul3A_414 = arith.constant 16 : i32
        %mul3A_415 = arith.muli %scan3A_412, %mul3A_414 : i32
        %get3A = arith.index_cast %mul3A_415 : i32 to index
        %get3A_416 = tpu.vector_load %arg5[%get3A] {strides = array<i32>} : memref<800xi32, #tpu.memory_space<vmem>>, vector<16xi32>,
        %eq3A = arith.constant 0 : i32
        %eq3A_417 = vector.broadcast %eq3A : i32 to vector<16xi32>
        %eq3A_418 = arith.cmpi eq, %get3A_416, %eq3A_417 : vector<16xi32>
        %convert_element_type3A_419 = arith.extui %eq3A_418 : vector<16xi1> to vector<16xi32>
        %reduce_sum3A = arith.constant true
        %reduce_sum3A_420 = vector.broadcast %reduce_sum3A : i1 to vector<16xi1>
        %reduce_sum3A_421 = tpu.scan <sum>, %convert_element_type3A_419 masked %reduce_sum3A_420 : vector<16xi32>, vector<16xi1> -> vector<16xi32>
        %reduce_sum3A_422 = vector.extract %reduce_sum3A_421[15] : i32 from vector<16xi32>
        %add3A_423 = arith.addi %scan3A_413, %reduce_sum3A_422 : i32
        scf.yield %add3A_423 : i32
      }
      %scan3A_195 = arith.constant 50 : i32
      %gt3A = arith.constant 0 : i32
      %gt3A_196 = arith.cmpi sgt, %scan3A_194, %gt3A : i32
      %convert_element_type3A = arith.extui %gt3A_196 : i1 to i32
      %cond3A = arith.constant 0 : i32
      %cond3A_197 = arith.cmpi ne, %convert_element_type3A, %cond3A : i32
      scf.if %cond3A_197 {
        %broadcast_in_dim3A = arith.constant 0.000000e+00 : f32
        %broadcast_in_dim3A_412 = vector.broadcast %broadcast_in_dim3A : f32 to vector<16xf32>
        %scan3A_413 = arith.constant 0 : i32
        %scan3A_414 = arith.constant 0 : i32
        %scan3A_415 = arith.constant 50 : i32
        %scan3A_416 = arith.addi %scan3A_414, %scan3A_415 : i32
        %scan3A_417 = arith.constant 1 : i32
        scf.for %scan3A_419 = %scan3A_414 to %scan3A_416 step %scan3A_417  : i32 {
          %mul3A_420 = arith.constant 16 : i32
          %mul3A_421 = arith.muli %scan3A_419, %mul3A_420 : i32
          %get3A = arith.index_cast %mul3A_421 : i32 to index
          %get3A_422 = tpu.vector_load %arg5[%get3A] {strides = array<i32>} : memref<800xi32, #tpu.memory_space<vmem>>, vector<16xi32>,
          %eq3A = arith.constant 0 : i32
          %eq3A_423 = vector.broadcast %eq3A : i32 to vector<16xi32>
          %eq3A_424 = arith.cmpi eq, %get3A_422, %eq3A_423 : vector<16xi32>
          %convert_element_type3A_425 = arith.extui %eq3A_424 : vector<16xi1> to vector<16xi32>
          %reduce_sum3A = arith.constant true
          %reduce_sum3A_426 = vector.broadcast %reduce_sum3A : i1 to vector<16xi1>
          %reduce_sum3A_427 = tpu.scan <sum>, %convert_element_type3A_425 masked %reduce_sum3A_426 : vector<16xi32>, vector<16xi1> -> vector<16xi32>
          %reduce_sum3A_428 = vector.extract %reduce_sum3A_427[15] : i32 from vector<16xi32>
          %gt3A_429 = arith.constant 0 : i32
          %gt3A_430 = arith.cmpi sgt, %reduce_sum3A_428, %gt3A_429 : i32
          %convert_element_type3A_431 = arith.extui %gt3A_430 : i1 to i32
          %cond3A_432 = arith.constant 0 : i32
          %cond3A_433 = arith.cmpi ne, %convert_element_type3A_431, %cond3A_432 : i32
          scf.if %cond3A_433 {
            %slice3A = vector.extract_strided_slice %get3A_422 {offsets = [0], sizes = [1], strides = [1]} : vector<16xi32> to vector<1xi32>
            %squeeze3A = vector.extract %slice3A[0] : i32 from vector<1xi32>
            %eq3A_434 = arith.constant 0 : i32
            %eq3A_435 = arith.cmpi eq, %squeeze3A, %eq3A_434 : i32
            %convert_element_type3A_436 = arith.extui %eq3A_435 : i1 to i32
            %cond3A_437 = arith.constant 0 : i32
            %cond3A_438 = arith.cmpi ne, %convert_element_type3A_436, %cond3A_437 : i32
            scf.if %cond3A_438 {
              %mul3A_544 = arith.constant 16 : i32
              %mul3A_545 = arith.muli %scan3A_419, %mul3A_544 : i32
              %add3A_546 = arith.constant 0 : i32
              %add3A_547 = arith.addi %mul3A_545, %add3A_546 : i32
              %swap3A = arith.index_cast %add3A_547 : i32 to index
              %swap3A_548 = arith.constant 0 : index
              %swap3A_549 = tpu.vector_load %arg7[%swap3A, %swap3A_548] {strides = array<i32>} : memref<800x64xf32, #tpu.memory_space<vmem>>, vector<16xf32>,
              tpu.vector_store %arg7[%swap3A, %swap3A_548], %broadcast_in_dim3A_412 {strides = array<i32>} : memref<800x64xf32, #tpu.memory_space<vmem>>, vector<16xf32>,
              %mul3A_550 = arith.constant 16 : i32
              %mul3A_551 = arith.muli %scan3A_419, %mul3A_550 : i32
              %add3A_552 = arith.constant 0 : i32
              %add3A_553 = arith.addi %mul3A_551, %add3A_552 : i32
              %swap3A_554 = arith.index_cast %add3A_553 : i32 to index
              %swap3A_555 = arith.constant 16 : index
              %swap3A_556 = tpu.vector_load %arg7[%swap3A_554, %swap3A_555] {strides = array<i32>} : memref<800x64xf32, #tpu.memory_space<vmem>>, vector<16xf32>,
              tpu.vector_store %arg7[%swap3A_554, %swap3A_555], %broadcast_in_dim3A_412 {strides = array<i32>} : memref<800x64xf32, #tpu.memory_space<vmem>>, vector<16xf32>,
              %mul3A_557 = arith.constant 16 : i32
              %mul3A_558 = arith.muli %scan3A_419, %mul3A_557 : i32
              %add3A_559 = arith.constant 0 : i32
              %add3A_560 = arith.addi %mul3A_558, %add3A_559 : i32
              %swap3A_561 = arith.index_cast %add3A_560 : i32 to index
              %swap3A_562 = arith.constant 32 : index
              %swap3A_563 = tpu.vector_load %arg7[%swap3A_561, %swap3A_562] {strides = array<i32>} : memref<800x64xf32, #tpu.memory_space<vmem>>, vector<16xf32>,
              tpu.vector_store %arg7[%swap3A_561, %swap3A_562], %broadcast_in_dim3A_412 {strides = array<i32>} : memref<800x64xf32, #tpu.memory_space<vmem>>, vector<16xf32>,
              %mul3A_564 = arith.constant 16 : i32
              %mul3A_565 = arith.muli %scan3A_419, %mul3A_564 : i32
              %add3A_566 = arith.constant 0 : i32
              %add3A_567 = arith.addi %mul3A_565, %add3A_566 : i32
              %swap3A_568 = arith.index_cast %add3A_567 : i32 to index
              %swap3A_569 = arith.constant 48 : index
              %swap3A_570 = tpu.vector_load %arg7[%swap3A_568, %swap3A_569] {strides = array<i32>} : memref<800x64xf32, #tpu.memory_space<vmem>>, vector<16xf32>,
              tpu.vector_store %arg7[%swap3A_568, %swap3A_569], %broadcast_in_dim3A_412 {strides = array<i32>} : memref<800x64xf32, #tpu.memory_space<vmem>>, vector<16xf32>,
            } else {
            }
            %slice3A_439 = vector.extract_strided_slice %get3A_422 {offsets = [1], sizes = [1], strides = [1]} : vector<16xi32> to vector<1xi32>
            %squeeze3A_440 = vector.extract %slice3A_439[0] : i32 from vector<1xi32>
            %eq3A_441 = arith.constant 0 : i32
            %eq3A_442 = arith.cmpi eq, %squeeze3A_440, %eq3A_441 : i32
            %convert_element_type3A_443 = arith.extui %eq3A_442 : i1 to i32
            %cond3A_444 = arith.constant 0 : i32
            %cond3A_445 = arith.cmpi ne, %convert_element_type3A_443, %cond3A_444 : i32
            scf.if %cond3A_445 {
              %mul3A_544 = arith.constant 16 : i32
              %mul3A_545 = arith.muli %scan3A_419, %mul3A_544 : i32
              %add3A_546 = arith.constant 1 : i32
              %add3A_547 = arith.addi %mul3A_545, %add3A_546 : i32
              %swap3A = arith.index_cast %add3A_547 : i32 to index
              %swap3A_548 = arith.constant 0 : index
              %swap3A_549 = tpu.vector_load %arg7[%swap3A, %swap3A_548] {strides = array<i32>} : memref<800x64xf32, #tpu.memory_space<vmem>>, vector<16xf32>,
              tpu.vector_store %arg7[%swap3A, %swap3A_548], %broadcast_in_dim3A_412 {strides = array<i32>} : memref<800x64xf32, #tpu.memory_space<vmem>>, vector<16xf32>,
              %mul3A_550 = arith.constant 16 : i32
              %mul3A_551 = arith.muli %scan3A_419, %mul3A_550 : i32
              %add3A_552 = arith.constant 1 : i32
              %add3A_553 = arith.addi %mul3A_551, %add3A_552 : i32
              %swap3A_554 = arith.index_cast %add3A_553 : i32 to index
              %swap3A_555 = arith.constant 16 : index
              %swap3A_556 = tpu.vector_load %arg7[%swap3A_554, %swap3A_555] {strides = array<i32>} : memref<800x64xf32, #tpu.memory_space<vmem>>, vector<16xf32>,
              tpu.vector_store %arg7[%swap3A_554, %swap3A_555], %broadcast_in_dim3A_412 {strides = array<i32>} : memref<800x64xf32, #tpu.memory_space<vmem>>, vector<16xf32>,
              %mul3A_557 = arith.constant 16 : i32
              %mul3A_558 = arith.muli %scan3A_419, %mul3A_557 : i32
              %add3A_559 = arith.constant 1 : i32
              %add3A_560 = arith.addi %mul3A_558, %add3A_559 : i32
              %swap3A_561 = arith.index_cast %add3A_560 : i32 to index
              %swap3A_562 = arith.constant 32 : index
              %swap3A_563 = tpu.vector_load %arg7[%swap3A_561, %swap3A_562] {strides = array<i32>} : memref<800x64xf32, #tpu.memory_space<vmem>>, vector<16xf32>,
              tpu.vector_store %arg7[%swap3A_561, %swap3A_562], %broadcast_in_dim3A_412 {strides = array<i32>} : memref<800x64xf32, #tpu.memory_space<vmem>>, vector<16xf32>,
              %mul3A_564 = arith.constant 16 : i32
              %mul3A_565 = arith.muli %scan3A_419, %mul3A_564 : i32
              %add3A_566 = arith.constant 1 : i32
              %add3A_567 = arith.addi %mul3A_565, %add3A_566 : i32
              %swap3A_568 = arith.index_cast %add3A_567 : i32 to index
              %swap3A_569 = arith.constant 48 : index
              %swap3A_570 = tpu.vector_load %arg7[%swap3A_568, %swap3A_569] {strides = array<i32>} : memref<800x64xf32, #tpu.memory_space<vmem>>, vector<16xf32>,
              tpu.vector_store %arg7[%swap3A_568, %swap3A_569], %broadcast_in_dim3A_412 {strides = array<i32>} : memref<800x64xf32, #tpu.memory_space<vmem>>, vector<16xf32>,
            } else {
            }
            %slice3A_446 = vector.extract_strided_slice %get3A_422 {offsets = [2], sizes = [1], strides = [1]} : vector<16xi32> to vector<1xi32>
            %squeeze3A_447 = vector.extract %slice3A_446[0] : i32 from vector<1xi32>
            %eq3A_448 = arith.constant 0 : i32
            %eq3A_449 = arith.cmpi eq, %squeeze3A_447, %eq3A_448 : i32
            %convert_element_type3A_450 = arith.extui %eq3A_449 : i1 to i32
            %cond3A_451 = arith.constant 0 : i32
            %cond3A_452 = arith.cmpi ne, %convert_element_type3A_450, %cond3A_451 : i32
            scf.if %cond3A_452 {
              %mul3A_544 = arith.constant 16 : i32
              %mul3A_545 = arith.muli %scan3A_419, %mul3A_544 : i32
              %add3A_546 = arith.constant 2 : i32
              %add3A_547 = arith.addi %mul3A_545, %add3A_546 : i32
              %swap3A = arith.index_cast %add3A_547 : i32 to index
              %swap3A_548 = arith.constant 0 : index
              %swap3A_549 = tpu.vector_load %arg7[%swap3A, %swap3A_548] {strides = array<i32>} : memref<800x64xf32, #tpu.memory_space<vmem>>, vector<16xf32>,
              tpu.vector_store %arg7[%swap3A, %swap3A_548], %broadcast_in_dim3A_412 {strides = array<i32>} : memref<800x64xf32, #tpu.memory_space<vmem>>, vector<16xf32>,
              %mul3A_550 = arith.constant 16 : i32
              %mul3A_551 = arith.muli %scan3A_419, %mul3A_550 : i32
              %add3A_552 = arith.constant 2 : i32
              %add3A_553 = arith.addi %mul3A_551, %add3A_552 : i32
              %swap3A_554 = arith.index_cast %add3A_553 : i32 to index
              %swap3A_555 = arith.constant 16 : index
              %swap3A_556 = tpu.vector_load %arg7[%swap3A_554, %swap3A_555] {strides = array<i32>} : memref<800x64xf32, #tpu.memory_space<vmem>>, vector<16xf32>,
              tpu.vector_store %arg7[%swap3A_554, %swap3A_555], %broadcast_in_dim3A_412 {strides = array<i32>} : memref<800x64xf32, #tpu.memory_space<vmem>>, vector<16xf32>,
              %mul3A_557 = arith.constant 16 : i32
              %mul3A_558 = arith.muli %scan3A_419, %mul3A_557 : i32
              %add3A_559 = arith.constant 2 : i32
              %add3A_560 = arith.addi %mul3A_558, %add3A_559 : i32
              %swap3A_561 = arith.index_cast %add3A_560 : i32 to index
              %swap3A_562 = arith.constant 32 : index
              %swap3A_563 = tpu.vector_load %arg7[%swap3A_561, %swap3A_562] {strides = array<i32>} : memref<800x64xf32, #tpu.memory_space<vmem>>, vector<16xf32>,
              tpu.vector_store %arg7[%swap3A_561, %swap3A_562], %broadcast_in_dim3A_412 {strides = array<i32>} : memref<800x64xf32, #tpu.memory_space<vmem>>, vector<16xf32>,
              %mul3A_564 = arith.constant 16 : i32
              %mul3A_565 = arith.muli %scan3A_419, %mul3A_564 : i32
              %add3A_566 = arith.constant 2 : i32
              %add3A_567 = arith.addi %mul3A_565, %add3A_566 : i32
              %swap3A_568 = arith.index_cast %add3A_567 : i32 to index
              %swap3A_569 = arith.constant 48 : index
              %swap3A_570 = tpu.vector_load %arg7[%swap3A_568, %swap3A_569] {strides = array<i32>} : memref<800x64xf32, #tpu.memory_space<vmem>>, vector<16xf32>,
              tpu.vector_store %arg7[%swap3A_568, %swap3A_569], %broadcast_in_dim3A_412 {strides = array<i32>} : memref<800x64xf32, #tpu.memory_space<vmem>>, vector<16xf32>,
            } else {
            }
            %slice3A_453 = vector.extract_strided_slice %get3A_422 {offsets = [3], sizes = [1], strides = [1]} : vector<16xi32> to vector<1xi32>
            %squeeze3A_454 = vector.extract %slice3A_453[0] : i32 from vector<1xi32>
            %eq3A_455 = arith.constant 0 : i32
            %eq3A_456 = arith.cmpi eq, %squeeze3A_454, %eq3A_455 : i32
            %convert_element_type3A_457 = arith.extui %eq3A_456 : i1 to i32
            %cond3A_458 = arith.constant 0 : i32
            %cond3A_459 = arith.cmpi ne, %convert_element_type3A_457, %cond3A_458 : i32
            scf.if %cond3A_459 {
              %mul3A_544 = arith.constant 16 : i32
              %mul3A_545 = arith.muli %scan3A_419, %mul3A_544 : i32
              %add3A_546 = arith.constant 3 : i32
              %add3A_547 = arith.addi %mul3A_545, %add3A_546 : i32
              %swap3A = arith.index_cast %add3A_547 : i32 to index
              %swap3A_548 = arith.constant 0 : index
              %swap3A_549 = tpu.vector_load %arg7[%swap3A, %swap3A_548] {strides = array<i32>} : memref<800x64xf32, #tpu.memory_space<vmem>>, vector<16xf32>,
              tpu.vector_store %arg7[%swap3A, %swap3A_548], %broadcast_in_dim3A_412 {strides = array<i32>} : memref<800x64xf32, #tpu.memory_space<vmem>>, vector<16xf32>,
              %mul3A_550 = arith.constant 16 : i32
              %mul3A_551 = arith.muli %scan3A_419, %mul3A_550 : i32
              %add3A_552 = arith.constant 3 : i32
              %add3A_553 = arith.addi %mul3A_551, %add3A_552 : i32
              %swap3A_554 = arith.index_cast %add3A_553 : i32 to index
              %swap3A_555 = arith.constant 16 : index
              %swap3A_556 = tpu.vector_load %arg7[%swap3A_554, %swap3A_555] {strides = array<i32>} : memref<800x64xf32, #tpu.memory_space<vmem>>, vector<16xf32>,
              tpu.vector_store %arg7[%swap3A_554, %swap3A_555], %broadcast_in_dim3A_412 {strides = array<i32>} : memref<800x64xf32, #tpu.memory_space<vmem>>, vector<16xf32>,
              %mul3A_557 = arith.constant 16 : i32
              %mul3A_558 = arith.muli %scan3A_419, %mul3A_557 : i32
              %add3A_559 = arith.constant 3 : i32
              %add3A_560 = arith.addi %mul3A_558, %add3A_559 : i32
              %swap3A_561 = arith.index_cast %add3A_560 : i32 to index
              %swap3A_562 = arith.constant 32 : index
              %swap3A_563 = tpu.vector_load %arg7[%swap3A_561, %swap3A_562] {strides = array<i32>} : memref<800x64xf32, #tpu.memory_space<vmem>>, vector<16xf32>,
              tpu.vector_store %arg7[%swap3A_561, %swap3A_562], %broadcast_in_dim3A_412 {strides = array<i32>} : memref<800x64xf32, #tpu.memory_space<vmem>>, vector<16xf32>,
              %mul3A_564 = arith.constant 16 : i32
              %mul3A_565 = arith.muli %scan3A_419, %mul3A_564 : i32
              %add3A_566 = arith.constant 3 : i32
              %add3A_567 = arith.addi %mul3A_565, %add3A_566 : i32
              %swap3A_568 = arith.index_cast %add3A_567 : i32 to index
              %swap3A_569 = arith.constant 48 : index
              %swap3A_570 = tpu.vector_load %arg7[%swap3A_568, %swap3A_569] {strides = array<i32>} : memref<800x64xf32, #tpu.memory_space<vmem>>, vector<16xf32>,
              tpu.vector_store %arg7[%swap3A_568, %swap3A_569], %broadcast_in_dim3A_412 {strides = array<i32>} : memref<800x64xf32, #tpu.memory_space<vmem>>, vector<16xf32>,
            } else {
            }
            %slice3A_460 = vector.extract_strided_slice %get3A_422 {offsets = [4], sizes = [1], strides = [1]} : vector<16xi32> to vector<1xi32>
            %squeeze3A_461 = vector.extract %slice3A_460[0] : i32 from vector<1xi32>
            %eq3A_462 = arith.constant 0 : i32
            %eq3A_463 = arith.cmpi eq, %squeeze3A_461, %eq3A_462 : i32
            %convert_element_type3A_464 = arith.extui %eq3A_463 : i1 to i32
            %cond3A_465 = arith.constant 0 : i32
            %cond3A_466 = arith.cmpi ne, %convert_element_type3A_464, %cond3A_465 : i32
            scf.if %cond3A_466 {
              %mul3A_544 = arith.constant 16 : i32
              %mul3A_545 = arith.muli %scan3A_419, %mul3A_544 : i32
              %add3A_546 = arith.constant 4 : i32
              %add3A_547 = arith.addi %mul3A_545, %add3A_546 : i32
              %swap3A = arith.index_cast %add3A_547 : i32 to index
              %swap3A_548 = arith.constant 0 : index
              %swap3A_549 = tpu.vector_load %arg7[%swap3A, %swap3A_548] {strides = array<i32>} : memref<800x64xf32, #tpu.memory_space<vmem>>, vector<16xf32>,
              tpu.vector_store %arg7[%swap3A, %swap3A_548], %broadcast_in_dim3A_412 {strides = array<i32>} : memref<800x64xf32, #tpu.memory_space<vmem>>, vector<16xf32>,
              %mul3A_550 = arith.constant 16 : i32
              %mul3A_551 = arith.muli %scan3A_419, %mul3A_550 : i32
              %add3A_552 = arith.constant 4 : i32
              %add3A_553 = arith.addi %mul3A_551, %add3A_552 : i32
              %swap3A_554 = arith.index_cast %add3A_553 : i32 to index
              %swap3A_555 = arith.constant 16 : index
              %swap3A_556 = tpu.vector_load %arg7[%swap3A_554, %swap3A_555] {strides = array<i32>} : memref<800x64xf32, #tpu.memory_space<vmem>>, vector<16xf32>,
              tpu.vector_store %arg7[%swap3A_554, %swap3A_555], %broadcast_in_dim3A_412 {strides = array<i32>} : memref<800x64xf32, #tpu.memory_space<vmem>>, vector<16xf32>,
              %mul3A_557 = arith.constant 16 : i32
              %mul3A_558 = arith.muli %scan3A_419, %mul3A_557 : i32
              %add3A_559 = arith.constant 4 : i32
              %add3A_560 = arith.addi %mul3A_558, %add3A_559 : i32
              %swap3A_561 = arith.index_cast %add3A_560 : i32 to index
              %swap3A_562 = arith.constant 32 : index
              %swap3A_563 = tpu.vector_load %arg7[%swap3A_561, %swap3A_562] {strides = array<i32>} : memref<800x64xf32, #tpu.memory_space<vmem>>, vector<16xf32>,
              tpu.vector_store %arg7[%swap3A_561, %swap3A_562], %broadcast_in_dim3A_412 {strides = array<i32>} : memref<800x64xf32, #tpu.memory_space<vmem>>, vector<16xf32>,
              %mul3A_564 = arith.constant 16 : i32
              %mul3A_565 = arith.muli %scan3A_419, %mul3A_564 : i32
              %add3A_566 = arith.constant 4 : i32
              %add3A_567 = arith.addi %mul3A_565, %add3A_566 : i32
              %swap3A_568 = arith.index_cast %add3A_567 : i32 to index
              %swap3A_569 = arith.constant 48 : index
              %swap3A_570 = tpu.vector_load %arg7[%swap3A_568, %swap3A_569] {strides = array<i32>} : memref<800x64xf32, #tpu.memory_space<vmem>>, vector<16xf32>,
              tpu.vector_store %arg7[%swap3A_568, %swap3A_569], %broadcast_in_dim3A_412 {strides = array<i32>} : memref<800x64xf32, #tpu.memory_space<vmem>>, vector<16xf32>,
            } else {
            }
            %slice3A_467 = vector.extract_strided_slice %get3A_422 {offsets = [5], sizes = [1], strides = [1]} : vector<16xi32> to vector<1xi32>
            %squeeze3A_468 = vector.extract %slice3A_467[0] : i32 from vector<1xi32>
            %eq3A_469 = arith.constant 0 : i32
            %eq3A_470 = arith.cmpi eq, %squeeze3A_468, %eq3A_469 : i32
            %convert_element_type3A_471 = arith.extui %eq3A_470 : i1 to i32
            %cond3A_472 = arith.constant 0 : i32
            %cond3A_473 = arith.cmpi ne, %convert_element_type3A_471, %cond3A_472 : i32
            scf.if %cond3A_473 {
              %mul3A_544 = arith.constant 16 : i32
              %mul3A_545 = arith.muli %scan3A_419, %mul3A_544 : i32
              %add3A_546 = arith.constant 5 : i32
              %add3A_547 = arith.addi %mul3A_545, %add3A_546 : i32
              %swap3A = arith.index_cast %add3A_547 : i32 to index
              %swap3A_548 = arith.constant 0 : index
              %swap3A_549 = tpu.vector_load %arg7[%swap3A, %swap3A_548] {strides = array<i32>} : memref<800x64xf32, #tpu.memory_space<vmem>>, vector<16xf32>,
              tpu.vector_store %arg7[%swap3A, %swap3A_548], %broadcast_in_dim3A_412 {strides = array<i32>} : memref<800x64xf32, #tpu.memory_space<vmem>>, vector<16xf32>,
              %mul3A_550 = arith.constant 16 : i32
              %mul3A_551 = arith.muli %scan3A_419, %mul3A_550 : i32
              %add3A_552 = arith.constant 5 : i32
              %add3A_553 = arith.addi %mul3A_551, %add3A_552 : i32
              %swap3A_554 = arith.index_cast %add3A_553 : i32 to index
              %swap3A_555 = arith.constant 16 : index
              %swap3A_556 = tpu.vector_load %arg7[%swap3A_554, %swap3A_555] {strides = array<i32>} : memref<800x64xf32, #tpu.memory_space<vmem>>, vector<16xf32>,
              tpu.vector_store %arg7[%swap3A_554, %swap3A_555], %broadcast_in_dim3A_412 {strides = array<i32>} : memref<800x64xf32, #tpu.memory_space<vmem>>, vector<16xf32>,
              %mul3A_557 = arith.constant 16 : i32
              %mul3A_558 = arith.muli %scan3A_419, %mul3A_557 : i32
              %add3A_559 = arith.constant 5 : i32
              %add3A_560 = arith.addi %mul3A_558, %add3A_559 : i32
              %swap3A_561 = arith.index_cast %add3A_560 : i32 to index
              %swap3A_562 = arith.constant 32 : index
              %swap3A_563 = tpu.vector_load %arg7[%swap3A_561, %swap3A_562] {strides = array<i32>} : memref<800x64xf32, #tpu.memory_space<vmem>>, vector<16xf32>,
              tpu.vector_store %arg7[%swap3A_561, %swap3A_562], %broadcast_in_dim3A_412 {strides = array<i32>} : memref<800x64xf32, #tpu.memory_space<vmem>>, vector<16xf32>,
              %mul3A_564 = arith.constant 16 : i32
              %mul3A_565 = arith.muli %scan3A_419, %mul3A_564 : i32
              %add3A_566 = arith.constant 5 : i32
              %add3A_567 = arith.addi %mul3A_565, %add3A_566 : i32
              %swap3A_568 = arith.index_cast %add3A_567 : i32 to index
              %swap3A_569 = arith.constant 48 : index
              %swap3A_570 = tpu.vector_load %arg7[%swap3A_568, %swap3A_569] {strides = array<i32>} : memref<800x64xf32, #tpu.memory_space<vmem>>, vector<16xf32>,
              tpu.vector_store %arg7[%swap3A_568, %swap3A_569], %broadcast_in_dim3A_412 {strides = array<i32>} : memref<800x64xf32, #tpu.memory_space<vmem>>, vector<16xf32>,
            } else {
            }
            %slice3A_474 = vector.extract_strided_slice %get3A_422 {offsets = [6], sizes = [1], strides = [1]} : vector<16xi32> to vector<1xi32>
            %squeeze3A_475 = vector.extract %slice3A_474[0] : i32 from vector<1xi32>
            %eq3A_476 = arith.constant 0 : i32
            %eq3A_477 = arith.cmpi eq, %squeeze3A_475, %eq3A_476 : i32
            %convert_element_type3A_478 = arith.extui %eq3A_477 : i1 to i32
            %cond3A_479 = arith.constant 0 : i32
            %cond3A_480 = arith.cmpi ne, %convert_element_type3A_478, %cond3A_479 : i32
            scf.if %cond3A_480 {
              %mul3A_544 = arith.constant 16 : i32
              %mul3A_545 = arith.muli %scan3A_419, %mul3A_544 : i32
              %add3A_546 = arith.constant 6 : i32
              %add3A_547 = arith.addi %mul3A_545, %add3A_546 : i32
              %swap3A = arith.index_cast %add3A_547 : i32 to index
              %swap3A_548 = arith.constant 0 : index
              %swap3A_549 = tpu.vector_load %arg7[%swap3A, %swap3A_548] {strides = array<i32>} : memref<800x64xf32, #tpu.memory_space<vmem>>, vector<16xf32>,
              tpu.vector_store %arg7[%swap3A, %swap3A_548], %broadcast_in_dim3A_412 {strides = array<i32>} : memref<800x64xf32, #tpu.memory_space<vmem>>, vector<16xf32>,
              %mul3A_550 = arith.constant 16 : i32
              %mul3A_551 = arith.muli %scan3A_419, %mul3A_550 : i32
              %add3A_552 = arith.constant 6 : i32
              %add3A_553 = arith.addi %mul3A_551, %add3A_552 : i32
              %swap3A_554 = arith.index_cast %add3A_553 : i32 to index
              %swap3A_555 = arith.constant 16 : index
              %swap3A_556 = tpu.vector_load %arg7[%swap3A_554, %swap3A_555] {strides = array<i32>} : memref<800x64xf32, #tpu.memory_space<vmem>>, vector<16xf32>,
              tpu.vector_store %arg7[%swap3A_554, %swap3A_555], %broadcast_in_dim3A_412 {strides = array<i32>} : memref<800x64xf32, #tpu.memory_space<vmem>>, vector<16xf32>,
              %mul3A_557 = arith.constant 16 : i32
              %mul3A_558 = arith.muli %scan3A_419, %mul3A_557 : i32
              %add3A_559 = arith.constant 6 : i32
              %add3A_560 = arith.addi %mul3A_558, %add3A_559 : i32
              %swap3A_561 = arith.index_cast %add3A_560 : i32 to index
              %swap3A_562 = arith.constant 32 : index
              %swap3A_563 = tpu.vector_load %arg7[%swap3A_561, %swap3A_562] {strides = array<i32>} : memref<800x64xf32, #tpu.memory_space<vmem>>, vector<16xf32>,
              tpu.vector_store %arg7[%swap3A_561, %swap3A_562], %broadcast_in_dim3A_412 {strides = array<i32>} : memref<800x64xf32, #tpu.memory_space<vmem>>, vector<16xf32>,
              %mul3A_564 = arith.constant 16 : i32
              %mul3A_565 = arith.muli %scan3A_419, %mul3A_564 : i32
              %add3A_566 = arith.constant 6 : i32
              %add3A_567 = arith.addi %mul3A_565, %add3A_566 : i32
              %swap3A_568 = arith.index_cast %add3A_567 : i32 to index
              %swap3A_569 = arith.constant 48 : index
              %swap3A_570 = tpu.vector_load %arg7[%swap3A_568, %swap3A_569] {strides = array<i32>} : memref<800x64xf32, #tpu.memory_space<vmem>>, vector<16xf32>,
              tpu.vector_store %arg7[%swap3A_568, %swap3A_569], %broadcast_in_dim3A_412 {strides = array<i32>} : memref<800x64xf32, #tpu.memory_space<vmem>>, vector<16xf32>,
            } else {
            }
            %slice3A_481 = vector.extract_strided_slice %get3A_422 {offsets = [7], sizes = [1], strides = [1]} : vector<16xi32> to vector<1xi32>
            %squeeze3A_482 = vector.extract %slice3A_481[0] : i32 from vector<1xi32>
            %eq3A_483 = arith.constant 0 : i32
            %eq3A_484 = arith.cmpi eq, %squeeze3A_482, %eq3A_483 : i32
            %convert_element_type3A_485 = arith.extui %eq3A_484 : i1 to i32
            %cond3A_486 = arith.constant 0 : i32
            %cond3A_487 = arith.cmpi ne, %convert_element_type3A_485, %cond3A_486 : i32
            scf.if %cond3A_487 {
              %mul3A_544 = arith.constant 16 : i32
              %mul3A_545 = arith.muli %scan3A_419, %mul3A_544 : i32
              %add3A_546 = arith.constant 7 : i32
              %add3A_547 = arith.addi %mul3A_545, %add3A_546 : i32
              %swap3A = arith.index_cast %add3A_547 : i32 to index
              %swap3A_548 = arith.constant 0 : index
              %swap3A_549 = tpu.vector_load %arg7[%swap3A, %swap3A_548] {strides = array<i32>} : memref<800x64xf32, #tpu.memory_space<vmem>>, vector<16xf32>,
              tpu.vector_store %arg7[%swap3A, %swap3A_548], %broadcast_in_dim3A_412 {strides = array<i32>} : memref<800x64xf32, #tpu.memory_space<vmem>>, vector<16xf32>,
              %mul3A_550 = arith.constant 16 : i32
              %mul3A_551 = arith.muli %scan3A_419, %mul3A_550 : i32
              %add3A_552 = arith.constant 7 : i32
              %add3A_553 = arith.addi %mul3A_551, %add3A_552 : i32
              %swap3A_554 = arith.index_cast %add3A_553 : i32 to index
              %swap3A_555 = arith.constant 16 : index
              %swap3A_556 = tpu.vector_load %arg7[%swap3A_554, %swap3A_555] {strides = array<i32>} : memref<800x64xf32, #tpu.memory_space<vmem>>, vector<16xf32>,
              tpu.vector_store %arg7[%swap3A_554, %swap3A_555], %broadcast_in_dim3A_412 {strides = array<i32>} : memref<800x64xf32, #tpu.memory_space<vmem>>, vector<16xf32>,
              %mul3A_557 = arith.constant 16 : i32
              %mul3A_558 = arith.muli %scan3A_419, %mul3A_557 : i32
              %add3A_559 = arith.constant 7 : i32
              %add3A_560 = arith.addi %mul3A_558, %add3A_559 : i32
              %swap3A_561 = arith.index_cast %add3A_560 : i32 to index
              %swap3A_562 = arith.constant 32 : index
              %swap3A_563 = tpu.vector_load %arg7[%swap3A_561, %swap3A_562] {strides = array<i32>} : memref<800x64xf32, #tpu.memory_space<vmem>>, vector<16xf32>,
              tpu.vector_store %arg7[%swap3A_561, %swap3A_562], %broadcast_in_dim3A_412 {strides = array<i32>} : memref<800x64xf32, #tpu.memory_space<vmem>>, vector<16xf32>,
              %mul3A_564 = arith.constant 16 : i32
              %mul3A_565 = arith.muli %scan3A_419, %mul3A_564 : i32
              %add3A_566 = arith.constant 7 : i32
              %add3A_567 = arith.addi %mul3A_565, %add3A_566 : i32
              %swap3A_568 = arith.index_cast %add3A_567 : i32 to index
              %swap3A_569 = arith.constant 48 : index
              %swap3A_570 = tpu.vector_load %arg7[%swap3A_568, %swap3A_569] {strides = array<i32>} : memref<800x64xf32, #tpu.memory_space<vmem>>, vector<16xf32>,
              tpu.vector_store %arg7[%swap3A_568, %swap3A_569], %broadcast_in_dim3A_412 {strides = array<i32>} : memref<800x64xf32, #tpu.memory_space<vmem>>, vector<16xf32>,
            } else {
            }
            %slice3A_488 = vector.extract_strided_slice %get3A_422 {offsets = [8], sizes = [1], strides = [1]} : vector<16xi32> to vector<1xi32>
            %squeeze3A_489 = vector.extract %slice3A_488[0] : i32 from vector<1xi32>
            %eq3A_490 = arith.constant 0 : i32
            %eq3A_491 = arith.cmpi eq, %squeeze3A_489, %eq3A_490 : i32
            %convert_element_type3A_492 = arith.extui %eq3A_491 : i1 to i32
            %cond3A_493 = arith.constant 0 : i32
            %cond3A_494 = arith.cmpi ne, %convert_element_type3A_492, %cond3A_493 : i32
            scf.if %cond3A_494 {
              %mul3A_544 = arith.constant 16 : i32
              %mul3A_545 = arith.muli %scan3A_419, %mul3A_544 : i32
              %add3A_546 = arith.constant 8 : i32
              %add3A_547 = arith.addi %mul3A_545, %add3A_546 : i32
              %swap3A = arith.index_cast %add3A_547 : i32 to index
              %swap3A_548 = arith.constant 0 : index
              %swap3A_549 = tpu.vector_load %arg7[%swap3A, %swap3A_548] {strides = array<i32>} : memref<800x64xf32, #tpu.memory_space<vmem>>, vector<16xf32>,
              tpu.vector_store %arg7[%swap3A, %swap3A_548], %broadcast_in_dim3A_412 {strides = array<i32>} : memref<800x64xf32, #tpu.memory_space<vmem>>, vector<16xf32>,
              %mul3A_550 = arith.constant 16 : i32
              %mul3A_551 = arith.muli %scan3A_419, %mul3A_550 : i32
              %add3A_552 = arith.constant 8 : i32
              %add3A_553 = arith.addi %mul3A_551, %add3A_552 : i32
              %swap3A_554 = arith.index_cast %add3A_553 : i32 to index
              %swap3A_555 = arith.constant 16 : index
              %swap3A_556 = tpu.vector_load %arg7[%swap3A_554, %swap3A_555] {strides = array<i32>} : memref<800x64xf32, #tpu.memory_space<vmem>>, vector<16xf32>,
              tpu.vector_store %arg7[%swap3A_554, %swap3A_555], %broadcast_in_dim3A_412 {strides = array<i32>} : memref<800x64xf32, #tpu.memory_space<vmem>>, vector<16xf32>,
              %mul3A_557 = arith.constant 16 : i32
              %mul3A_558 = arith.muli %scan3A_419, %mul3A_557 : i32
              %add3A_559 = arith.constant 8 : i32
              %add3A_560 = arith.addi %mul3A_558, %add3A_559 : i32
              %swap3A_561 = arith.index_cast %add3A_560 : i32 to index
              %swap3A_562 = arith.constant 32 : index
              %swap3A_563 = tpu.vector_load %arg7[%swap3A_561, %swap3A_562] {strides = array<i32>} : memref<800x64xf32, #tpu.memory_space<vmem>>, vector<16xf32>,
              tpu.vector_store %arg7[%swap3A_561, %swap3A_562], %broadcast_in_dim3A_412 {strides = array<i32>} : memref<800x64xf32, #tpu.memory_space<vmem>>, vector<16xf32>,
              %mul3A_564 = arith.constant 16 : i32
              %mul3A_565 = arith.muli %scan3A_419, %mul3A_564 : i32
              %add3A_566 = arith.constant 8 : i32
              %add3A_567 = arith.addi %mul3A_565, %add3A_566 : i32
              %swap3A_568 = arith.index_cast %add3A_567 : i32 to index
              %swap3A_569 = arith.constant 48 : index
              %swap3A_570 = tpu.vector_load %arg7[%swap3A_568, %swap3A_569] {strides = array<i32>} : memref<800x64xf32, #tpu.memory_space<vmem>>, vector<16xf32>,
              tpu.vector_store %arg7[%swap3A_568, %swap3A_569], %broadcast_in_dim3A_412 {strides = array<i32>} : memref<800x64xf32, #tpu.memory_space<vmem>>, vector<16xf32>,
            } else {
            }
            %slice3A_495 = vector.extract_strided_slice %get3A_422 {offsets = [9], sizes = [1], strides = [1]} : vector<16xi32> to vector<1xi32>
            %squeeze3A_496 = vector.extract %slice3A_495[0] : i32 from vector<1xi32>
            %eq3A_497 = arith.constant 0 : i32
            %eq3A_498 = arith.cmpi eq, %squeeze3A_496, %eq3A_497 : i32
            %convert_element_type3A_499 = arith.extui %eq3A_498 : i1 to i32
            %cond3A_500 = arith.constant 0 : i32
            %cond3A_501 = arith.cmpi ne, %convert_element_type3A_499, %cond3A_500 : i32
            scf.if %cond3A_501 {
              %mul3A_544 = arith.constant 16 : i32
              %mul3A_545 = arith.muli %scan3A_419, %mul3A_544 : i32
              %add3A_546 = arith.constant 9 : i32
              %add3A_547 = arith.addi %mul3A_545, %add3A_546 : i32
              %swap3A = arith.index_cast %add3A_547 : i32 to index
              %swap3A_548 = arith.constant 0 : index
              %swap3A_549 = tpu.vector_load %arg7[%swap3A, %swap3A_548] {strides = array<i32>} : memref<800x64xf32, #tpu.memory_space<vmem>>, vector<16xf32>,
              tpu.vector_store %arg7[%swap3A, %swap3A_548], %broadcast_in_dim3A_412 {strides = array<i32>} : memref<800x64xf32, #tpu.memory_space<vmem>>, vector<16xf32>,
              %mul3A_550 = arith.constant 16 : i32
              %mul3A_551 = arith.muli %scan3A_419, %mul3A_550 : i32
              %add3A_552 = arith.constant 9 : i32
              %add3A_553 = arith.addi %mul3A_551, %add3A_552 : i32
              %swap3A_554 = arith.index_cast %add3A_553 : i32 to index
              %swap3A_555 = arith.constant 16 : index
              %swap3A_556 = tpu.vector_load %arg7[%swap3A_554, %swap3A_555] {strides = array<i32>} : memref<800x64xf32, #tpu.memory_space<vmem>>, vector<16xf32>,
              tpu.vector_store %arg7[%swap3A_554, %swap3A_555], %broadcast_in_dim3A_412 {strides = array<i32>} : memref<800x64xf32, #tpu.memory_space<vmem>>, vector<16xf32>,
              %mul3A_557 = arith.constant 16 : i32
              %mul3A_558 = arith.muli %scan3A_419, %mul3A_557 : i32
              %add3A_559 = arith.constant 9 : i32
              %add3A_560 = arith.addi %mul3A_558, %add3A_559 : i32
              %swap3A_561 = arith.index_cast %add3A_560 : i32 to index
              %swap3A_562 = arith.constant 32 : index
              %swap3A_563 = tpu.vector_load %arg7[%swap3A_561, %swap3A_562] {strides = array<i32>} : memref<800x64xf32, #tpu.memory_space<vmem>>, vector<16xf32>,
              tpu.vector_store %arg7[%swap3A_561, %swap3A_562], %broadcast_in_dim3A_412 {strides = array<i32>} : memref<800x64xf32, #tpu.memory_space<vmem>>, vector<16xf32>,
              %mul3A_564 = arith.constant 16 : i32
              %mul3A_565 = arith.muli %scan3A_419, %mul3A_564 : i32
              %add3A_566 = arith.constant 9 : i32
              %add3A_567 = arith.addi %mul3A_565, %add3A_566 : i32
              %swap3A_568 = arith.index_cast %add3A_567 : i32 to index
              %swap3A_569 = arith.constant 48 : index
              %swap3A_570 = tpu.vector_load %arg7[%swap3A_568, %swap3A_569] {strides = array<i32>} : memref<800x64xf32, #tpu.memory_space<vmem>>, vector<16xf32>,
              tpu.vector_store %arg7[%swap3A_568, %swap3A_569], %broadcast_in_dim3A_412 {strides = array<i32>} : memref<800x64xf32, #tpu.memory_space<vmem>>, vector<16xf32>,
            } else {
            }
            %slice3A_502 = vector.extract_strided_slice %get3A_422 {offsets = [10], sizes = [1], strides = [1]} : vector<16xi32> to vector<1xi32>
            %squeeze3A_503 = vector.extract %slice3A_502[0] : i32 from vector<1xi32>
            %eq3A_504 = arith.constant 0 : i32
            %eq3A_505 = arith.cmpi eq, %squeeze3A_503, %eq3A_504 : i32
            %convert_element_type3A_506 = arith.extui %eq3A_505 : i1 to i32
            %cond3A_507 = arith.constant 0 : i32
            %cond3A_508 = arith.cmpi ne, %convert_element_type3A_506, %cond3A_507 : i32
            scf.if %cond3A_508 {
              %mul3A_544 = arith.constant 16 : i32
              %mul3A_545 = arith.muli %scan3A_419, %mul3A_544 : i32
              %add3A_546 = arith.constant 10 : i32
              %add3A_547 = arith.addi %mul3A_545, %add3A_546 : i32
              %swap3A = arith.index_cast %add3A_547 : i32 to index
              %swap3A_548 = arith.constant 0 : index
              %swap3A_549 = tpu.vector_load %arg7[%swap3A, %swap3A_548] {strides = array<i32>} : memref<800x64xf32, #tpu.memory_space<vmem>>, vector<16xf32>,
              tpu.vector_store %arg7[%swap3A, %swap3A_548], %broadcast_in_dim3A_412 {strides = array<i32>} : memref<800x64xf32, #tpu.memory_space<vmem>>, vector<16xf32>,
              %mul3A_550 = arith.constant 16 : i32
              %mul3A_551 = arith.muli %scan3A_419, %mul3A_550 : i32
              %add3A_552 = arith.constant 10 : i32
              %add3A_553 = arith.addi %mul3A_551, %add3A_552 : i32
              %swap3A_554 = arith.index_cast %add3A_553 : i32 to index
              %swap3A_555 = arith.constant 16 : index
              %swap3A_556 = tpu.vector_load %arg7[%swap3A_554, %swap3A_555] {strides = array<i32>} : memref<800x64xf32, #tpu.memory_space<vmem>>, vector<16xf32>,
              tpu.vector_store %arg7[%swap3A_554, %swap3A_555], %broadcast_in_dim3A_412 {strides = array<i32>} : memref<800x64xf32, #tpu.memory_space<vmem>>, vector<16xf32>,
              %mul3A_557 = arith.constant 16 : i32
              %mul3A_558 = arith.muli %scan3A_419, %mul3A_557 : i32
              %add3A_559 = arith.constant 10 : i32
              %add3A_560 = arith.addi %mul3A_558, %add3A_559 : i32
              %swap3A_561 = arith.index_cast %add3A_560 : i32 to index
              %swap3A_562 = arith.constant 32 : index
              %swap3A_563 = tpu.vector_load %arg7[%swap3A_561, %swap3A_562] {strides = array<i32>} : memref<800x64xf32, #tpu.memory_space<vmem>>, vector<16xf32>,
              tpu.vector_store %arg7[%swap3A_561, %swap3A_562], %broadcast_in_dim3A_412 {strides = array<i32>} : memref<800x64xf32, #tpu.memory_space<vmem>>, vector<16xf32>,
              %mul3A_564 = arith.constant 16 : i32
              %mul3A_565 = arith.muli %scan3A_419, %mul3A_564 : i32
              %add3A_566 = arith.constant 10 : i32
              %add3A_567 = arith.addi %mul3A_565, %add3A_566 : i32
              %swap3A_568 = arith.index_cast %add3A_567 : i32 to index
              %swap3A_569 = arith.constant 48 : index
              %swap3A_570 = tpu.vector_load %arg7[%swap3A_568, %swap3A_569] {strides = array<i32>} : memref<800x64xf32, #tpu.memory_space<vmem>>, vector<16xf32>,
              tpu.vector_store %arg7[%swap3A_568, %swap3A_569], %broadcast_in_dim3A_412 {strides = array<i32>} : memref<800x64xf32, #tpu.memory_space<vmem>>, vector<16xf32>,
            } else {
            }
            %slice3A_509 = vector.extract_strided_slice %get3A_422 {offsets = [11], sizes = [1], strides = [1]} : vector<16xi32> to vector<1xi32>
            %squeeze3A_510 = vector.extract %slice3A_509[0] : i32 from vector<1xi32>
            %eq3A_511 = arith.constant 0 : i32
            %eq3A_512 = arith.cmpi eq, %squeeze3A_510, %eq3A_511 : i32
            %convert_element_type3A_513 = arith.extui %eq3A_512 : i1 to i32
            %cond3A_514 = arith.constant 0 : i32
            %cond3A_515 = arith.cmpi ne, %convert_element_type3A_513, %cond3A_514 : i32
            scf.if %cond3A_515 {
              %mul3A_544 = arith.constant 16 : i32
              %mul3A_545 = arith.muli %scan3A_419, %mul3A_544 : i32
              %add3A_546 = arith.constant 11 : i32
              %add3A_547 = arith.addi %mul3A_545, %add3A_546 : i32
              %swap3A = arith.index_cast %add3A_547 : i32 to index
              %swap3A_548 = arith.constant 0 : index
              %swap3A_549 = tpu.vector_load %arg7[%swap3A, %swap3A_548] {strides = array<i32>} : memref<800x64xf32, #tpu.memory_space<vmem>>, vector<16xf32>,
              tpu.vector_store %arg7[%swap3A, %swap3A_548], %broadcast_in_dim3A_412 {strides = array<i32>} : memref<800x64xf32, #tpu.memory_space<vmem>>, vector<16xf32>,
              %mul3A_550 = arith.constant 16 : i32
              %mul3A_551 = arith.muli %scan3A_419, %mul3A_550 : i32
              %add3A_552 = arith.constant 11 : i32
              %add3A_553 = arith.addi %mul3A_551, %add3A_552 : i32
              %swap3A_554 = arith.index_cast %add3A_553 : i32 to index
              %swap3A_555 = arith.constant 16 : index
              %swap3A_556 = tpu.vector_load %arg7[%swap3A_554, %swap3A_555] {strides = array<i32>} : memref<800x64xf32, #tpu.memory_space<vmem>>, vector<16xf32>,
              tpu.vector_store %arg7[%swap3A_554, %swap3A_555], %broadcast_in_dim3A_412 {strides = array<i32>} : memref<800x64xf32, #tpu.memory_space<vmem>>, vector<16xf32>,
              %mul3A_557 = arith.constant 16 : i32
              %mul3A_558 = arith.muli %scan3A_419, %mul3A_557 : i32
              %add3A_559 = arith.constant 11 : i32
              %add3A_560 = arith.addi %mul3A_558, %add3A_559 : i32
              %swap3A_561 = arith.index_cast %add3A_560 : i32 to index
              %swap3A_562 = arith.constant 32 : index
              %swap3A_563 = tpu.vector_load %arg7[%swap3A_561, %swap3A_562] {strides = array<i32>} : memref<800x64xf32, #tpu.memory_space<vmem>>, vector<16xf32>,
              tpu.vector_store %arg7[%swap3A_561, %swap3A_562], %broadcast_in_dim3A_412 {strides = array<i32>} : memref<800x64xf32, #tpu.memory_space<vmem>>, vector<16xf32>,
              %mul3A_564 = arith.constant 16 : i32
              %mul3A_565 = arith.muli %scan3A_419, %mul3A_564 : i32
              %add3A_566 = arith.constant 11 : i32
              %add3A_567 = arith.addi %mul3A_565, %add3A_566 : i32
              %swap3A_568 = arith.index_cast %add3A_567 : i32 to index
              %swap3A_569 = arith.constant 48 : index
              %swap3A_570 = tpu.vector_load %arg7[%swap3A_568, %swap3A_569] {strides = array<i32>} : memref<800x64xf32, #tpu.memory_space<vmem>>, vector<16xf32>,
              tpu.vector_store %arg7[%swap3A_568, %swap3A_569], %broadcast_in_dim3A_412 {strides = array<i32>} : memref<800x64xf32, #tpu.memory_space<vmem>>, vector<16xf32>,
            } else {
            }
            %slice3A_516 = vector.extract_strided_slice %get3A_422 {offsets = [12], sizes = [1], strides = [1]} : vector<16xi32> to vector<1xi32>
            %squeeze3A_517 = vector.extract %slice3A_516[0] : i32 from vector<1xi32>
            %eq3A_518 = arith.constant 0 : i32
            %eq3A_519 = arith.cmpi eq, %squeeze3A_517, %eq3A_518 : i32
            %convert_element_type3A_520 = arith.extui %eq3A_519 : i1 to i32
            %cond3A_521 = arith.constant 0 : i32
            %cond3A_522 = arith.cmpi ne, %convert_element_type3A_520, %cond3A_521 : i32
            scf.if %cond3A_522 {
              %mul3A_544 = arith.constant 16 : i32
              %mul3A_545 = arith.muli %scan3A_419, %mul3A_544 : i32
              %add3A_546 = arith.constant 12 : i32
              %add3A_547 = arith.addi %mul3A_545, %add3A_546 : i32
              %swap3A = arith.index_cast %add3A_547 : i32 to index
              %swap3A_548 = arith.constant 0 : index
              %swap3A_549 = tpu.vector_load %arg7[%swap3A, %swap3A_548] {strides = array<i32>} : memref<800x64xf32, #tpu.memory_space<vmem>>, vector<16xf32>,
              tpu.vector_store %arg7[%swap3A, %swap3A_548], %broadcast_in_dim3A_412 {strides = array<i32>} : memref<800x64xf32, #tpu.memory_space<vmem>>, vector<16xf32>,
              %mul3A_550 = arith.constant 16 : i32
              %mul3A_551 = arith.muli %scan3A_419, %mul3A_550 : i32
              %add3A_552 = arith.constant 12 : i32
              %add3A_553 = arith.addi %mul3A_551, %add3A_552 : i32
              %swap3A_554 = arith.index_cast %add3A_553 : i32 to index
              %swap3A_555 = arith.constant 16 : index
              %swap3A_556 = tpu.vector_load %arg7[%swap3A_554, %swap3A_555] {strides = array<i32>} : memref<800x64xf32, #tpu.memory_space<vmem>>, vector<16xf32>,
              tpu.vector_store %arg7[%swap3A_554, %swap3A_555], %broadcast_in_dim3A_412 {strides = array<i32>} : memref<800x64xf32, #tpu.memory_space<vmem>>, vector<16xf32>,
              %mul3A_557 = arith.constant 16 : i32
              %mul3A_558 = arith.muli %scan3A_419, %mul3A_557 : i32
              %add3A_559 = arith.constant 12 : i32
              %add3A_560 = arith.addi %mul3A_558, %add3A_559 : i32
              %swap3A_561 = arith.index_cast %add3A_560 : i32 to index
              %swap3A_562 = arith.constant 32 : index
              %swap3A_563 = tpu.vector_load %arg7[%swap3A_561, %swap3A_562] {strides = array<i32>} : memref<800x64xf32, #tpu.memory_space<vmem>>, vector<16xf32>,
              tpu.vector_store %arg7[%swap3A_561, %swap3A_562], %broadcast_in_dim3A_412 {strides = array<i32>} : memref<800x64xf32, #tpu.memory_space<vmem>>, vector<16xf32>,
              %mul3A_564 = arith.constant 16 : i32
              %mul3A_565 = arith.muli %scan3A_419, %mul3A_564 : i32
              %add3A_566 = arith.constant 12 : i32
              %add3A_567 = arith.addi %mul3A_565, %add3A_566 : i32
              %swap3A_568 = arith.index_cast %add3A_567 : i32 to index
              %swap3A_569 = arith.constant 48 : index
              %swap3A_570 = tpu.vector_load %arg7[%swap3A_568, %swap3A_569] {strides = array<i32>} : memref<800x64xf32, #tpu.memory_space<vmem>>, vector<16xf32>,
              tpu.vector_store %arg7[%swap3A_568, %swap3A_569], %broadcast_in_dim3A_412 {strides = array<i32>} : memref<800x64xf32, #tpu.memory_space<vmem>>, vector<16xf32>,
            } else {
            }
            %slice3A_523 = vector.extract_strided_slice %get3A_422 {offsets = [13], sizes = [1], strides = [1]} : vector<16xi32> to vector<1xi32>
            %squeeze3A_524 = vector.extract %slice3A_523[0] : i32 from vector<1xi32>
            %eq3A_525 = arith.constant 0 : i32
            %eq3A_526 = arith.cmpi eq, %squeeze3A_524, %eq3A_525 : i32
            %convert_element_type3A_527 = arith.extui %eq3A_526 : i1 to i32
            %cond3A_528 = arith.constant 0 : i32
            %cond3A_529 = arith.cmpi ne, %convert_element_type3A_527, %cond3A_528 : i32
            scf.if %cond3A_529 {
              %mul3A_544 = arith.constant 16 : i32
              %mul3A_545 = arith.muli %scan3A_419, %mul3A_544 : i32
              %add3A_546 = arith.constant 13 : i32
              %add3A_547 = arith.addi %mul3A_545, %add3A_546 : i32
              %swap3A = arith.index_cast %add3A_547 : i32 to index
              %swap3A_548 = arith.constant 0 : index
              %swap3A_549 = tpu.vector_load %arg7[%swap3A, %swap3A_548] {strides = array<i32>} : memref<800x64xf32, #tpu.memory_space<vmem>>, vector<16xf32>,
              tpu.vector_store %arg7[%swap3A, %swap3A_548], %broadcast_in_dim3A_412 {strides = array<i32>} : memref<800x64xf32, #tpu.memory_space<vmem>>, vector<16xf32>,
              %mul3A_550 = arith.constant 16 : i32
              %mul3A_551 = arith.muli %scan3A_419, %mul3A_550 : i32
              %add3A_552 = arith.constant 13 : i32
              %add3A_553 = arith.addi %mul3A_551, %add3A_552 : i32
              %swap3A_554 = arith.index_cast %add3A_553 : i32 to index
              %swap3A_555 = arith.constant 16 : index
              %swap3A_556 = tpu.vector_load %arg7[%swap3A_554, %swap3A_555] {strides = array<i32>} : memref<800x64xf32, #tpu.memory_space<vmem>>, vector<16xf32>,
              tpu.vector_store %arg7[%swap3A_554, %swap3A_555], %broadcast_in_dim3A_412 {strides = array<i32>} : memref<800x64xf32, #tpu.memory_space<vmem>>, vector<16xf32>,
              %mul3A_557 = arith.constant 16 : i32
              %mul3A_558 = arith.muli %scan3A_419, %mul3A_557 : i32
              %add3A_559 = arith.constant 13 : i32
              %add3A_560 = arith.addi %mul3A_558, %add3A_559 : i32
              %swap3A_561 = arith.index_cast %add3A_560 : i32 to index
              %swap3A_562 = arith.constant 32 : index
              %swap3A_563 = tpu.vector_load %arg7[%swap3A_561, %swap3A_562] {strides = array<i32>} : memref<800x64xf32, #tpu.memory_space<vmem>>, vector<16xf32>,
              tpu.vector_store %arg7[%swap3A_561, %swap3A_562], %broadcast_in_dim3A_412 {strides = array<i32>} : memref<800x64xf32, #tpu.memory_space<vmem>>, vector<16xf32>,
              %mul3A_564 = arith.constant 16 : i32
              %mul3A_565 = arith.muli %scan3A_419, %mul3A_564 : i32
              %add3A_566 = arith.constant 13 : i32
              %add3A_567 = arith.addi %mul3A_565, %add3A_566 : i32
              %swap3A_568 = arith.index_cast %add3A_567 : i32 to index
              %swap3A_569 = arith.constant 48 : index
              %swap3A_570 = tpu.vector_load %arg7[%swap3A_568, %swap3A_569] {strides = array<i32>} : memref<800x64xf32, #tpu.memory_space<vmem>>, vector<16xf32>,
              tpu.vector_store %arg7[%swap3A_568, %swap3A_569], %broadcast_in_dim3A_412 {strides = array<i32>} : memref<800x64xf32, #tpu.memory_space<vmem>>, vector<16xf32>,
            } else {
            }
            %slice3A_530 = vector.extract_strided_slice %get3A_422 {offsets = [14], sizes = [1], strides = [1]} : vector<16xi32> to vector<1xi32>
            %squeeze3A_531 = vector.extract %slice3A_530[0] : i32 from vector<1xi32>
            %eq3A_532 = arith.constant 0 : i32
            %eq3A_533 = arith.cmpi eq, %squeeze3A_531, %eq3A_532 : i32
            %convert_element_type3A_534 = arith.extui %eq3A_533 : i1 to i32
            %cond3A_535 = arith.constant 0 : i32
            %cond3A_536 = arith.cmpi ne, %convert_element_type3A_534, %cond3A_535 : i32
            scf.if %cond3A_536 {
              %mul3A_544 = arith.constant 16 : i32
              %mul3A_545 = arith.muli %scan3A_419, %mul3A_544 : i32
              %add3A_546 = arith.constant 14 : i32
              %add3A_547 = arith.addi %mul3A_545, %add3A_546 : i32
              %swap3A = arith.index_cast %add3A_547 : i32 to index
              %swap3A_548 = arith.constant 0 : index
              %swap3A_549 = tpu.vector_load %arg7[%swap3A, %swap3A_548] {strides = array<i32>} : memref<800x64xf32, #tpu.memory_space<vmem>>, vector<16xf32>,
              tpu.vector_store %arg7[%swap3A, %swap3A_548], %broadcast_in_dim3A_412 {strides = array<i32>} : memref<800x64xf32, #tpu.memory_space<vmem>>, vector<16xf32>,
              %mul3A_550 = arith.constant 16 : i32
              %mul3A_551 = arith.muli %scan3A_419, %mul3A_550 : i32
              %add3A_552 = arith.constant 14 : i32
              %add3A_553 = arith.addi %mul3A_551, %add3A_552 : i32
              %swap3A_554 = arith.index_cast %add3A_553 : i32 to index
              %swap3A_555 = arith.constant 16 : index
              %swap3A_556 = tpu.vector_load %arg7[%swap3A_554, %swap3A_555] {strides = array<i32>} : memref<800x64xf32, #tpu.memory_space<vmem>>, vector<16xf32>,
              tpu.vector_store %arg7[%swap3A_554, %swap3A_555], %broadcast_in_dim3A_412 {strides = array<i32>} : memref<800x64xf32, #tpu.memory_space<vmem>>, vector<16xf32>,
              %mul3A_557 = arith.constant 16 : i32
              %mul3A_558 = arith.muli %scan3A_419, %mul3A_557 : i32
              %add3A_559 = arith.constant 14 : i32
              %add3A_560 = arith.addi %mul3A_558, %add3A_559 : i32
              %swap3A_561 = arith.index_cast %add3A_560 : i32 to index
              %swap3A_562 = arith.constant 32 : index
              %swap3A_563 = tpu.vector_load %arg7[%swap3A_561, %swap3A_562] {strides = array<i32>} : memref<800x64xf32, #tpu.memory_space<vmem>>, vector<16xf32>,
              tpu.vector_store %arg7[%swap3A_561, %swap3A_562], %broadcast_in_dim3A_412 {strides = array<i32>} : memref<800x64xf32, #tpu.memory_space<vmem>>, vector<16xf32>,
              %mul3A_564 = arith.constant 16 : i32
              %mul3A_565 = arith.muli %scan3A_419, %mul3A_564 : i32
              %add3A_566 = arith.constant 14 : i32
              %add3A_567 = arith.addi %mul3A_565, %add3A_566 : i32
              %swap3A_568 = arith.index_cast %add3A_567 : i32 to index
              %swap3A_569 = arith.constant 48 : index
              %swap3A_570 = tpu.vector_load %arg7[%swap3A_568, %swap3A_569] {strides = array<i32>} : memref<800x64xf32, #tpu.memory_space<vmem>>, vector<16xf32>,
              tpu.vector_store %arg7[%swap3A_568, %swap3A_569], %broadcast_in_dim3A_412 {strides = array<i32>} : memref<800x64xf32, #tpu.memory_space<vmem>>, vector<16xf32>,
            } else {
            }
            %slice3A_537 = vector.extract_strided_slice %get3A_422 {offsets = [15], sizes = [1], strides = [1]} : vector<16xi32> to vector<1xi32>
            %squeeze3A_538 = vector.extract %slice3A_537[0] : i32 from vector<1xi32>
            %eq3A_539 = arith.constant 0 : i32
            %eq3A_540 = arith.cmpi eq, %squeeze3A_538, %eq3A_539 : i32
            %convert_element_type3A_541 = arith.extui %eq3A_540 : i1 to i32
            %cond3A_542 = arith.constant 0 : i32
            %cond3A_543 = arith.cmpi ne, %convert_element_type3A_541, %cond3A_542 : i32
            scf.if %cond3A_543 {
              %mul3A_544 = arith.constant 16 : i32
              %mul3A_545 = arith.muli %scan3A_419, %mul3A_544 : i32
              %add3A_546 = arith.constant 15 : i32
              %add3A_547 = arith.addi %mul3A_545, %add3A_546 : i32
              %swap3A = arith.index_cast %add3A_547 : i32 to index
              %swap3A_548 = arith.constant 0 : index
              %swap3A_549 = tpu.vector_load %arg7[%swap3A, %swap3A_548] {strides = array<i32>} : memref<800x64xf32, #tpu.memory_space<vmem>>, vector<16xf32>,
              tpu.vector_store %arg7[%swap3A, %swap3A_548], %broadcast_in_dim3A_412 {strides = array<i32>} : memref<800x64xf32, #tpu.memory_space<vmem>>, vector<16xf32>,
              %mul3A_550 = arith.constant 16 : i32
              %mul3A_551 = arith.muli %scan3A_419, %mul3A_550 : i32
              %add3A_552 = arith.constant 15 : i32
              %add3A_553 = arith.addi %mul3A_551, %add3A_552 : i32
              %swap3A_554 = arith.index_cast %add3A_553 : i32 to index
              %swap3A_555 = arith.constant 16 : index
              %swap3A_556 = tpu.vector_load %arg7[%swap3A_554, %swap3A_555] {strides = array<i32>} : memref<800x64xf32, #tpu.memory_space<vmem>>, vector<16xf32>,
              tpu.vector_store %arg7[%swap3A_554, %swap3A_555], %broadcast_in_dim3A_412 {strides = array<i32>} : memref<800x64xf32, #tpu.memory_space<vmem>>, vector<16xf32>,
              %mul3A_557 = arith.constant 16 : i32
              %mul3A_558 = arith.muli %scan3A_419, %mul3A_557 : i32
              %add3A_559 = arith.constant 15 : i32
              %add3A_560 = arith.addi %mul3A_558, %add3A_559 : i32
              %swap3A_561 = arith.index_cast %add3A_560 : i32 to index
              %swap3A_562 = arith.constant 32 : index
              %swap3A_563 = tpu.vector_load %arg7[%swap3A_561, %swap3A_562] {strides = array<i32>} : memref<800x64xf32, #tpu.memory_space<vmem>>, vector<16xf32>,
              tpu.vector_store %arg7[%swap3A_561, %swap3A_562], %broadcast_in_dim3A_412 {strides = array<i32>} : memref<800x64xf32, #tpu.memory_space<vmem>>, vector<16xf32>,
              %mul3A_564 = arith.constant 16 : i32
              %mul3A_565 = arith.muli %scan3A_419, %mul3A_564 : i32
              %add3A_566 = arith.constant 15 : i32
              %add3A_567 = arith.addi %mul3A_565, %add3A_566 : i32
              %swap3A_568 = arith.index_cast %add3A_567 : i32 to index
              %swap3A_569 = arith.constant 48 : index
              %swap3A_570 = tpu.vector_load %arg7[%swap3A_568, %swap3A_569] {strides = array<i32>} : memref<800x64xf32, #tpu.memory_space<vmem>>, vector<16xf32>,
              tpu.vector_store %arg7[%swap3A_568, %swap3A_569], %broadcast_in_dim3A_412 {strides = array<i32>} : memref<800x64xf32, #tpu.memory_space<vmem>>, vector<16xf32>,
            } else {
            }
          } else {
          }
        }
        %scan3A_418 = arith.constant 50 : i32
      } else {
      }
      %mul3A_198 = arith.constant 800 : i32
      %mul3A_199 = arith.muli %add3A_185, %mul3A_198 : i32
      %add3A_200 = arith.addi %mul3A_2, %mul3A_199 : i32
      %jit3A_201 = arith.constant 200 : i32
      %div3A_202 = arith.divsi %add3A_200, %jit3A_201 : i32
      %sign3A_203 = arith.constant 0 : i32
      %sign3A_204 = arith.cmpi sgt, %add3A_200, %sign3A_203 : i32
      %sign3A_205 = arith.extui %sign3A_204 : i1 to i32
      %sign3A_206 = arith.constant 0 : i32
      %sign3A_207 = arith.cmpi slt, %add3A_200, %sign3A_206 : i32
      %sign3A_208 = arith.extui %sign3A_207 : i1 to i32
      %sign3A_209 = arith.subi %sign3A_205, %sign3A_208 : i32
      %sign3A_210 = arith.constant 0 : i32
      %sign3A_211 = arith.cmpi sgt, %jit3A_201, %sign3A_210 : i32
      %sign3A_212 = arith.extui %sign3A_211 : i1 to i32
      %sign3A_213 = arith.constant 0 : i32
      %sign3A_214 = arith.cmpi slt, %jit3A_201, %sign3A_213 : i32
      %sign3A_215 = arith.extui %sign3A_214 : i1 to i32
      %sign3A_216 = arith.subi %sign3A_212, %sign3A_215 : i32
      %ne3A_217 = arith.cmpi ne, %sign3A_209, %sign3A_216 : i32
      %rem3A_218 = arith.remsi %add3A_200, %jit3A_201 : i32
      %ne3A_219 = arith.constant 0 : i32
      %ne3A_220 = arith.cmpi ne, %rem3A_218, %ne3A_219 : i32
      %and3A_221 = arith.andi %ne3A_217, %ne3A_220 : i1
      %sub3A_222 = arith.constant 1 : i32
      %sub3A_223 = arith.subi %div3A_202, %sub3A_222 : i32
      %select_n3A_224 = arith.select %and3A_221, %sub3A_223, %div3A_202 : i32
      %add3A_225 = arith.constant 0 : i32
      %add3A_226 = arith.addi %select_n3A_224, %add3A_225 : i32
      %dma_start3A_227 = arith.constant 0 : i32
      %dma_start3A_228 = arith.constant 0 : i32
      %dma_start3A_229 = tpu.memref_slice %arg7[%dma_start3A_227, %dma_start3A_228] : memref<800x64xf32, #tpu.memory_space<vmem>> -> memref<200x64xf32, #tpu.memory_space<vmem>>
      %dma_start3A_230 = arith.constant 0 : i32
      %dma_start3A_231 = arith.constant 0 : i32
      %dma_start3A_232 = tpu.memref_slice %arg4[%add3A_226, %dma_start3A_230, %dma_start3A_231] : memref<4096x200x128xf32, #tpu.memory_space<hbm>> -> memref<1x200x64xf32, #tpu.memory_space<hbm>>
      %dma_start3A_233 = tpu.memref_squeeze %dma_start3A_232 : memref<1x200x64xf32, #tpu.memory_space<hbm>> -> memref<200x64xf32, #tpu.memory_space<hbm>>
      %dma_start3A_234 = arith.constant 0 : i32
      %dma_start3A_235 = arith.constant 0 : i32
      %dma_start3A_236 = tpu.memref_slice %arg4[%add3A_226, %dma_start3A_234, %dma_start3A_235] : memref<4096x200x128xf32, #tpu.memory_space<hbm>> -> memref<1x200x64xf32, #tpu.memory_space<hbm>>
      %dma_start3A_237 = tpu.memref_squeeze %dma_start3A_236 : memref<1x200x64xf32, #tpu.memory_space<hbm>> -> memref<200x64xf32, #tpu.memory_space<hbm>>
      %dma_start3A_238 = arith.constant 0 : i32
      %dma_start3A_239 = arith.constant 0 : i32
      %dma_start3A_240 = tpu.memref_slice %arg7[%dma_start3A_238, %dma_start3A_239] : memref<800x64xf32, #tpu.memory_space<vmem>> -> memref<200x64xf32, #tpu.memory_space<vmem>>
      tpu.enqueue_dma source(%dma_start3A_240 : memref<200x64xf32, #tpu.memory_space<vmem>>) target(%dma_start3A_237 : memref<200x64xf32, #tpu.memory_space<hbm>>) target_semaphore(%arg11 : memref<!tpu.dma_semaphore, #tpu.memory_space<semaphore_mem>>)
      %add3A_241 = arith.constant 1 : i32
      %add3A_242 = arith.addi %select_n3A_224, %add3A_241 : i32
      %dma_start3A_243 = arith.constant 200 : i32
      %dma_start3A_244 = arith.constant 0 : i32
      %dma_start3A_245 = tpu.memref_slice %arg7[%dma_start3A_243, %dma_start3A_244] : memref<800x64xf32, #tpu.memory_space<vmem>> -> memref<200x64xf32, #tpu.memory_space<vmem>>
      %dma_start3A_246 = arith.constant 0 : i32
      %dma_start3A_247 = arith.constant 0 : i32
      %dma_start3A_248 = tpu.memref_slice %arg4[%add3A_242, %dma_start3A_246, %dma_start3A_247] : memref<4096x200x128xf32, #tpu.memory_space<hbm>> -> memref<1x200x64xf32, #tpu.memory_space<hbm>>
      %dma_start3A_249 = tpu.memref_squeeze %dma_start3A_248 : memref<1x200x64xf32, #tpu.memory_space<hbm>> -> memref<200x64xf32, #tpu.memory_space<hbm>>
      %dma_start3A_250 = arith.constant 0 : i32
      %dma_start3A_251 = arith.constant 0 : i32
      %dma_start3A_252 = tpu.memref_slice %arg4[%add3A_242, %dma_start3A_250, %dma_start3A_251] : memref<4096x200x128xf32, #tpu.memory_space<hbm>> -> memref<1x200x64xf32, #tpu.memory_space<hbm>>
      %dma_start3A_253 = tpu.memref_squeeze %dma_start3A_252 : memref<1x200x64xf32, #tpu.memory_space<hbm>> -> memref<200x64xf32, #tpu.memory_space<hbm>>
      %dma_start3A_254 = arith.constant 200 : i32
      %dma_start3A_255 = arith.constant 0 : i32
      %dma_start3A_256 = tpu.memref_slice %arg7[%dma_start3A_254, %dma_start3A_255] : memref<800x64xf32, #tpu.memory_space<vmem>> -> memref<200x64xf32, #tpu.memory_space<vmem>>
      tpu.enqueue_dma source(%dma_start3A_256 : memref<200x64xf32, #tpu.memory_space<vmem>>) target(%dma_start3A_253 : memref<200x64xf32, #tpu.memory_space<hbm>>) target_semaphore(%arg11 : memref<!tpu.dma_semaphore, #tpu.memory_space<semaphore_mem>>)
      %add3A_257 = arith.constant 2 : i32
      %add3A_258 = arith.addi %select_n3A_224, %add3A_257 : i32
      %dma_start3A_259 = arith.constant 400 : i32
      %dma_start3A_260 = arith.constant 0 : i32
      %dma_start3A_261 = tpu.memref_slice %arg7[%dma_start3A_259, %dma_start3A_260] : memref<800x64xf32, #tpu.memory_space<vmem>> -> memref<200x64xf32, #tpu.memory_space<vmem>>
      %dma_start3A_262 = arith.constant 0 : i32
      %dma_start3A_263 = arith.constant 0 : i32
      %dma_start3A_264 = tpu.memref_slice %arg4[%add3A_258, %dma_start3A_262, %dma_start3A_263] : memref<4096x200x128xf32, #tpu.memory_space<hbm>> -> memref<1x200x64xf32, #tpu.memory_space<hbm>>
      %dma_start3A_265 = tpu.memref_squeeze %dma_start3A_264 : memref<1x200x64xf32, #tpu.memory_space<hbm>> -> memref<200x64xf32, #tpu.memory_space<hbm>>
      %dma_start3A_266 = arith.constant 0 : i32
      %dma_start3A_267 = arith.constant 0 : i32
      %dma_start3A_268 = tpu.memref_slice %arg4[%add3A_258, %dma_start3A_266, %dma_start3A_267] : memref<4096x200x128xf32, #tpu.memory_space<hbm>> -> memref<1x200x64xf32, #tpu.memory_space<hbm>>
      %dma_start3A_269 = tpu.memref_squeeze %dma_start3A_268 : memref<1x200x64xf32, #tpu.memory_space<hbm>> -> memref<200x64xf32, #tpu.memory_space<hbm>>
      %dma_start3A_270 = arith.constant 400 : i32
      %dma_start3A_271 = arith.constant 0 : i32
      %dma_start3A_272 = tpu.memref_slice %arg7[%dma_start3A_270, %dma_start3A_271] : memref<800x64xf32, #tpu.memory_space<vmem>> -> memref<200x64xf32, #tpu.memory_space<vmem>>
      tpu.enqueue_dma source(%dma_start3A_272 : memref<200x64xf32, #tpu.memory_space<vmem>>) target(%dma_start3A_269 : memref<200x64xf32, #tpu.memory_space<hbm>>) target_semaphore(%arg11 : memref<!tpu.dma_semaphore, #tpu.memory_space<semaphore_mem>>)
      %add3A_273 = arith.constant 3 : i32
      %add3A_274 = arith.addi %select_n3A_224, %add3A_273 : i32
      %dma_start3A_275 = arith.constant 600 : i32
      %dma_start3A_276 = arith.constant 0 : i32
      %dma_start3A_277 = tpu.memref_slice %arg7[%dma_start3A_275, %dma_start3A_276] : memref<800x64xf32, #tpu.memory_space<vmem>> -> memref<200x64xf32, #tpu.memory_space<vmem>>
      %dma_start3A_278 = arith.constant 0 : i32
      %dma_start3A_279 = arith.constant 0 : i32
      %dma_start3A_280 = tpu.memref_slice %arg4[%add3A_274, %dma_start3A_278, %dma_start3A_279] : memref<4096x200x128xf32, #tpu.memory_space<hbm>> -> memref<1x200x64xf32, #tpu.memory_space<hbm>>
      %dma_start3A_281 = tpu.memref_squeeze %dma_start3A_280 : memref<1x200x64xf32, #tpu.memory_space<hbm>> -> memref<200x64xf32, #tpu.memory_space<hbm>>
      %dma_start3A_282 = arith.constant 0 : i32
      %dma_start3A_283 = arith.constant 0 : i32
      %dma_start3A_284 = tpu.memref_slice %arg4[%add3A_274, %dma_start3A_282, %dma_start3A_283] : memref<4096x200x128xf32, #tpu.memory_space<hbm>> -> memref<1x200x64xf32, #tpu.memory_space<hbm>>
      %dma_start3A_285 = tpu.memref_squeeze %dma_start3A_284 : memref<1x200x64xf32, #tpu.memory_space<hbm>> -> memref<200x64xf32, #tpu.memory_space<hbm>>
      %dma_start3A_286 = arith.constant 600 : i32
      %dma_start3A_287 = arith.constant 0 : i32
      %dma_start3A_288 = tpu.memref_slice %arg7[%dma_start3A_286, %dma_start3A_287] : memref<800x64xf32, #tpu.memory_space<vmem>> -> memref<200x64xf32, #tpu.memory_space<vmem>>
      tpu.enqueue_dma source(%dma_start3A_288 : memref<200x64xf32, #tpu.memory_space<vmem>>) target(%dma_start3A_285 : memref<200x64xf32, #tpu.memory_space<hbm>>) target_semaphore(%arg11 : memref<!tpu.dma_semaphore, #tpu.memory_space<semaphore_mem>>)
      %add3A_289 = arith.constant 1 : i32
      %add3A_290 = arith.addi %add3A_185, %add3A_289 : i32
      %lt3A = arith.constant 32 : i32
      %lt3A_291 = arith.cmpi slt, %add3A_290, %lt3A : i32
      %convert_element_type3A_292 = arith.extui %lt3A_291 : i1 to i32
      %cond3A_293 = arith.constant 0 : i32
      %cond3A_294 = arith.cmpi ne, %convert_element_type3A_292, %cond3A_293 : i32
      scf.if %cond3A_294 {
        %ge3A = arith.constant 1 : i32
        %ge3A_412 = arith.cmpi sge, %add3A_185, %ge3A : i32
        %convert_element_type3A_413 = arith.extui %ge3A_412 : i1 to i32
        %cond3A_414 = arith.constant 0 : i32
        %cond3A_415 = arith.cmpi ne, %convert_element_type3A_413, %cond3A_414 : i32
        scf.if %cond3A_415 {
          %sub3A_424 = arith.constant 1 : i32
          %sub3A_425 = arith.subi %add3A_185, %sub3A_424 : i32
          %mul3A_426 = arith.constant 800 : i32
          %mul3A_427 = arith.muli %sub3A_425, %mul3A_426 : i32
          %add3A_428 = arith.addi %mul3A_2, %mul3A_427 : i32
          %jit3A_429 = arith.constant 200 : i32
          %div3A_430 = arith.divsi %add3A_428, %jit3A_429 : i32
          %sign3A_431 = arith.constant 0 : i32
          %sign3A_432 = arith.cmpi sgt, %add3A_428, %sign3A_431 : i32
          %sign3A_433 = arith.extui %sign3A_432 : i1 to i32
          %sign3A_434 = arith.constant 0 : i32
          %sign3A_435 = arith.cmpi slt, %add3A_428, %sign3A_434 : i32
          %sign3A_436 = arith.extui %sign3A_435 : i1 to i32
          %sign3A_437 = arith.subi %sign3A_433, %sign3A_436 : i32
          %sign3A_438 = arith.constant 0 : i32
          %sign3A_439 = arith.cmpi sgt, %jit3A_429, %sign3A_438 : i32
          %sign3A_440 = arith.extui %sign3A_439 : i1 to i32
          %sign3A_441 = arith.constant 0 : i32
          %sign3A_442 = arith.cmpi slt, %jit3A_429, %sign3A_441 : i32
          %sign3A_443 = arith.extui %sign3A_442 : i1 to i32
          %sign3A_444 = arith.subi %sign3A_440, %sign3A_443 : i32
          %ne3A_445 = arith.cmpi ne, %sign3A_437, %sign3A_444 : i32
          %rem3A_446 = arith.remsi %add3A_428, %jit3A_429 : i32
          %ne3A_447 = arith.constant 0 : i32
          %ne3A_448 = arith.cmpi ne, %rem3A_446, %ne3A_447 : i32
          %and3A_449 = arith.andi %ne3A_445, %ne3A_448 : i1
          %sub3A_450 = arith.constant 1 : i32
          %sub3A_451 = arith.subi %div3A_430, %sub3A_450 : i32
          %select_n3A_452 = arith.select %and3A_449, %sub3A_451, %div3A_430 : i32
          %add3A_453 = arith.constant 0 : i32
          %add3A_454 = arith.addi %select_n3A_452, %add3A_453 : i32
          %dma_wait3A_455 = arith.constant 0 : i32
          %dma_wait3A_456 = arith.constant 0 : i32
          %dma_wait3A_457 = tpu.memref_slice %arg8[%dma_wait3A_455, %dma_wait3A_456] : memref<800x64xf32, #tpu.memory_space<vmem>> -> memref<200x64xf32, #tpu.memory_space<vmem>>
          %dma_wait3A_458 = arith.constant 0 : i32
          %dma_wait3A_459 = arith.constant 0 : i32
          %dma_wait3A_460 = tpu.memref_slice %arg4[%add3A_454, %dma_wait3A_458, %dma_wait3A_459] : memref<4096x200x128xf32, #tpu.memory_space<hbm>> -> memref<1x200x64xf32, #tpu.memory_space<hbm>>
          %dma_wait3A_461 = tpu.memref_squeeze %dma_wait3A_460 : memref<1x200x64xf32, #tpu.memory_space<hbm>> -> memref<200x64xf32, #tpu.memory_space<hbm>>
          %dma_wait3A_462 = arith.constant 0 : i32
          %dma_wait3A_463 = arith.constant 0 : i32
          %dma_wait3A_464 = tpu.memref_slice %arg4[%add3A_454, %dma_wait3A_462, %dma_wait3A_463] : memref<4096x200x128xf32, #tpu.memory_space<hbm>> -> memref<1x200x64xf32, #tpu.memory_space<hbm>>
          %dma_wait3A_465 = tpu.memref_squeeze %dma_wait3A_464 : memref<1x200x64xf32, #tpu.memory_space<hbm>> -> memref<200x64xf32, #tpu.memory_space<hbm>>
          %dma_wait3A_466 = arith.constant 0 : i32
          %dma_wait3A_467 = arith.constant 0 : i32
          %dma_wait3A_468 = tpu.memref_slice %arg8[%dma_wait3A_466, %dma_wait3A_467] : memref<800x64xf32, #tpu.memory_space<vmem>> -> memref<200x64xf32, #tpu.memory_space<vmem>>
          tpu.wait_dma2 semaphore(%arg12 : memref<!tpu.dma_semaphore, #tpu.memory_space<semaphore_mem>>) src(%dma_wait3A_468 : memref<200x64xf32, #tpu.memory_space<vmem>>) dst(%dma_wait3A_465 : memref<200x64xf32, #tpu.memory_space<hbm>>)
          %add3A_469 = arith.constant 1 : i32
          %add3A_470 = arith.addi %select_n3A_452, %add3A_469 : i32
          %dma_wait3A_471 = arith.constant 200 : i32
          %dma_wait3A_472 = arith.constant 0 : i32
          %dma_wait3A_473 = tpu.memref_slice %arg8[%dma_wait3A_471, %dma_wait3A_472] : memref<800x64xf32, #tpu.memory_space<vmem>> -> memref<200x64xf32, #tpu.memory_space<vmem>>
          %dma_wait3A_474 = arith.constant 0 : i32
          %dma_wait3A_475 = arith.constant 0 : i32
          %dma_wait3A_476 = tpu.memref_slice %arg4[%add3A_470, %dma_wait3A_474, %dma_wait3A_475] : memref<4096x200x128xf32, #tpu.memory_space<hbm>> -> memref<1x200x64xf32, #tpu.memory_space<hbm>>
          %dma_wait3A_477 = tpu.memref_squeeze %dma_wait3A_476 : memref<1x200x64xf32, #tpu.memory_space<hbm>> -> memref<200x64xf32, #tpu.memory_space<hbm>>
          %dma_wait3A_478 = arith.constant 0 : i32
          %dma_wait3A_479 = arith.constant 0 : i32
          %dma_wait3A_480 = tpu.memref_slice %arg4[%add3A_470, %dma_wait3A_478, %dma_wait3A_479] : memref<4096x200x128xf32, #tpu.memory_space<hbm>> -> memref<1x200x64xf32, #tpu.memory_space<hbm>>
          %dma_wait3A_481 = tpu.memref_squeeze %dma_wait3A_480 : memref<1x200x64xf32, #tpu.memory_space<hbm>> -> memref<200x64xf32, #tpu.memory_space<hbm>>
          %dma_wait3A_482 = arith.constant 200 : i32
          %dma_wait3A_483 = arith.constant 0 : i32
          %dma_wait3A_484 = tpu.memref_slice %arg8[%dma_wait3A_482, %dma_wait3A_483] : memref<800x64xf32, #tpu.memory_space<vmem>> -> memref<200x64xf32, #tpu.memory_space<vmem>>
          tpu.wait_dma2 semaphore(%arg12 : memref<!tpu.dma_semaphore, #tpu.memory_space<semaphore_mem>>) src(%dma_wait3A_484 : memref<200x64xf32, #tpu.memory_space<vmem>>) dst(%dma_wait3A_481 : memref<200x64xf32, #tpu.memory_space<hbm>>)
          %add3A_485 = arith.constant 2 : i32
          %add3A_486 = arith.addi %select_n3A_452, %add3A_485 : i32
          %dma_wait3A_487 = arith.constant 400 : i32
          %dma_wait3A_488 = arith.constant 0 : i32
          %dma_wait3A_489 = tpu.memref_slice %arg8[%dma_wait3A_487, %dma_wait3A_488] : memref<800x64xf32, #tpu.memory_space<vmem>> -> memref<200x64xf32, #tpu.memory_space<vmem>>
          %dma_wait3A_490 = arith.constant 0 : i32
          %dma_wait3A_491 = arith.constant 0 : i32
          %dma_wait3A_492 = tpu.memref_slice %arg4[%add3A_486, %dma_wait3A_490, %dma_wait3A_491] : memref<4096x200x128xf32, #tpu.memory_space<hbm>> -> memref<1x200x64xf32, #tpu.memory_space<hbm>>
          %dma_wait3A_493 = tpu.memref_squeeze %dma_wait3A_492 : memref<1x200x64xf32, #tpu.memory_space<hbm>> -> memref<200x64xf32, #tpu.memory_space<hbm>>
          %dma_wait3A_494 = arith.constant 0 : i32
          %dma_wait3A_495 = arith.constant 0 : i32
          %dma_wait3A_496 = tpu.memref_slice %arg4[%add3A_486, %dma_wait3A_494, %dma_wait3A_495] : memref<4096x200x128xf32, #tpu.memory_space<hbm>> -> memref<1x200x64xf32, #tpu.memory_space<hbm>>
          %dma_wait3A_497 = tpu.memref_squeeze %dma_wait3A_496 : memref<1x200x64xf32, #tpu.memory_space<hbm>> -> memref<200x64xf32, #tpu.memory_space<hbm>>
          %dma_wait3A_498 = arith.constant 400 : i32
          %dma_wait3A_499 = arith.constant 0 : i32
          %dma_wait3A_500 = tpu.memref_slice %arg8[%dma_wait3A_498, %dma_wait3A_499] : memref<800x64xf32, #tpu.memory_space<vmem>> -> memref<200x64xf32, #tpu.memory_space<vmem>>
          tpu.wait_dma2 semaphore(%arg12 : memref<!tpu.dma_semaphore, #tpu.memory_space<semaphore_mem>>) src(%dma_wait3A_500 : memref<200x64xf32, #tpu.memory_space<vmem>>) dst(%dma_wait3A_497 : memref<200x64xf32, #tpu.memory_space<hbm>>)
          %add3A_501 = arith.constant 3 : i32
          %add3A_502 = arith.addi %select_n3A_452, %add3A_501 : i32
          %dma_wait3A_503 = arith.constant 600 : i32
          %dma_wait3A_504 = arith.constant 0 : i32
          %dma_wait3A_505 = tpu.memref_slice %arg8[%dma_wait3A_503, %dma_wait3A_504] : memref<800x64xf32, #tpu.memory_space<vmem>> -> memref<200x64xf32, #tpu.memory_space<vmem>>
          %dma_wait3A_506 = arith.constant 0 : i32
          %dma_wait3A_507 = arith.constant 0 : i32
          %dma_wait3A_508 = tpu.memref_slice %arg4[%add3A_502, %dma_wait3A_506, %dma_wait3A_507] : memref<4096x200x128xf32, #tpu.memory_space<hbm>> -> memref<1x200x64xf32, #tpu.memory_space<hbm>>
          %dma_wait3A_509 = tpu.memref_squeeze %dma_wait3A_508 : memref<1x200x64xf32, #tpu.memory_space<hbm>> -> memref<200x64xf32, #tpu.memory_space<hbm>>
          %dma_wait3A_510 = arith.constant 0 : i32
          %dma_wait3A_511 = arith.constant 0 : i32
          %dma_wait3A_512 = tpu.memref_slice %arg4[%add3A_502, %dma_wait3A_510, %dma_wait3A_511] : memref<4096x200x128xf32, #tpu.memory_space<hbm>> -> memref<1x200x64xf32, #tpu.memory_space<hbm>>
          %dma_wait3A_513 = tpu.memref_squeeze %dma_wait3A_512 : memref<1x200x64xf32, #tpu.memory_space<hbm>> -> memref<200x64xf32, #tpu.memory_space<hbm>>
          %dma_wait3A_514 = arith.constant 600 : i32
          %dma_wait3A_515 = arith.constant 0 : i32
          %dma_wait3A_516 = tpu.memref_slice %arg8[%dma_wait3A_514, %dma_wait3A_515] : memref<800x64xf32, #tpu.memory_space<vmem>> -> memref<200x64xf32, #tpu.memory_space<vmem>>
          tpu.wait_dma2 semaphore(%arg12 : memref<!tpu.dma_semaphore, #tpu.memory_space<semaphore_mem>>) src(%dma_wait3A_516 : memref<200x64xf32, #tpu.memory_space<vmem>>) dst(%dma_wait3A_513 : memref<200x64xf32, #tpu.memory_space<hbm>>)
        } else {
        }
        %add3A_416 = arith.constant 1 : i32
        %add3A_417 = arith.addi %add3A_185, %add3A_416 : i32
        %mul3A_418 = arith.constant 800 : i32
        %mul3A_419 = arith.muli %add3A_417, %mul3A_418 : i32
        %add3A_420 = arith.addi %mul3A_2, %mul3A_419 : i32
        "tpu.region"() ({
          %run_scoped3A = tpu.sem_alloc : memref<!tpu.dma_semaphore, #tpu.memory_space<semaphore_mem>>
          %dma_start3A_424 = tpu.memref_slice %arg2[%add3A_420] : memref<819200xi32, #tpu.memory_space<hbm>> -> memref<800xi32, #tpu.memory_space<hbm>>
          %dma_start3A_425 = tpu.memref_slice %arg2[%add3A_420] : memref<819200xi32, #tpu.memory_space<hbm>> -> memref<800xi32, #tpu.memory_space<hbm>>
          tpu.enqueue_dma source(%dma_start3A_425 : memref<800xi32, #tpu.memory_space<hbm>>) target(%arg6 : memref<800xi32, #tpu.memory_space<vmem>>) target_semaphore(%run_scoped3A : memref<!tpu.dma_semaphore, #tpu.memory_space<semaphore_mem>>)
          %dma_wait3A_426 = tpu.memref_slice %arg2[%add3A_420] : memref<819200xi32, #tpu.memory_space<hbm>> -> memref<800xi32, #tpu.memory_space<hbm>>
          %dma_wait3A_427 = tpu.memref_slice %arg2[%add3A_420] : memref<819200xi32, #tpu.memory_space<hbm>> -> memref<800xi32, #tpu.memory_space<hbm>>
          tpu.wait_dma2 semaphore(%run_scoped3A : memref<!tpu.dma_semaphore, #tpu.memory_space<semaphore_mem>>) src(%dma_wait3A_427 : memref<800xi32, #tpu.memory_space<hbm>>) dst(%arg6 : memref<800xi32, #tpu.memory_space<vmem>>)
          tpu.yield
        }) : () -> ()
        %dma_start3A_421 = arith.constant 0 : i32
        %dma_start3A_422 = arith.constant 0 : i32
        %dma_start3A_423 = tpu.memref_slice %arg3[%dma_start3A_421, %dma_start3A_422] : memref<1000000x64xf32, #tpu.memory_space<hbm>> -> memref<1000000x64xf32, #tpu.memory_space<hbm>>
        tpu.enqueue_indirect_dma source(%dma_start3A_423 : memref<1000000x64xf32, #tpu.memory_space<hbm>>) target(%arg8 : memref<800x64xf32, #tpu.memory_space<vmem>>) offsets(%arg6 : memref<800xi32, #tpu.memory_space<vmem>>) semaphore(%arg10 : memref<!tpu.dma_semaphore, #tpu.memory_space<semaphore_mem>>)
      } else {
      }
      %mul3A_295 = arith.constant 2 : i32
      %mul3A_296 = arith.muli %scan3A_181, %mul3A_295 : i32
      %add3A_297 = arith.constant 1 : i32
      %add3A_298 = arith.addi %mul3A_296, %add3A_297 : i32
      %dma_wait3A_299 = arith.constant 0 : i32
      %dma_wait3A_300 = arith.constant 0 : i32
      %dma_wait3A_301 = tpu.memref_slice %arg3[%dma_wait3A_299, %dma_wait3A_300] : memref<1000000x64xf32, #tpu.memory_space<hbm>> -> memref<1000000x64xf32, #tpu.memory_space<hbm>>
      tpu.wait_indirect_dma semaphore(%arg10 : memref<!tpu.dma_semaphore, #tpu.memory_space<semaphore_mem>>) src(%dma_wait3A_301 : memref<1000000x64xf32, #tpu.memory_space<hbm>>) dst(%arg8 : memref<800x64xf32, #tpu.memory_space<vmem>>)
      %scan3A_302 = arith.constant 0 : i32
      %scan3A_303 = arith.constant 0 : i32
      %scan3A_304 = arith.constant 50 : i32
      %scan3A_305 = arith.addi %scan3A_303, %scan3A_304 : i32
      %scan3A_306 = arith.constant 1 : i32
      %scan3A_307 = scf.for %scan3A_412 = %scan3A_303 to %scan3A_305 step %scan3A_306 iter_args(%scan3A_413 = %scan3A_302) -> (i32)  : i32 {
        %mul3A_414 = arith.constant 16 : i32
        %mul3A_415 = arith.muli %scan3A_412, %mul3A_414 : i32
        %get3A = arith.index_cast %mul3A_415 : i32 to index
        %get3A_416 = tpu.vector_load %arg6[%get3A] {strides = array<i32>} : memref<800xi32, #tpu.memory_space<vmem>>, vector<16xi32>,
        %eq3A = arith.constant 0 : i32
        %eq3A_417 = vector.broadcast %eq3A : i32 to vector<16xi32>
        %eq3A_418 = arith.cmpi eq, %get3A_416, %eq3A_417 : vector<16xi32>
        %convert_element_type3A_419 = arith.extui %eq3A_418 : vector<16xi1> to vector<16xi32>
        %reduce_sum3A = arith.constant true
        %reduce_sum3A_420 = vector.broadcast %reduce_sum3A : i1 to vector<16xi1>
        %reduce_sum3A_421 = tpu.scan <sum>, %convert_element_type3A_419 masked %reduce_sum3A_420 : vector<16xi32>, vector<16xi1> -> vector<16xi32>
        %reduce_sum3A_422 = vector.extract %reduce_sum3A_421[15] : i32 from vector<16xi32>
        %add3A_423 = arith.addi %scan3A_413, %reduce_sum3A_422 : i32
        scf.yield %add3A_423 : i32
      }
      %scan3A_308 = arith.constant 50 : i32
      %gt3A_309 = arith.constant 0 : i32
      %gt3A_310 = arith.cmpi sgt, %scan3A_307, %gt3A_309 : i32
      %convert_element_type3A_311 = arith.extui %gt3A_310 : i1 to i32
      %cond3A_312 = arith.constant 0 : i32
      %cond3A_313 = arith.cmpi ne, %convert_element_type3A_311, %cond3A_312 : i32
      scf.if %cond3A_313 {
        %broadcast_in_dim3A = arith.constant 0.000000e+00 : f32
        %broadcast_in_dim3A_412 = vector.broadcast %broadcast_in_dim3A : f32 to vector<16xf32>
        %scan3A_413 = arith.constant 0 : i32
        %scan3A_414 = arith.constant 0 : i32
        %scan3A_415 = arith.constant 50 : i32
        %scan3A_416 = arith.addi %scan3A_414, %scan3A_415 : i32
        %scan3A_417 = arith.constant 1 : i32
        scf.for %scan3A_419 = %scan3A_414 to %scan3A_416 step %scan3A_417  : i32 {
          %mul3A_420 = arith.constant 16 : i32
          %mul3A_421 = arith.muli %scan3A_419, %mul3A_420 : i32
          %get3A = arith.index_cast %mul3A_421 : i32 to index
          %get3A_422 = tpu.vector_load %arg6[%get3A] {strides = array<i32>} : memref<800xi32, #tpu.memory_space<vmem>>, vector<16xi32>,
          %eq3A = arith.constant 0 : i32
          %eq3A_423 = vector.broadcast %eq3A : i32 to vector<16xi32>
          %eq3A_424 = arith.cmpi eq, %get3A_422, %eq3A_423 : vector<16xi32>
          %convert_element_type3A_425 = arith.extui %eq3A_424 : vector<16xi1> to vector<16xi32>
          %reduce_sum3A = arith.constant true
          %reduce_sum3A_426 = vector.broadcast %reduce_sum3A : i1 to vector<16xi1>
          %reduce_sum3A_427 = tpu.scan <sum>, %convert_element_type3A_425 masked %reduce_sum3A_426 : vector<16xi32>, vector<16xi1> -> vector<16xi32>
          %reduce_sum3A_428 = vector.extract %reduce_sum3A_427[15] : i32 from vector<16xi32>
          %gt3A_429 = arith.constant 0 : i32
          %gt3A_430 = arith.cmpi sgt, %reduce_sum3A_428, %gt3A_429 : i32
          %convert_element_type3A_431 = arith.extui %gt3A_430 : i1 to i32
          %cond3A_432 = arith.constant 0 : i32
          %cond3A_433 = arith.cmpi ne, %convert_element_type3A_431, %cond3A_432 : i32
          scf.if %cond3A_433 {
            %slice3A = vector.extract_strided_slice %get3A_422 {offsets = [0], sizes = [1], strides = [1]} : vector<16xi32> to vector<1xi32>
            %squeeze3A = vector.extract %slice3A[0] : i32 from vector<1xi32>
            %eq3A_434 = arith.constant 0 : i32
            %eq3A_435 = arith.cmpi eq, %squeeze3A, %eq3A_434 : i32
            %convert_element_type3A_436 = arith.extui %eq3A_435 : i1 to i32
            %cond3A_437 = arith.constant 0 : i32
            %cond3A_438 = arith.cmpi ne, %convert_element_type3A_436, %cond3A_437 : i32
            scf.if %cond3A_438 {
              %mul3A_544 = arith.constant 16 : i32
              %mul3A_545 = arith.muli %scan3A_419, %mul3A_544 : i32
              %add3A_546 = arith.constant 0 : i32
              %add3A_547 = arith.addi %mul3A_545, %add3A_546 : i32
              %swap3A = arith.index_cast %add3A_547 : i32 to index
              %swap3A_548 = arith.constant 0 : index
              %swap3A_549 = tpu.vector_load %arg8[%swap3A, %swap3A_548] {strides = array<i32>} : memref<800x64xf32, #tpu.memory_space<vmem>>, vector<16xf32>,
              tpu.vector_store %arg8[%swap3A, %swap3A_548], %broadcast_in_dim3A_412 {strides = array<i32>} : memref<800x64xf32, #tpu.memory_space<vmem>>, vector<16xf32>,
              %mul3A_550 = arith.constant 16 : i32
              %mul3A_551 = arith.muli %scan3A_419, %mul3A_550 : i32
              %add3A_552 = arith.constant 0 : i32
              %add3A_553 = arith.addi %mul3A_551, %add3A_552 : i32
              %swap3A_554 = arith.index_cast %add3A_553 : i32 to index
              %swap3A_555 = arith.constant 16 : index
              %swap3A_556 = tpu.vector_load %arg8[%swap3A_554, %swap3A_555] {strides = array<i32>} : memref<800x64xf32, #tpu.memory_space<vmem>>, vector<16xf32>,
              tpu.vector_store %arg8[%swap3A_554, %swap3A_555], %broadcast_in_dim3A_412 {strides = array<i32>} : memref<800x64xf32, #tpu.memory_space<vmem>>, vector<16xf32>,
              %mul3A_557 = arith.constant 16 : i32
              %mul3A_558 = arith.muli %scan3A_419, %mul3A_557 : i32
              %add3A_559 = arith.constant 0 : i32
              %add3A_560 = arith.addi %mul3A_558, %add3A_559 : i32
              %swap3A_561 = arith.index_cast %add3A_560 : i32 to index
              %swap3A_562 = arith.constant 32 : index
              %swap3A_563 = tpu.vector_load %arg8[%swap3A_561, %swap3A_562] {strides = array<i32>} : memref<800x64xf32, #tpu.memory_space<vmem>>, vector<16xf32>,
              tpu.vector_store %arg8[%swap3A_561, %swap3A_562], %broadcast_in_dim3A_412 {strides = array<i32>} : memref<800x64xf32, #tpu.memory_space<vmem>>, vector<16xf32>,
              %mul3A_564 = arith.constant 16 : i32
              %mul3A_565 = arith.muli %scan3A_419, %mul3A_564 : i32
              %add3A_566 = arith.constant 0 : i32
              %add3A_567 = arith.addi %mul3A_565, %add3A_566 : i32
              %swap3A_568 = arith.index_cast %add3A_567 : i32 to index
              %swap3A_569 = arith.constant 48 : index
              %swap3A_570 = tpu.vector_load %arg8[%swap3A_568, %swap3A_569] {strides = array<i32>} : memref<800x64xf32, #tpu.memory_space<vmem>>, vector<16xf32>,
              tpu.vector_store %arg8[%swap3A_568, %swap3A_569], %broadcast_in_dim3A_412 {strides = array<i32>} : memref<800x64xf32, #tpu.memory_space<vmem>>, vector<16xf32>,
            } else {
            }
            %slice3A_439 = vector.extract_strided_slice %get3A_422 {offsets = [1], sizes = [1], strides = [1]} : vector<16xi32> to vector<1xi32>
            %squeeze3A_440 = vector.extract %slice3A_439[0] : i32 from vector<1xi32>
            %eq3A_441 = arith.constant 0 : i32
            %eq3A_442 = arith.cmpi eq, %squeeze3A_440, %eq3A_441 : i32
            %convert_element_type3A_443 = arith.extui %eq3A_442 : i1 to i32
            %cond3A_444 = arith.constant 0 : i32
            %cond3A_445 = arith.cmpi ne, %convert_element_type3A_443, %cond3A_444 : i32
            scf.if %cond3A_445 {
              %mul3A_544 = arith.constant 16 : i32
              %mul3A_545 = arith.muli %scan3A_419, %mul3A_544 : i32
              %add3A_546 = arith.constant 1 : i32
              %add3A_547 = arith.addi %mul3A_545, %add3A_546 : i32
              %swap3A = arith.index_cast %add3A_547 : i32 to index
              %swap3A_548 = arith.constant 0 : index
              %swap3A_549 = tpu.vector_load %arg8[%swap3A, %swap3A_548] {strides = array<i32>} : memref<800x64xf32, #tpu.memory_space<vmem>>, vector<16xf32>,
              tpu.vector_store %arg8[%swap3A, %swap3A_548], %broadcast_in_dim3A_412 {strides = array<i32>} : memref<800x64xf32, #tpu.memory_space<vmem>>, vector<16xf32>,
              %mul3A_550 = arith.constant 16 : i32
              %mul3A_551 = arith.muli %scan3A_419, %mul3A_550 : i32
              %add3A_552 = arith.constant 1 : i32
              %add3A_553 = arith.addi %mul3A_551, %add3A_552 : i32
              %swap3A_554 = arith.index_cast %add3A_553 : i32 to index
              %swap3A_555 = arith.constant 16 : index
              %swap3A_556 = tpu.vector_load %arg8[%swap3A_554, %swap3A_555] {strides = array<i32>} : memref<800x64xf32, #tpu.memory_space<vmem>>, vector<16xf32>,
              tpu.vector_store %arg8[%swap3A_554, %swap3A_555], %broadcast_in_dim3A_412 {strides = array<i32>} : memref<800x64xf32, #tpu.memory_space<vmem>>, vector<16xf32>,
              %mul3A_557 = arith.constant 16 : i32
              %mul3A_558 = arith.muli %scan3A_419, %mul3A_557 : i32
              %add3A_559 = arith.constant 1 : i32
              %add3A_560 = arith.addi %mul3A_558, %add3A_559 : i32
              %swap3A_561 = arith.index_cast %add3A_560 : i32 to index
              %swap3A_562 = arith.constant 32 : index
              %swap3A_563 = tpu.vector_load %arg8[%swap3A_561, %swap3A_562] {strides = array<i32>} : memref<800x64xf32, #tpu.memory_space<vmem>>, vector<16xf32>,
              tpu.vector_store %arg8[%swap3A_561, %swap3A_562], %broadcast_in_dim3A_412 {strides = array<i32>} : memref<800x64xf32, #tpu.memory_space<vmem>>, vector<16xf32>,
              %mul3A_564 = arith.constant 16 : i32
              %mul3A_565 = arith.muli %scan3A_419, %mul3A_564 : i32
              %add3A_566 = arith.constant 1 : i32
              %add3A_567 = arith.addi %mul3A_565, %add3A_566 : i32
              %swap3A_568 = arith.index_cast %add3A_567 : i32 to index
              %swap3A_569 = arith.constant 48 : index
              %swap3A_570 = tpu.vector_load %arg8[%swap3A_568, %swap3A_569] {strides = array<i32>} : memref<800x64xf32, #tpu.memory_space<vmem>>, vector<16xf32>,
              tpu.vector_store %arg8[%swap3A_568, %swap3A_569], %broadcast_in_dim3A_412 {strides = array<i32>} : memref<800x64xf32, #tpu.memory_space<vmem>>, vector<16xf32>,
            } else {
            }
            %slice3A_446 = vector.extract_strided_slice %get3A_422 {offsets = [2], sizes = [1], strides = [1]} : vector<16xi32> to vector<1xi32>
            %squeeze3A_447 = vector.extract %slice3A_446[0] : i32 from vector<1xi32>
            %eq3A_448 = arith.constant 0 : i32
            %eq3A_449 = arith.cmpi eq, %squeeze3A_447, %eq3A_448 : i32
            %convert_element_type3A_450 = arith.extui %eq3A_449 : i1 to i32
            %cond3A_451 = arith.constant 0 : i32
            %cond3A_452 = arith.cmpi ne, %convert_element_type3A_450, %cond3A_451 : i32
            scf.if %cond3A_452 {
              %mul3A_544 = arith.constant 16 : i32
              %mul3A_545 = arith.muli %scan3A_419, %mul3A_544 : i32
              %add3A_546 = arith.constant 2 : i32
              %add3A_547 = arith.addi %mul3A_545, %add3A_546 : i32
              %swap3A = arith.index_cast %add3A_547 : i32 to index
              %swap3A_548 = arith.constant 0 : index
              %swap3A_549 = tpu.vector_load %arg8[%swap3A, %swap3A_548] {strides = array<i32>} : memref<800x64xf32, #tpu.memory_space<vmem>>, vector<16xf32>,
              tpu.vector_store %arg8[%swap3A, %swap3A_548], %broadcast_in_dim3A_412 {strides = array<i32>} : memref<800x64xf32, #tpu.memory_space<vmem>>, vector<16xf32>,
              %mul3A_550 = arith.constant 16 : i32
              %mul3A_551 = arith.muli %scan3A_419, %mul3A_550 : i32
              %add3A_552 = arith.constant 2 : i32
              %add3A_553 = arith.addi %mul3A_551, %add3A_552 : i32
              %swap3A_554 = arith.index_cast %add3A_553 : i32 to index
              %swap3A_555 = arith.constant 16 : index
              %swap3A_556 = tpu.vector_load %arg8[%swap3A_554, %swap3A_555] {strides = array<i32>} : memref<800x64xf32, #tpu.memory_space<vmem>>, vector<16xf32>,
              tpu.vector_store %arg8[%swap3A_554, %swap3A_555], %broadcast_in_dim3A_412 {strides = array<i32>} : memref<800x64xf32, #tpu.memory_space<vmem>>, vector<16xf32>,
              %mul3A_557 = arith.constant 16 : i32
              %mul3A_558 = arith.muli %scan3A_419, %mul3A_557 : i32
              %add3A_559 = arith.constant 2 : i32
              %add3A_560 = arith.addi %mul3A_558, %add3A_559 : i32
              %swap3A_561 = arith.index_cast %add3A_560 : i32 to index
              %swap3A_562 = arith.constant 32 : index
              %swap3A_563 = tpu.vector_load %arg8[%swap3A_561, %swap3A_562] {strides = array<i32>} : memref<800x64xf32, #tpu.memory_space<vmem>>, vector<16xf32>,
              tpu.vector_store %arg8[%swap3A_561, %swap3A_562], %broadcast_in_dim3A_412 {strides = array<i32>} : memref<800x64xf32, #tpu.memory_space<vmem>>, vector<16xf32>,
              %mul3A_564 = arith.constant 16 : i32
              %mul3A_565 = arith.muli %scan3A_419, %mul3A_564 : i32
              %add3A_566 = arith.constant 2 : i32
              %add3A_567 = arith.addi %mul3A_565, %add3A_566 : i32
              %swap3A_568 = arith.index_cast %add3A_567 : i32 to index
              %swap3A_569 = arith.constant 48 : index
              %swap3A_570 = tpu.vector_load %arg8[%swap3A_568, %swap3A_569] {strides = array<i32>} : memref<800x64xf32, #tpu.memory_space<vmem>>, vector<16xf32>,
              tpu.vector_store %arg8[%swap3A_568, %swap3A_569], %broadcast_in_dim3A_412 {strides = array<i32>} : memref<800x64xf32, #tpu.memory_space<vmem>>, vector<16xf32>,
            } else {
            }
            %slice3A_453 = vector.extract_strided_slice %get3A_422 {offsets = [3], sizes = [1], strides = [1]} : vector<16xi32> to vector<1xi32>
            %squeeze3A_454 = vector.extract %slice3A_453[0] : i32 from vector<1xi32>
            %eq3A_455 = arith.constant 0 : i32
            %eq3A_456 = arith.cmpi eq, %squeeze3A_454, %eq3A_455 : i32
            %convert_element_type3A_457 = arith.extui %eq3A_456 : i1 to i32
            %cond3A_458 = arith.constant 0 : i32
            %cond3A_459 = arith.cmpi ne, %convert_element_type3A_457, %cond3A_458 : i32
            scf.if %cond3A_459 {
              %mul3A_544 = arith.constant 16 : i32
              %mul3A_545 = arith.muli %scan3A_419, %mul3A_544 : i32
              %add3A_546 = arith.constant 3 : i32
              %add3A_547 = arith.addi %mul3A_545, %add3A_546 : i32
              %swap3A = arith.index_cast %add3A_547 : i32 to index
              %swap3A_548 = arith.constant 0 : index
              %swap3A_549 = tpu.vector_load %arg8[%swap3A, %swap3A_548] {strides = array<i32>} : memref<800x64xf32, #tpu.memory_space<vmem>>, vector<16xf32>,
              tpu.vector_store %arg8[%swap3A, %swap3A_548], %broadcast_in_dim3A_412 {strides = array<i32>} : memref<800x64xf32, #tpu.memory_space<vmem>>, vector<16xf32>,
              %mul3A_550 = arith.constant 16 : i32
              %mul3A_551 = arith.muli %scan3A_419, %mul3A_550 : i32
              %add3A_552 = arith.constant 3 : i32
              %add3A_553 = arith.addi %mul3A_551, %add3A_552 : i32
              %swap3A_554 = arith.index_cast %add3A_553 : i32 to index
              %swap3A_555 = arith.constant 16 : index
              %swap3A_556 = tpu.vector_load %arg8[%swap3A_554, %swap3A_555] {strides = array<i32>} : memref<800x64xf32, #tpu.memory_space<vmem>>, vector<16xf32>,
              tpu.vector_store %arg8[%swap3A_554, %swap3A_555], %broadcast_in_dim3A_412 {strides = array<i32>} : memref<800x64xf32, #tpu.memory_space<vmem>>, vector<16xf32>,
              %mul3A_557 = arith.constant 16 : i32
              %mul3A_558 = arith.muli %scan3A_419, %mul3A_557 : i32
              %add3A_559 = arith.constant 3 : i32
              %add3A_560 = arith.addi %mul3A_558, %add3A_559 : i32
              %swap3A_561 = arith.index_cast %add3A_560 : i32 to index
              %swap3A_562 = arith.constant 32 : index
              %swap3A_563 = tpu.vector_load %arg8[%swap3A_561, %swap3A_562] {strides = array<i32>} : memref<800x64xf32, #tpu.memory_space<vmem>>, vector<16xf32>,
              tpu.vector_store %arg8[%swap3A_561, %swap3A_562], %broadcast_in_dim3A_412 {strides = array<i32>} : memref<800x64xf32, #tpu.memory_space<vmem>>, vector<16xf32>,
              %mul3A_564 = arith.constant 16 : i32
              %mul3A_565 = arith.muli %scan3A_419, %mul3A_564 : i32
              %add3A_566 = arith.constant 3 : i32
              %add3A_567 = arith.addi %mul3A_565, %add3A_566 : i32
              %swap3A_568 = arith.index_cast %add3A_567 : i32 to index
              %swap3A_569 = arith.constant 48 : index
              %swap3A_570 = tpu.vector_load %arg8[%swap3A_568, %swap3A_569] {strides = array<i32>} : memref<800x64xf32, #tpu.memory_space<vmem>>, vector<16xf32>,
              tpu.vector_store %arg8[%swap3A_568, %swap3A_569], %broadcast_in_dim3A_412 {strides = array<i32>} : memref<800x64xf32, #tpu.memory_space<vmem>>, vector<16xf32>,
            } else {
            }
            %slice3A_460 = vector.extract_strided_slice %get3A_422 {offsets = [4], sizes = [1], strides = [1]} : vector<16xi32> to vector<1xi32>
            %squeeze3A_461 = vector.extract %slice3A_460[0] : i32 from vector<1xi32>
            %eq3A_462 = arith.constant 0 : i32
            %eq3A_463 = arith.cmpi eq, %squeeze3A_461, %eq3A_462 : i32
            %convert_element_type3A_464 = arith.extui %eq3A_463 : i1 to i32
            %cond3A_465 = arith.constant 0 : i32
            %cond3A_466 = arith.cmpi ne, %convert_element_type3A_464, %cond3A_465 : i32
            scf.if %cond3A_466 {
              %mul3A_544 = arith.constant 16 : i32
              %mul3A_545 = arith.muli %scan3A_419, %mul3A_544 : i32
              %add3A_546 = arith.constant 4 : i32
              %add3A_547 = arith.addi %mul3A_545, %add3A_546 : i32
              %swap3A = arith.index_cast %add3A_547 : i32 to index
              %swap3A_548 = arith.constant 0 : index
              %swap3A_549 = tpu.vector_load %arg8[%swap3A, %swap3A_548] {strides = array<i32>} : memref<800x64xf32, #tpu.memory_space<vmem>>, vector<16xf32>,
              tpu.vector_store %arg8[%swap3A, %swap3A_548], %broadcast_in_dim3A_412 {strides = array<i32>} : memref<800x64xf32, #tpu.memory_space<vmem>>, vector<16xf32>,
              %mul3A_550 = arith.constant 16 : i32
              %mul3A_551 = arith.muli %scan3A_419, %mul3A_550 : i32
              %add3A_552 = arith.constant 4 : i32
              %add3A_553 = arith.addi %mul3A_551, %add3A_552 : i32
              %swap3A_554 = arith.index_cast %add3A_553 : i32 to index
              %swap3A_555 = arith.constant 16 : index
              %swap3A_556 = tpu.vector_load %arg8[%swap3A_554, %swap3A_555] {strides = array<i32>} : memref<800x64xf32, #tpu.memory_space<vmem>>, vector<16xf32>,
              tpu.vector_store %arg8[%swap3A_554, %swap3A_555], %broadcast_in_dim3A_412 {strides = array<i32>} : memref<800x64xf32, #tpu.memory_space<vmem>>, vector<16xf32>,
              %mul3A_557 = arith.constant 16 : i32
              %mul3A_558 = arith.muli %scan3A_419, %mul3A_557 : i32
              %add3A_559 = arith.constant 4 : i32
              %add3A_560 = arith.addi %mul3A_558, %add3A_559 : i32
              %swap3A_561 = arith.index_cast %add3A_560 : i32 to index
              %swap3A_562 = arith.constant 32 : index
              %swap3A_563 = tpu.vector_load %arg8[%swap3A_561, %swap3A_562] {strides = array<i32>} : memref<800x64xf32, #tpu.memory_space<vmem>>, vector<16xf32>,
              tpu.vector_store %arg8[%swap3A_561, %swap3A_562], %broadcast_in_dim3A_412 {strides = array<i32>} : memref<800x64xf32, #tpu.memory_space<vmem>>, vector<16xf32>,
              %mul3A_564 = arith.constant 16 : i32
              %mul3A_565 = arith.muli %scan3A_419, %mul3A_564 : i32
              %add3A_566 = arith.constant 4 : i32
              %add3A_567 = arith.addi %mul3A_565, %add3A_566 : i32
              %swap3A_568 = arith.index_cast %add3A_567 : i32 to index
              %swap3A_569 = arith.constant 48 : index
              %swap3A_570 = tpu.vector_load %arg8[%swap3A_568, %swap3A_569] {strides = array<i32>} : memref<800x64xf32, #tpu.memory_space<vmem>>, vector<16xf32>,
              tpu.vector_store %arg8[%swap3A_568, %swap3A_569], %broadcast_in_dim3A_412 {strides = array<i32>} : memref<800x64xf32, #tpu.memory_space<vmem>>, vector<16xf32>,
            } else {
            }
            %slice3A_467 = vector.extract_strided_slice %get3A_422 {offsets = [5], sizes = [1], strides = [1]} : vector<16xi32> to vector<1xi32>
            %squeeze3A_468 = vector.extract %slice3A_467[0] : i32 from vector<1xi32>
            %eq3A_469 = arith.constant 0 : i32
            %eq3A_470 = arith.cmpi eq, %squeeze3A_468, %eq3A_469 : i32
            %convert_element_type3A_471 = arith.extui %eq3A_470 : i1 to i32
            %cond3A_472 = arith.constant 0 : i32
            %cond3A_473 = arith.cmpi ne, %convert_element_type3A_471, %cond3A_472 : i32
            scf.if %cond3A_473 {
              %mul3A_544 = arith.constant 16 : i32
              %mul3A_545 = arith.muli %scan3A_419, %mul3A_544 : i32
              %add3A_546 = arith.constant 5 : i32
              %add3A_547 = arith.addi %mul3A_545, %add3A_546 : i32
              %swap3A = arith.index_cast %add3A_547 : i32 to index
              %swap3A_548 = arith.constant 0 : index
              %swap3A_549 = tpu.vector_load %arg8[%swap3A, %swap3A_548] {strides = array<i32>} : memref<800x64xf32, #tpu.memory_space<vmem>>, vector<16xf32>,
              tpu.vector_store %arg8[%swap3A, %swap3A_548], %broadcast_in_dim3A_412 {strides = array<i32>} : memref<800x64xf32, #tpu.memory_space<vmem>>, vector<16xf32>,
              %mul3A_550 = arith.constant 16 : i32
              %mul3A_551 = arith.muli %scan3A_419, %mul3A_550 : i32
              %add3A_552 = arith.constant 5 : i32
              %add3A_553 = arith.addi %mul3A_551, %add3A_552 : i32
              %swap3A_554 = arith.index_cast %add3A_553 : i32 to index
              %swap3A_555 = arith.constant 16 : index
              %swap3A_556 = tpu.vector_load %arg8[%swap3A_554, %swap3A_555] {strides = array<i32>} : memref<800x64xf32, #tpu.memory_space<vmem>>, vector<16xf32>,
              tpu.vector_store %arg8[%swap3A_554, %swap3A_555], %broadcast_in_dim3A_412 {strides = array<i32>} : memref<800x64xf32, #tpu.memory_space<vmem>>, vector<16xf32>,
              %mul3A_557 = arith.constant 16 : i32
              %mul3A_558 = arith.muli %scan3A_419, %mul3A_557 : i32
              %add3A_559 = arith.constant 5 : i32
              %add3A_560 = arith.addi %mul3A_558, %add3A_559 : i32
              %swap3A_561 = arith.index_cast %add3A_560 : i32 to index
              %swap3A_562 = arith.constant 32 : index
              %swap3A_563 = tpu.vector_load %arg8[%swap3A_561, %swap3A_562] {strides = array<i32>} : memref<800x64xf32, #tpu.memory_space<vmem>>, vector<16xf32>,
              tpu.vector_store %arg8[%swap3A_561, %swap3A_562], %broadcast_in_dim3A_412 {strides = array<i32>} : memref<800x64xf32, #tpu.memory_space<vmem>>, vector<16xf32>,
              %mul3A_564 = arith.constant 16 : i32
              %mul3A_565 = arith.muli %scan3A_419, %mul3A_564 : i32
              %add3A_566 = arith.constant 5 : i32
              %add3A_567 = arith.addi %mul3A_565, %add3A_566 : i32
              %swap3A_568 = arith.index_cast %add3A_567 : i32 to index
              %swap3A_569 = arith.constant 48 : index
              %swap3A_570 = tpu.vector_load %arg8[%swap3A_568, %swap3A_569] {strides = array<i32>} : memref<800x64xf32, #tpu.memory_space<vmem>>, vector<16xf32>,
              tpu.vector_store %arg8[%swap3A_568, %swap3A_569], %broadcast_in_dim3A_412 {strides = array<i32>} : memref<800x64xf32, #tpu.memory_space<vmem>>, vector<16xf32>,
            } else {
            }
            %slice3A_474 = vector.extract_strided_slice %get3A_422 {offsets = [6], sizes = [1], strides = [1]} : vector<16xi32> to vector<1xi32>
            %squeeze3A_475 = vector.extract %slice3A_474[0] : i32 from vector<1xi32>
            %eq3A_476 = arith.constant 0 : i32
            %eq3A_477 = arith.cmpi eq, %squeeze3A_475, %eq3A_476 : i32
            %convert_element_type3A_478 = arith.extui %eq3A_477 : i1 to i32
            %cond3A_479 = arith.constant 0 : i32
            %cond3A_480 = arith.cmpi ne, %convert_element_type3A_478, %cond3A_479 : i32
            scf.if %cond3A_480 {
              %mul3A_544 = arith.constant 16 : i32
              %mul3A_545 = arith.muli %scan3A_419, %mul3A_544 : i32
              %add3A_546 = arith.constant 6 : i32
              %add3A_547 = arith.addi %mul3A_545, %add3A_546 : i32
              %swap3A = arith.index_cast %add3A_547 : i32 to index
              %swap3A_548 = arith.constant 0 : index
              %swap3A_549 = tpu.vector_load %arg8[%swap3A, %swap3A_548] {strides = array<i32>} : memref<800x64xf32, #tpu.memory_space<vmem>>, vector<16xf32>,
              tpu.vector_store %arg8[%swap3A, %swap3A_548], %broadcast_in_dim3A_412 {strides = array<i32>} : memref<800x64xf32, #tpu.memory_space<vmem>>, vector<16xf32>,
              %mul3A_550 = arith.constant 16 : i32
              %mul3A_551 = arith.muli %scan3A_419, %mul3A_550 : i32
              %add3A_552 = arith.constant 6 : i32
              %add3A_553 = arith.addi %mul3A_551, %add3A_552 : i32
              %swap3A_554 = arith.index_cast %add3A_553 : i32 to index
              %swap3A_555 = arith.constant 16 : index
              %swap3A_556 = tpu.vector_load %arg8[%swap3A_554, %swap3A_555] {strides = array<i32>} : memref<800x64xf32, #tpu.memory_space<vmem>>, vector<16xf32>,
              tpu.vector_store %arg8[%swap3A_554, %swap3A_555], %broadcast_in_dim3A_412 {strides = array<i32>} : memref<800x64xf32, #tpu.memory_space<vmem>>, vector<16xf32>,
              %mul3A_557 = arith.constant 16 : i32
              %mul3A_558 = arith.muli %scan3A_419, %mul3A_557 : i32
              %add3A_559 = arith.constant 6 : i32
              %add3A_560 = arith.addi %mul3A_558, %add3A_559 : i32
              %swap3A_561 = arith.index_cast %add3A_560 : i32 to index
              %swap3A_562 = arith.constant 32 : index
              %swap3A_563 = tpu.vector_load %arg8[%swap3A_561, %swap3A_562] {strides = array<i32>} : memref<800x64xf32, #tpu.memory_space<vmem>>, vector<16xf32>,
              tpu.vector_store %arg8[%swap3A_561, %swap3A_562], %broadcast_in_dim3A_412 {strides = array<i32>} : memref<800x64xf32, #tpu.memory_space<vmem>>, vector<16xf32>,
              %mul3A_564 = arith.constant 16 : i32
              %mul3A_565 = arith.muli %scan3A_419, %mul3A_564 : i32
              %add3A_566 = arith.constant 6 : i32
              %add3A_567 = arith.addi %mul3A_565, %add3A_566 : i32
              %swap3A_568 = arith.index_cast %add3A_567 : i32 to index
              %swap3A_569 = arith.constant 48 : index
              %swap3A_570 = tpu.vector_load %arg8[%swap3A_568, %swap3A_569] {strides = array<i32>} : memref<800x64xf32, #tpu.memory_space<vmem>>, vector<16xf32>,
              tpu.vector_store %arg8[%swap3A_568, %swap3A_569], %broadcast_in_dim3A_412 {strides = array<i32>} : memref<800x64xf32, #tpu.memory_space<vmem>>, vector<16xf32>,
            } else {
            }
            %slice3A_481 = vector.extract_strided_slice %get3A_422 {offsets = [7], sizes = [1], strides = [1]} : vector<16xi32> to vector<1xi32>
            %squeeze3A_482 = vector.extract %slice3A_481[0] : i32 from vector<1xi32>
            %eq3A_483 = arith.constant 0 : i32
            %eq3A_484 = arith.cmpi eq, %squeeze3A_482, %eq3A_483 : i32
            %convert_element_type3A_485 = arith.extui %eq3A_484 : i1 to i32
            %cond3A_486 = arith.constant 0 : i32
            %cond3A_487 = arith.cmpi ne, %convert_element_type3A_485, %cond3A_486 : i32
            scf.if %cond3A_487 {
              %mul3A_544 = arith.constant 16 : i32
              %mul3A_545 = arith.muli %scan3A_419, %mul3A_544 : i32
              %add3A_546 = arith.constant 7 : i32
              %add3A_547 = arith.addi %mul3A_545, %add3A_546 : i32
              %swap3A = arith.index_cast %add3A_547 : i32 to index
              %swap3A_548 = arith.constant 0 : index
              %swap3A_549 = tpu.vector_load %arg8[%swap3A, %swap3A_548] {strides = array<i32>} : memref<800x64xf32, #tpu.memory_space<vmem>>, vector<16xf32>,
              tpu.vector_store %arg8[%swap3A, %swap3A_548], %broadcast_in_dim3A_412 {strides = array<i32>} : memref<800x64xf32, #tpu.memory_space<vmem>>, vector<16xf32>,
              %mul3A_550 = arith.constant 16 : i32
              %mul3A_551 = arith.muli %scan3A_419, %mul3A_550 : i32
              %add3A_552 = arith.constant 7 : i32
              %add3A_553 = arith.addi %mul3A_551, %add3A_552 : i32
              %swap3A_554 = arith.index_cast %add3A_553 : i32 to index
              %swap3A_555 = arith.constant 16 : index
              %swap3A_556 = tpu.vector_load %arg8[%swap3A_554, %swap3A_555] {strides = array<i32>} : memref<800x64xf32, #tpu.memory_space<vmem>>, vector<16xf32>,
              tpu.vector_store %arg8[%swap3A_554, %swap3A_555], %broadcast_in_dim3A_412 {strides = array<i32>} : memref<800x64xf32, #tpu.memory_space<vmem>>, vector<16xf32>,
              %mul3A_557 = arith.constant 16 : i32
              %mul3A_558 = arith.muli %scan3A_419, %mul3A_557 : i32
              %add3A_559 = arith.constant 7 : i32
              %add3A_560 = arith.addi %mul3A_558, %add3A_559 : i32
              %swap3A_561 = arith.index_cast %add3A_560 : i32 to index
              %swap3A_562 = arith.constant 32 : index
              %swap3A_563 = tpu.vector_load %arg8[%swap3A_561, %swap3A_562] {strides = array<i32>} : memref<800x64xf32, #tpu.memory_space<vmem>>, vector<16xf32>,
              tpu.vector_store %arg8[%swap3A_561, %swap3A_562], %broadcast_in_dim3A_412 {strides = array<i32>} : memref<800x64xf32, #tpu.memory_space<vmem>>, vector<16xf32>,
              %mul3A_564 = arith.constant 16 : i32
              %mul3A_565 = arith.muli %scan3A_419, %mul3A_564 : i32
              %add3A_566 = arith.constant 7 : i32
              %add3A_567 = arith.addi %mul3A_565, %add3A_566 : i32
              %swap3A_568 = arith.index_cast %add3A_567 : i32 to index
              %swap3A_569 = arith.constant 48 : index
              %swap3A_570 = tpu.vector_load %arg8[%swap3A_568, %swap3A_569] {strides = array<i32>} : memref<800x64xf32, #tpu.memory_space<vmem>>, vector<16xf32>,
              tpu.vector_store %arg8[%swap3A_568, %swap3A_569], %broadcast_in_dim3A_412 {strides = array<i32>} : memref<800x64xf32, #tpu.memory_space<vmem>>, vector<16xf32>,
            } else {
            }
            %slice3A_488 = vector.extract_strided_slice %get3A_422 {offsets = [8], sizes = [1], strides = [1]} : vector<16xi32> to vector<1xi32>
            %squeeze3A_489 = vector.extract %slice3A_488[0] : i32 from vector<1xi32>
            %eq3A_490 = arith.constant 0 : i32
            %eq3A_491 = arith.cmpi eq, %squeeze3A_489, %eq3A_490 : i32
            %convert_element_type3A_492 = arith.extui %eq3A_491 : i1 to i32
            %cond3A_493 = arith.constant 0 : i32
            %cond3A_494 = arith.cmpi ne, %convert_element_type3A_492, %cond3A_493 : i32
            scf.if %cond3A_494 {
              %mul3A_544 = arith.constant 16 : i32
              %mul3A_545 = arith.muli %scan3A_419, %mul3A_544 : i32
              %add3A_546 = arith.constant 8 : i32
              %add3A_547 = arith.addi %mul3A_545, %add3A_546 : i32
              %swap3A = arith.index_cast %add3A_547 : i32 to index
              %swap3A_548 = arith.constant 0 : index
              %swap3A_549 = tpu.vector_load %arg8[%swap3A, %swap3A_548] {strides = array<i32>} : memref<800x64xf32, #tpu.memory_space<vmem>>, vector<16xf32>,
              tpu.vector_store %arg8[%swap3A, %swap3A_548], %broadcast_in_dim3A_412 {strides = array<i32>} : memref<800x64xf32, #tpu.memory_space<vmem>>, vector<16xf32>,
              %mul3A_550 = arith.constant 16 : i32
              %mul3A_551 = arith.muli %scan3A_419, %mul3A_550 : i32
              %add3A_552 = arith.constant 8 : i32
              %add3A_553 = arith.addi %mul3A_551, %add3A_552 : i32
              %swap3A_554 = arith.index_cast %add3A_553 : i32 to index
              %swap3A_555 = arith.constant 16 : index
              %swap3A_556 = tpu.vector_load %arg8[%swap3A_554, %swap3A_555] {strides = array<i32>} : memref<800x64xf32, #tpu.memory_space<vmem>>, vector<16xf32>,
              tpu.vector_store %arg8[%swap3A_554, %swap3A_555], %broadcast_in_dim3A_412 {strides = array<i32>} : memref<800x64xf32, #tpu.memory_space<vmem>>, vector<16xf32>,
              %mul3A_557 = arith.constant 16 : i32
              %mul3A_558 = arith.muli %scan3A_419, %mul3A_557 : i32
              %add3A_559 = arith.constant 8 : i32
              %add3A_560 = arith.addi %mul3A_558, %add3A_559 : i32
              %swap3A_561 = arith.index_cast %add3A_560 : i32 to index
              %swap3A_562 = arith.constant 32 : index
              %swap3A_563 = tpu.vector_load %arg8[%swap3A_561, %swap3A_562] {strides = array<i32>} : memref<800x64xf32, #tpu.memory_space<vmem>>, vector<16xf32>,
              tpu.vector_store %arg8[%swap3A_561, %swap3A_562], %broadcast_in_dim3A_412 {strides = array<i32>} : memref<800x64xf32, #tpu.memory_space<vmem>>, vector<16xf32>,
              %mul3A_564 = arith.constant 16 : i32
              %mul3A_565 = arith.muli %scan3A_419, %mul3A_564 : i32
              %add3A_566 = arith.constant 8 : i32
              %add3A_567 = arith.addi %mul3A_565, %add3A_566 : i32
              %swap3A_568 = arith.index_cast %add3A_567 : i32 to index
              %swap3A_569 = arith.constant 48 : index
              %swap3A_570 = tpu.vector_load %arg8[%swap3A_568, %swap3A_569] {strides = array<i32>} : memref<800x64xf32, #tpu.memory_space<vmem>>, vector<16xf32>,
              tpu.vector_store %arg8[%swap3A_568, %swap3A_569], %broadcast_in_dim3A_412 {strides = array<i32>} : memref<800x64xf32, #tpu.memory_space<vmem>>, vector<16xf32>,
            } else {
            }
            %slice3A_495 = vector.extract_strided_slice %get3A_422 {offsets = [9], sizes = [1], strides = [1]} : vector<16xi32> to vector<1xi32>
            %squeeze3A_496 = vector.extract %slice3A_495[0] : i32 from vector<1xi32>
            %eq3A_497 = arith.constant 0 : i32
            %eq3A_498 = arith.cmpi eq, %squeeze3A_496, %eq3A_497 : i32
            %convert_element_type3A_499 = arith.extui %eq3A_498 : i1 to i32
            %cond3A_500 = arith.constant 0 : i32
            %cond3A_501 = arith.cmpi ne, %convert_element_type3A_499, %cond3A_500 : i32
            scf.if %cond3A_501 {
              %mul3A_544 = arith.constant 16 : i32
              %mul3A_545 = arith.muli %scan3A_419, %mul3A_544 : i32
              %add3A_546 = arith.constant 9 : i32
              %add3A_547 = arith.addi %mul3A_545, %add3A_546 : i32
              %swap3A = arith.index_cast %add3A_547 : i32 to index
              %swap3A_548 = arith.constant 0 : index
              %swap3A_549 = tpu.vector_load %arg8[%swap3A, %swap3A_548] {strides = array<i32>} : memref<800x64xf32, #tpu.memory_space<vmem>>, vector<16xf32>,
              tpu.vector_store %arg8[%swap3A, %swap3A_548], %broadcast_in_dim3A_412 {strides = array<i32>} : memref<800x64xf32, #tpu.memory_space<vmem>>, vector<16xf32>,
              %mul3A_550 = arith.constant 16 : i32
              %mul3A_551 = arith.muli %scan3A_419, %mul3A_550 : i32
              %add3A_552 = arith.constant 9 : i32
              %add3A_553 = arith.addi %mul3A_551, %add3A_552 : i32
              %swap3A_554 = arith.index_cast %add3A_553 : i32 to index
              %swap3A_555 = arith.constant 16 : index
              %swap3A_556 = tpu.vector_load %arg8[%swap3A_554, %swap3A_555] {strides = array<i32>} : memref<800x64xf32, #tpu.memory_space<vmem>>, vector<16xf32>,
              tpu.vector_store %arg8[%swap3A_554, %swap3A_555], %broadcast_in_dim3A_412 {strides = array<i32>} : memref<800x64xf32, #tpu.memory_space<vmem>>, vector<16xf32>,
              %mul3A_557 = arith.constant 16 : i32
              %mul3A_558 = arith.muli %scan3A_419, %mul3A_557 : i32
              %add3A_559 = arith.constant 9 : i32
              %add3A_560 = arith.addi %mul3A_558, %add3A_559 : i32
              %swap3A_561 = arith.index_cast %add3A_560 : i32 to index
              %swap3A_562 = arith.constant 32 : index
              %swap3A_563 = tpu.vector_load %arg8[%swap3A_561, %swap3A_562] {strides = array<i32>} : memref<800x64xf32, #tpu.memory_space<vmem>>, vector<16xf32>,
              tpu.vector_store %arg8[%swap3A_561, %swap3A_562], %broadcast_in_dim3A_412 {strides = array<i32>} : memref<800x64xf32, #tpu.memory_space<vmem>>, vector<16xf32>,
              %mul3A_564 = arith.constant 16 : i32
              %mul3A_565 = arith.muli %scan3A_419, %mul3A_564 : i32
              %add3A_566 = arith.constant 9 : i32
              %add3A_567 = arith.addi %mul3A_565, %add3A_566 : i32
              %swap3A_568 = arith.index_cast %add3A_567 : i32 to index
              %swap3A_569 = arith.constant 48 : index
              %swap3A_570 = tpu.vector_load %arg8[%swap3A_568, %swap3A_569] {strides = array<i32>} : memref<800x64xf32, #tpu.memory_space<vmem>>, vector<16xf32>,
              tpu.vector_store %arg8[%swap3A_568, %swap3A_569], %broadcast_in_dim3A_412 {strides = array<i32>} : memref<800x64xf32, #tpu.memory_space<vmem>>, vector<16xf32>,
            } else {
            }
            %slice3A_502 = vector.extract_strided_slice %get3A_422 {offsets = [10], sizes = [1], strides = [1]} : vector<16xi32> to vector<1xi32>
            %squeeze3A_503 = vector.extract %slice3A_502[0] : i32 from vector<1xi32>
            %eq3A_504 = arith.constant 0 : i32
            %eq3A_505 = arith.cmpi eq, %squeeze3A_503, %eq3A_504 : i32
            %convert_element_type3A_506 = arith.extui %eq3A_505 : i1 to i32
            %cond3A_507 = arith.constant 0 : i32
            %cond3A_508 = arith.cmpi ne, %convert_element_type3A_506, %cond3A_507 : i32
            scf.if %cond3A_508 {
              %mul3A_544 = arith.constant 16 : i32
              %mul3A_545 = arith.muli %scan3A_419, %mul3A_544 : i32
              %add3A_546 = arith.constant 10 : i32
              %add3A_547 = arith.addi %mul3A_545, %add3A_546 : i32
              %swap3A = arith.index_cast %add3A_547 : i32 to index
              %swap3A_548 = arith.constant 0 : index
              %swap3A_549 = tpu.vector_load %arg8[%swap3A, %swap3A_548] {strides = array<i32>} : memref<800x64xf32, #tpu.memory_space<vmem>>, vector<16xf32>,
              tpu.vector_store %arg8[%swap3A, %swap3A_548], %broadcast_in_dim3A_412 {strides = array<i32>} : memref<800x64xf32, #tpu.memory_space<vmem>>, vector<16xf32>,
              %mul3A_550 = arith.constant 16 : i32
              %mul3A_551 = arith.muli %scan3A_419, %mul3A_550 : i32
              %add3A_552 = arith.constant 10 : i32
              %add3A_553 = arith.addi %mul3A_551, %add3A_552 : i32
              %swap3A_554 = arith.index_cast %add3A_553 : i32 to index
              %swap3A_555 = arith.constant 16 : index
              %swap3A_556 = tpu.vector_load %arg8[%swap3A_554, %swap3A_555] {strides = array<i32>} : memref<800x64xf32, #tpu.memory_space<vmem>>, vector<16xf32>,
              tpu.vector_store %arg8[%swap3A_554, %swap3A_555], %broadcast_in_dim3A_412 {strides = array<i32>} : memref<800x64xf32, #tpu.memory_space<vmem>>, vector<16xf32>,
              %mul3A_557 = arith.constant 16 : i32
              %mul3A_558 = arith.muli %scan3A_419, %mul3A_557 : i32
              %add3A_559 = arith.constant 10 : i32
              %add3A_560 = arith.addi %mul3A_558, %add3A_559 : i32
              %swap3A_561 = arith.index_cast %add3A_560 : i32 to index
              %swap3A_562 = arith.constant 32 : index
              %swap3A_563 = tpu.vector_load %arg8[%swap3A_561, %swap3A_562] {strides = array<i32>} : memref<800x64xf32, #tpu.memory_space<vmem>>, vector<16xf32>,
              tpu.vector_store %arg8[%swap3A_561, %swap3A_562], %broadcast_in_dim3A_412 {strides = array<i32>} : memref<800x64xf32, #tpu.memory_space<vmem>>, vector<16xf32>,
              %mul3A_564 = arith.constant 16 : i32
              %mul3A_565 = arith.muli %scan3A_419, %mul3A_564 : i32
              %add3A_566 = arith.constant 10 : i32
              %add3A_567 = arith.addi %mul3A_565, %add3A_566 : i32
              %swap3A_568 = arith.index_cast %add3A_567 : i32 to index
              %swap3A_569 = arith.constant 48 : index
              %swap3A_570 = tpu.vector_load %arg8[%swap3A_568, %swap3A_569] {strides = array<i32>} : memref<800x64xf32, #tpu.memory_space<vmem>>, vector<16xf32>,
              tpu.vector_store %arg8[%swap3A_568, %swap3A_569], %broadcast_in_dim3A_412 {strides = array<i32>} : memref<800x64xf32, #tpu.memory_space<vmem>>, vector<16xf32>,
            } else {
            }
            %slice3A_509 = vector.extract_strided_slice %get3A_422 {offsets = [11], sizes = [1], strides = [1]} : vector<16xi32> to vector<1xi32>
            %squeeze3A_510 = vector.extract %slice3A_509[0] : i32 from vector<1xi32>
            %eq3A_511 = arith.constant 0 : i32
            %eq3A_512 = arith.cmpi eq, %squeeze3A_510, %eq3A_511 : i32
            %convert_element_type3A_513 = arith.extui %eq3A_512 : i1 to i32
            %cond3A_514 = arith.constant 0 : i32
            %cond3A_515 = arith.cmpi ne, %convert_element_type3A_513, %cond3A_514 : i32
            scf.if %cond3A_515 {
              %mul3A_544 = arith.constant 16 : i32
              %mul3A_545 = arith.muli %scan3A_419, %mul3A_544 : i32
              %add3A_546 = arith.constant 11 : i32
              %add3A_547 = arith.addi %mul3A_545, %add3A_546 : i32
              %swap3A = arith.index_cast %add3A_547 : i32 to index
              %swap3A_548 = arith.constant 0 : index
              %swap3A_549 = tpu.vector_load %arg8[%swap3A, %swap3A_548] {strides = array<i32>} : memref<800x64xf32, #tpu.memory_space<vmem>>, vector<16xf32>,
              tpu.vector_store %arg8[%swap3A, %swap3A_548], %broadcast_in_dim3A_412 {strides = array<i32>} : memref<800x64xf32, #tpu.memory_space<vmem>>, vector<16xf32>,
              %mul3A_550 = arith.constant 16 : i32
              %mul3A_551 = arith.muli %scan3A_419, %mul3A_550 : i32
              %add3A_552 = arith.constant 11 : i32
              %add3A_553 = arith.addi %mul3A_551, %add3A_552 : i32
              %swap3A_554 = arith.index_cast %add3A_553 : i32 to index
              %swap3A_555 = arith.constant 16 : index
              %swap3A_556 = tpu.vector_load %arg8[%swap3A_554, %swap3A_555] {strides = array<i32>} : memref<800x64xf32, #tpu.memory_space<vmem>>, vector<16xf32>,
              tpu.vector_store %arg8[%swap3A_554, %swap3A_555], %broadcast_in_dim3A_412 {strides = array<i32>} : memref<800x64xf32, #tpu.memory_space<vmem>>, vector<16xf32>,
              %mul3A_557 = arith.constant 16 : i32
              %mul3A_558 = arith.muli %scan3A_419, %mul3A_557 : i32
              %add3A_559 = arith.constant 11 : i32
              %add3A_560 = arith.addi %mul3A_558, %add3A_559 : i32
              %swap3A_561 = arith.index_cast %add3A_560 : i32 to index
              %swap3A_562 = arith.constant 32 : index
              %swap3A_563 = tpu.vector_load %arg8[%swap3A_561, %swap3A_562] {strides = array<i32>} : memref<800x64xf32, #tpu.memory_space<vmem>>, vector<16xf32>,
              tpu.vector_store %arg8[%swap3A_561, %swap3A_562], %broadcast_in_dim3A_412 {strides = array<i32>} : memref<800x64xf32, #tpu.memory_space<vmem>>, vector<16xf32>,
              %mul3A_564 = arith.constant 16 : i32
              %mul3A_565 = arith.muli %scan3A_419, %mul3A_564 : i32
              %add3A_566 = arith.constant 11 : i32
              %add3A_567 = arith.addi %mul3A_565, %add3A_566 : i32
              %swap3A_568 = arith.index_cast %add3A_567 : i32 to index
              %swap3A_569 = arith.constant 48 : index
              %swap3A_570 = tpu.vector_load %arg8[%swap3A_568, %swap3A_569] {strides = array<i32>} : memref<800x64xf32, #tpu.memory_space<vmem>>, vector<16xf32>,
              tpu.vector_store %arg8[%swap3A_568, %swap3A_569], %broadcast_in_dim3A_412 {strides = array<i32>} : memref<800x64xf32, #tpu.memory_space<vmem>>, vector<16xf32>,
            } else {
            }
            %slice3A_516 = vector.extract_strided_slice %get3A_422 {offsets = [12], sizes = [1], strides = [1]} : vector<16xi32> to vector<1xi32>
            %squeeze3A_517 = vector.extract %slice3A_516[0] : i32 from vector<1xi32>
            %eq3A_518 = arith.constant 0 : i32
            %eq3A_519 = arith.cmpi eq, %squeeze3A_517, %eq3A_518 : i32
            %convert_element_type3A_520 = arith.extui %eq3A_519 : i1 to i32
            %cond3A_521 = arith.constant 0 : i32
            %cond3A_522 = arith.cmpi ne, %convert_element_type3A_520, %cond3A_521 : i32
            scf.if %cond3A_522 {
              %mul3A_544 = arith.constant 16 : i32
              %mul3A_545 = arith.muli %scan3A_419, %mul3A_544 : i32
              %add3A_546 = arith.constant 12 : i32
              %add3A_547 = arith.addi %mul3A_545, %add3A_546 : i32
              %swap3A = arith.index_cast %add3A_547 : i32 to index
              %swap3A_548 = arith.constant 0 : index
              %swap3A_549 = tpu.vector_load %arg8[%swap3A, %swap3A_548] {strides = array<i32>} : memref<800x64xf32, #tpu.memory_space<vmem>>, vector<16xf32>,
              tpu.vector_store %arg8[%swap3A, %swap3A_548], %broadcast_in_dim3A_412 {strides = array<i32>} : memref<800x64xf32, #tpu.memory_space<vmem>>, vector<16xf32>,
              %mul3A_550 = arith.constant 16 : i32
              %mul3A_551 = arith.muli %scan3A_419, %mul3A_550 : i32
              %add3A_552 = arith.constant 12 : i32
              %add3A_553 = arith.addi %mul3A_551, %add3A_552 : i32
              %swap3A_554 = arith.index_cast %add3A_553 : i32 to index
              %swap3A_555 = arith.constant 16 : index
              %swap3A_556 = tpu.vector_load %arg8[%swap3A_554, %swap3A_555] {strides = array<i32>} : memref<800x64xf32, #tpu.memory_space<vmem>>, vector<16xf32>,
              tpu.vector_store %arg8[%swap3A_554, %swap3A_555], %broadcast_in_dim3A_412 {strides = array<i32>} : memref<800x64xf32, #tpu.memory_space<vmem>>, vector<16xf32>,
              %mul3A_557 = arith.constant 16 : i32
              %mul3A_558 = arith.muli %scan3A_419, %mul3A_557 : i32
              %add3A_559 = arith.constant 12 : i32
              %add3A_560 = arith.addi %mul3A_558, %add3A_559 : i32
              %swap3A_561 = arith.index_cast %add3A_560 : i32 to index
              %swap3A_562 = arith.constant 32 : index
              %swap3A_563 = tpu.vector_load %arg8[%swap3A_561, %swap3A_562] {strides = array<i32>} : memref<800x64xf32, #tpu.memory_space<vmem>>, vector<16xf32>,
              tpu.vector_store %arg8[%swap3A_561, %swap3A_562], %broadcast_in_dim3A_412 {strides = array<i32>} : memref<800x64xf32, #tpu.memory_space<vmem>>, vector<16xf32>,
              %mul3A_564 = arith.constant 16 : i32
              %mul3A_565 = arith.muli %scan3A_419, %mul3A_564 : i32
              %add3A_566 = arith.constant 12 : i32
              %add3A_567 = arith.addi %mul3A_565, %add3A_566 : i32
              %swap3A_568 = arith.index_cast %add3A_567 : i32 to index
              %swap3A_569 = arith.constant 48 : index
              %swap3A_570 = tpu.vector_load %arg8[%swap3A_568, %swap3A_569] {strides = array<i32>} : memref<800x64xf32, #tpu.memory_space<vmem>>, vector<16xf32>,
              tpu.vector_store %arg8[%swap3A_568, %swap3A_569], %broadcast_in_dim3A_412 {strides = array<i32>} : memref<800x64xf32, #tpu.memory_space<vmem>>, vector<16xf32>,
            } else {
            }
            %slice3A_523 = vector.extract_strided_slice %get3A_422 {offsets = [13], sizes = [1], strides = [1]} : vector<16xi32> to vector<1xi32>
            %squeeze3A_524 = vector.extract %slice3A_523[0] : i32 from vector<1xi32>
            %eq3A_525 = arith.constant 0 : i32
            %eq3A_526 = arith.cmpi eq, %squeeze3A_524, %eq3A_525 : i32
            %convert_element_type3A_527 = arith.extui %eq3A_526 : i1 to i32
            %cond3A_528 = arith.constant 0 : i32
            %cond3A_529 = arith.cmpi ne, %convert_element_type3A_527, %cond3A_528 : i32
            scf.if %cond3A_529 {
              %mul3A_544 = arith.constant 16 : i32
              %mul3A_545 = arith.muli %scan3A_419, %mul3A_544 : i32
              %add3A_546 = arith.constant 13 : i32
              %add3A_547 = arith.addi %mul3A_545, %add3A_546 : i32
              %swap3A = arith.index_cast %add3A_547 : i32 to index
              %swap3A_548 = arith.constant 0 : index
              %swap3A_549 = tpu.vector_load %arg8[%swap3A, %swap3A_548] {strides = array<i32>} : memref<800x64xf32, #tpu.memory_space<vmem>>, vector<16xf32>,
              tpu.vector_store %arg8[%swap3A, %swap3A_548], %broadcast_in_dim3A_412 {strides = array<i32>} : memref<800x64xf32, #tpu.memory_space<vmem>>, vector<16xf32>,
              %mul3A_550 = arith.constant 16 : i32
              %mul3A_551 = arith.muli %scan3A_419, %mul3A_550 : i32
              %add3A_552 = arith.constant 13 : i32
              %add3A_553 = arith.addi %mul3A_551, %add3A_552 : i32
              %swap3A_554 = arith.index_cast %add3A_553 : i32 to index
              %swap3A_555 = arith.constant 16 : index
              %swap3A_556 = tpu.vector_load %arg8[%swap3A_554, %swap3A_555] {strides = array<i32>} : memref<800x64xf32, #tpu.memory_space<vmem>>, vector<16xf32>,
              tpu.vector_store %arg8[%swap3A_554, %swap3A_555], %broadcast_in_dim3A_412 {strides = array<i32>} : memref<800x64xf32, #tpu.memory_space<vmem>>, vector<16xf32>,
              %mul3A_557 = arith.constant 16 : i32
              %mul3A_558 = arith.muli %scan3A_419, %mul3A_557 : i32
              %add3A_559 = arith.constant 13 : i32
              %add3A_560 = arith.addi %mul3A_558, %add3A_559 : i32
              %swap3A_561 = arith.index_cast %add3A_560 : i32 to index
              %swap3A_562 = arith.constant 32 : index
              %swap3A_563 = tpu.vector_load %arg8[%swap3A_561, %swap3A_562] {strides = array<i32>} : memref<800x64xf32, #tpu.memory_space<vmem>>, vector<16xf32>,
              tpu.vector_store %arg8[%swap3A_561, %swap3A_562], %broadcast_in_dim3A_412 {strides = array<i32>} : memref<800x64xf32, #tpu.memory_space<vmem>>, vector<16xf32>,
              %mul3A_564 = arith.constant 16 : i32
              %mul3A_565 = arith.muli %scan3A_419, %mul3A_564 : i32
              %add3A_566 = arith.constant 13 : i32
              %add3A_567 = arith.addi %mul3A_565, %add3A_566 : i32
              %swap3A_568 = arith.index_cast %add3A_567 : i32 to index
              %swap3A_569 = arith.constant 48 : index
              %swap3A_570 = tpu.vector_load %arg8[%swap3A_568, %swap3A_569] {strides = array<i32>} : memref<800x64xf32, #tpu.memory_space<vmem>>, vector<16xf32>,
              tpu.vector_store %arg8[%swap3A_568, %swap3A_569], %broadcast_in_dim3A_412 {strides = array<i32>} : memref<800x64xf32, #tpu.memory_space<vmem>>, vector<16xf32>,
            } else {
            }
            %slice3A_530 = vector.extract_strided_slice %get3A_422 {offsets = [14], sizes = [1], strides = [1]} : vector<16xi32> to vector<1xi32>
            %squeeze3A_531 = vector.extract %slice3A_530[0] : i32 from vector<1xi32>
            %eq3A_532 = arith.constant 0 : i32
            %eq3A_533 = arith.cmpi eq, %squeeze3A_531, %eq3A_532 : i32
            %convert_element_type3A_534 = arith.extui %eq3A_533 : i1 to i32
            %cond3A_535 = arith.constant 0 : i32
            %cond3A_536 = arith.cmpi ne, %convert_element_type3A_534, %cond3A_535 : i32
            scf.if %cond3A_536 {
              %mul3A_544 = arith.constant 16 : i32
              %mul3A_545 = arith.muli %scan3A_419, %mul3A_544 : i32
              %add3A_546 = arith.constant 14 : i32
              %add3A_547 = arith.addi %mul3A_545, %add3A_546 : i32
              %swap3A = arith.index_cast %add3A_547 : i32 to index
              %swap3A_548 = arith.constant 0 : index
              %swap3A_549 = tpu.vector_load %arg8[%swap3A, %swap3A_548] {strides = array<i32>} : memref<800x64xf32, #tpu.memory_space<vmem>>, vector<16xf32>,
              tpu.vector_store %arg8[%swap3A, %swap3A_548], %broadcast_in_dim3A_412 {strides = array<i32>} : memref<800x64xf32, #tpu.memory_space<vmem>>, vector<16xf32>,
              %mul3A_550 = arith.constant 16 : i32
              %mul3A_551 = arith.muli %scan3A_419, %mul3A_550 : i32
              %add3A_552 = arith.constant 14 : i32
              %add3A_553 = arith.addi %mul3A_551, %add3A_552 : i32
              %swap3A_554 = arith.index_cast %add3A_553 : i32 to index
              %swap3A_555 = arith.constant 16 : index
              %swap3A_556 = tpu.vector_load %arg8[%swap3A_554, %swap3A_555] {strides = array<i32>} : memref<800x64xf32, #tpu.memory_space<vmem>>, vector<16xf32>,
              tpu.vector_store %arg8[%swap3A_554, %swap3A_555], %broadcast_in_dim3A_412 {strides = array<i32>} : memref<800x64xf32, #tpu.memory_space<vmem>>, vector<16xf32>,
              %mul3A_557 = arith.constant 16 : i32
              %mul3A_558 = arith.muli %scan3A_419, %mul3A_557 : i32
              %add3A_559 = arith.constant 14 : i32
              %add3A_560 = arith.addi %mul3A_558, %add3A_559 : i32
              %swap3A_561 = arith.index_cast %add3A_560 : i32 to index
              %swap3A_562 = arith.constant 32 : index
              %swap3A_563 = tpu.vector_load %arg8[%swap3A_561, %swap3A_562] {strides = array<i32>} : memref<800x64xf32, #tpu.memory_space<vmem>>, vector<16xf32>,
              tpu.vector_store %arg8[%swap3A_561, %swap3A_562], %broadcast_in_dim3A_412 {strides = array<i32>} : memref<800x64xf32, #tpu.memory_space<vmem>>, vector<16xf32>,
              %mul3A_564 = arith.constant 16 : i32
              %mul3A_565 = arith.muli %scan3A_419, %mul3A_564 : i32
              %add3A_566 = arith.constant 14 : i32
              %add3A_567 = arith.addi %mul3A_565, %add3A_566 : i32
              %swap3A_568 = arith.index_cast %add3A_567 : i32 to index
              %swap3A_569 = arith.constant 48 : index
              %swap3A_570 = tpu.vector_load %arg8[%swap3A_568, %swap3A_569] {strides = array<i32>} : memref<800x64xf32, #tpu.memory_space<vmem>>, vector<16xf32>,
              tpu.vector_store %arg8[%swap3A_568, %swap3A_569], %broadcast_in_dim3A_412 {strides = array<i32>} : memref<800x64xf32, #tpu.memory_space<vmem>>, vector<16xf32>,
            } else {
            }
            %slice3A_537 = vector.extract_strided_slice %get3A_422 {offsets = [15], sizes = [1], strides = [1]} : vector<16xi32> to vector<1xi32>
            %squeeze3A_538 = vector.extract %slice3A_537[0] : i32 from vector<1xi32>
            %eq3A_539 = arith.constant 0 : i32
            %eq3A_540 = arith.cmpi eq, %squeeze3A_538, %eq3A_539 : i32
            %convert_element_type3A_541 = arith.extui %eq3A_540 : i1 to i32
            %cond3A_542 = arith.constant 0 : i32
            %cond3A_543 = arith.cmpi ne, %convert_element_type3A_541, %cond3A_542 : i32
            scf.if %cond3A_543 {
              %mul3A_544 = arith.constant 16 : i32
              %mul3A_545 = arith.muli %scan3A_419, %mul3A_544 : i32
              %add3A_546 = arith.constant 15 : i32
              %add3A_547 = arith.addi %mul3A_545, %add3A_546 : i32
              %swap3A = arith.index_cast %add3A_547 : i32 to index
              %swap3A_548 = arith.constant 0 : index
              %swap3A_549 = tpu.vector_load %arg8[%swap3A, %swap3A_548] {strides = array<i32>} : memref<800x64xf32, #tpu.memory_space<vmem>>, vector<16xf32>,
              tpu.vector_store %arg8[%swap3A, %swap3A_548], %broadcast_in_dim3A_412 {strides = array<i32>} : memref<800x64xf32, #tpu.memory_space<vmem>>, vector<16xf32>,
              %mul3A_550 = arith.constant 16 : i32
              %mul3A_551 = arith.muli %scan3A_419, %mul3A_550 : i32
              %add3A_552 = arith.constant 15 : i32
              %add3A_553 = arith.addi %mul3A_551, %add3A_552 : i32
              %swap3A_554 = arith.index_cast %add3A_553 : i32 to index
              %swap3A_555 = arith.constant 16 : index
              %swap3A_556 = tpu.vector_load %arg8[%swap3A_554, %swap3A_555] {strides = array<i32>} : memref<800x64xf32, #tpu.memory_space<vmem>>, vector<16xf32>,
              tpu.vector_store %arg8[%swap3A_554, %swap3A_555], %broadcast_in_dim3A_412 {strides = array<i32>} : memref<800x64xf32, #tpu.memory_space<vmem>>, vector<16xf32>,
              %mul3A_557 = arith.constant 16 : i32
              %mul3A_558 = arith.muli %scan3A_419, %mul3A_557 : i32
              %add3A_559 = arith.constant 15 : i32
              %add3A_560 = arith.addi %mul3A_558, %add3A_559 : i32
              %swap3A_561 = arith.index_cast %add3A_560 : i32 to index
              %swap3A_562 = arith.constant 32 : index
              %swap3A_563 = tpu.vector_load %arg8[%swap3A_561, %swap3A_562] {strides = array<i32>} : memref<800x64xf32, #tpu.memory_space<vmem>>, vector<16xf32>,
              tpu.vector_store %arg8[%swap3A_561, %swap3A_562], %broadcast_in_dim3A_412 {strides = array<i32>} : memref<800x64xf32, #tpu.memory_space<vmem>>, vector<16xf32>,
              %mul3A_564 = arith.constant 16 : i32
              %mul3A_565 = arith.muli %scan3A_419, %mul3A_564 : i32
              %add3A_566 = arith.constant 15 : i32
              %add3A_567 = arith.addi %mul3A_565, %add3A_566 : i32
              %swap3A_568 = arith.index_cast %add3A_567 : i32 to index
              %swap3A_569 = arith.constant 48 : index
              %swap3A_570 = tpu.vector_load %arg8[%swap3A_568, %swap3A_569] {strides = array<i32>} : memref<800x64xf32, #tpu.memory_space<vmem>>, vector<16xf32>,
              tpu.vector_store %arg8[%swap3A_568, %swap3A_569], %broadcast_in_dim3A_412 {strides = array<i32>} : memref<800x64xf32, #tpu.memory_space<vmem>>, vector<16xf32>,
            } else {
            }
          } else {
          }
        }
        %scan3A_418 = arith.constant 50 : i32
      } else {
      }
      %mul3A_314 = arith.constant 800 : i32
      %mul3A_315 = arith.muli %add3A_298, %mul3A_314 : i32
      %add3A_316 = arith.addi %mul3A_2, %mul3A_315 : i32
      %jit3A_317 = arith.constant 200 : i32
      %div3A_318 = arith.divsi %add3A_316, %jit3A_317 : i32
      %sign3A_319 = arith.constant 0 : i32
      %sign3A_320 = arith.cmpi sgt, %add3A_316, %sign3A_319 : i32
      %sign3A_321 = arith.extui %sign3A_320 : i1 to i32
      %sign3A_322 = arith.constant 0 : i32
      %sign3A_323 = arith.cmpi slt, %add3A_316, %sign3A_322 : i32
      %sign3A_324 = arith.extui %sign3A_323 : i1 to i32
      %sign3A_325 = arith.subi %sign3A_321, %sign3A_324 : i32
      %sign3A_326 = arith.constant 0 : i32
      %sign3A_327 = arith.cmpi sgt, %jit3A_317, %sign3A_326 : i32
      %sign3A_328 = arith.extui %sign3A_327 : i1 to i32
      %sign3A_329 = arith.constant 0 : i32
      %sign3A_330 = arith.cmpi slt, %jit3A_317, %sign3A_329 : i32
      %sign3A_331 = arith.extui %sign3A_330 : i1 to i32
      %sign3A_332 = arith.subi %sign3A_328, %sign3A_331 : i32
      %ne3A_333 = arith.cmpi ne, %sign3A_325, %sign3A_332 : i32
      %rem3A_334 = arith.remsi %add3A_316, %jit3A_317 : i32
      %ne3A_335 = arith.constant 0 : i32
      %ne3A_336 = arith.cmpi ne, %rem3A_334, %ne3A_335 : i32
      %and3A_337 = arith.andi %ne3A_333, %ne3A_336 : i1
      %sub3A_338 = arith.constant 1 : i32
      %sub3A_339 = arith.subi %div3A_318, %sub3A_338 : i32
      %select_n3A_340 = arith.select %and3A_337, %sub3A_339, %div3A_318 : i32
      %add3A_341 = arith.constant 0 : i32
      %add3A_342 = arith.addi %select_n3A_340, %add3A_341 : i32
      %dma_start3A_343 = arith.constant 0 : i32
      %dma_start3A_344 = arith.constant 0 : i32
      %dma_start3A_345 = tpu.memref_slice %arg8[%dma_start3A_343, %dma_start3A_344] : memref<800x64xf32, #tpu.memory_space<vmem>> -> memref<200x64xf32, #tpu.memory_space<vmem>>
      %dma_start3A_346 = arith.constant 0 : i32
      %dma_start3A_347 = arith.constant 0 : i32
      %dma_start3A_348 = tpu.memref_slice %arg4[%add3A_342, %dma_start3A_346, %dma_start3A_347] : memref<4096x200x128xf32, #tpu.memory_space<hbm>> -> memref<1x200x64xf32, #tpu.memory_space<hbm>>
      %dma_start3A_349 = tpu.memref_squeeze %dma_start3A_348 : memref<1x200x64xf32, #tpu.memory_space<hbm>> -> memref<200x64xf32, #tpu.memory_space<hbm>>
      %dma_start3A_350 = arith.constant 0 : i32
      %dma_start3A_351 = arith.constant 0 : i32
      %dma_start3A_352 = tpu.memref_slice %arg4[%add3A_342, %dma_start3A_350, %dma_start3A_351] : memref<4096x200x128xf32, #tpu.memory_space<hbm>> -> memref<1x200x64xf32, #tpu.memory_space<hbm>>
      %dma_start3A_353 = tpu.memref_squeeze %dma_start3A_352 : memref<1x200x64xf32, #tpu.memory_space<hbm>> -> memref<200x64xf32, #tpu.memory_space<hbm>>
      %dma_start3A_354 = arith.constant 0 : i32
      %dma_start3A_355 = arith.constant 0 : i32
      %dma_start3A_356 = tpu.memref_slice %arg8[%dma_start3A_354, %dma_start3A_355] : memref<800x64xf32, #tpu.memory_space<vmem>> -> memref<200x64xf32, #tpu.memory_space<vmem>>
      tpu.enqueue_dma source(%dma_start3A_356 : memref<200x64xf32, #tpu.memory_space<vmem>>) target(%dma_start3A_353 : memref<200x64xf32, #tpu.memory_space<hbm>>) target_semaphore(%arg12 : memref<!tpu.dma_semaphore, #tpu.memory_space<semaphore_mem>>)
      %add3A_357 = arith.constant 1 : i32
      %add3A_358 = arith.addi %select_n3A_340, %add3A_357 : i32
      %dma_start3A_359 = arith.constant 200 : i32
      %dma_start3A_360 = arith.constant 0 : i32
      %dma_start3A_361 = tpu.memref_slice %arg8[%dma_start3A_359, %dma_start3A_360] : memref<800x64xf32, #tpu.memory_space<vmem>> -> memref<200x64xf32, #tpu.memory_space<vmem>>
      %dma_start3A_362 = arith.constant 0 : i32
      %dma_start3A_363 = arith.constant 0 : i32
      %dma_start3A_364 = tpu.memref_slice %arg4[%add3A_358, %dma_start3A_362, %dma_start3A_363] : memref<4096x200x128xf32, #tpu.memory_space<hbm>> -> memref<1x200x64xf32, #tpu.memory_space<hbm>>
      %dma_start3A_365 = tpu.memref_squeeze %dma_start3A_364 : memref<1x200x64xf32, #tpu.memory_space<hbm>> -> memref<200x64xf32, #tpu.memory_space<hbm>>
      %dma_start3A_366 = arith.constant 0 : i32
      %dma_start3A_367 = arith.constant 0 : i32
      %dma_start3A_368 = tpu.memref_slice %arg4[%add3A_358, %dma_start3A_366, %dma_start3A_367] : memref<4096x200x128xf32, #tpu.memory_space<hbm>> -> memref<1x200x64xf32, #tpu.memory_space<hbm>>
      %dma_start3A_369 = tpu.memref_squeeze %dma_start3A_368 : memref<1x200x64xf32, #tpu.memory_space<hbm>> -> memref<200x64xf32, #tpu.memory_space<hbm>>
      %dma_start3A_370 = arith.constant 200 : i32
      %dma_start3A_371 = arith.constant 0 : i32
      %dma_start3A_372 = tpu.memref_slice %arg8[%dma_start3A_370, %dma_start3A_371] : memref<800x64xf32, #tpu.memory_space<vmem>> -> memref<200x64xf32, #tpu.memory_space<vmem>>
      tpu.enqueue_dma source(%dma_start3A_372 : memref<200x64xf32, #tpu.memory_space<vmem>>) target(%dma_start3A_369 : memref<200x64xf32, #tpu.memory_space<hbm>>) target_semaphore(%arg12 : memref<!tpu.dma_semaphore, #tpu.memory_space<semaphore_mem>>)
      %add3A_373 = arith.constant 2 : i32
      %add3A_374 = arith.addi %select_n3A_340, %add3A_373 : i32
      %dma_start3A_375 = arith.constant 400 : i32
      %dma_start3A_376 = arith.constant 0 : i32
      %dma_start3A_377 = tpu.memref_slice %arg8[%dma_start3A_375, %dma_start3A_376] : memref<800x64xf32, #tpu.memory_space<vmem>> -> memref<200x64xf32, #tpu.memory_space<vmem>>
      %dma_start3A_378 = arith.constant 0 : i32
      %dma_start3A_379 = arith.constant 0 : i32
      %dma_start3A_380 = tpu.memref_slice %arg4[%add3A_374, %dma_start3A_378, %dma_start3A_379] : memref<4096x200x128xf32, #tpu.memory_space<hbm>> -> memref<1x200x64xf32, #tpu.memory_space<hbm>>
      %dma_start3A_381 = tpu.memref_squeeze %dma_start3A_380 : memref<1x200x64xf32, #tpu.memory_space<hbm>> -> memref<200x64xf32, #tpu.memory_space<hbm>>
      %dma_start3A_382 = arith.constant 0 : i32
      %dma_start3A_383 = arith.constant 0 : i32
      %dma_start3A_384 = tpu.memref_slice %arg4[%add3A_374, %dma_start3A_382, %dma_start3A_383] : memref<4096x200x128xf32, #tpu.memory_space<hbm>> -> memref<1x200x64xf32, #tpu.memory_space<hbm>>
      %dma_start3A_385 = tpu.memref_squeeze %dma_start3A_384 : memref<1x200x64xf32, #tpu.memory_space<hbm>> -> memref<200x64xf32, #tpu.memory_space<hbm>>
      %dma_start3A_386 = arith.constant 400 : i32
      %dma_start3A_387 = arith.constant 0 : i32
      %dma_start3A_388 = tpu.memref_slice %arg8[%dma_start3A_386, %dma_start3A_387] : memref<800x64xf32, #tpu.memory_space<vmem>> -> memref<200x64xf32, #tpu.memory_space<vmem>>
      tpu.enqueue_dma source(%dma_start3A_388 : memref<200x64xf32, #tpu.memory_space<vmem>>) target(%dma_start3A_385 : memref<200x64xf32, #tpu.memory_space<hbm>>) target_semaphore(%arg12 : memref<!tpu.dma_semaphore, #tpu.memory_space<semaphore_mem>>)
      %add3A_389 = arith.constant 3 : i32
      %add3A_390 = arith.addi %select_n3A_340, %add3A_389 : i32
      %dma_start3A_391 = arith.constant 600 : i32
      %dma_start3A_392 = arith.constant 0 : i32
      %dma_start3A_393 = tpu.memref_slice %arg8[%dma_start3A_391, %dma_start3A_392] : memref<800x64xf32, #tpu.memory_space<vmem>> -> memref<200x64xf32, #tpu.memory_space<vmem>>
      %dma_start3A_394 = arith.constant 0 : i32
      %dma_start3A_395 = arith.constant 0 : i32
      %dma_start3A_396 = tpu.memref_slice %arg4[%add3A_390, %dma_start3A_394, %dma_start3A_395] : memref<4096x200x128xf32, #tpu.memory_space<hbm>> -> memref<1x200x64xf32, #tpu.memory_space<hbm>>
      %dma_start3A_397 = tpu.memref_squeeze %dma_start3A_396 : memref<1x200x64xf32, #tpu.memory_space<hbm>> -> memref<200x64xf32, #tpu.memory_space<hbm>>
      %dma_start3A_398 = arith.constant 0 : i32
      %dma_start3A_399 = arith.constant 0 : i32
      %dma_start3A_400 = tpu.memref_slice %arg4[%add3A_390, %dma_start3A_398, %dma_start3A_399] : memref<4096x200x128xf32, #tpu.memory_space<hbm>> -> memref<1x200x64xf32, #tpu.memory_space<hbm>>
      %dma_start3A_401 = tpu.memref_squeeze %dma_start3A_400 : memref<1x200x64xf32, #tpu.memory_space<hbm>> -> memref<200x64xf32, #tpu.memory_space<hbm>>
      %dma_start3A_402 = arith.constant 600 : i32
      %dma_start3A_403 = arith.constant 0 : i32
      %dma_start3A_404 = tpu.memref_slice %arg8[%dma_start3A_402, %dma_start3A_403] : memref<800x64xf32, #tpu.memory_space<vmem>> -> memref<200x64xf32, #tpu.memory_space<vmem>>
      tpu.enqueue_dma source(%dma_start3A_404 : memref<200x64xf32, #tpu.memory_space<vmem>>) target(%dma_start3A_401 : memref<200x64xf32, #tpu.memory_space<hbm>>) target_semaphore(%arg12 : memref<!tpu.dma_semaphore, #tpu.memory_space<semaphore_mem>>)
      %add3A_405 = arith.constant 1 : i32
      %add3A_406 = arith.addi %add3A_298, %add3A_405 : i32
      %lt3A_407 = arith.constant 32 : i32
      %lt3A_408 = arith.cmpi slt, %add3A_406, %lt3A_407 : i32
      %convert_element_type3A_409 = arith.extui %lt3A_408 : i1 to i32
      %cond3A_410 = arith.constant 0 : i32
      %cond3A_411 = arith.cmpi ne, %convert_element_type3A_409, %cond3A_410 : i32
      scf.if %cond3A_411 {
        %ge3A = arith.constant 1 : i32
        %ge3A_412 = arith.cmpi sge, %add3A_298, %ge3A : i32
        %convert_element_type3A_413 = arith.extui %ge3A_412 : i1 to i32
        %cond3A_414 = arith.constant 0 : i32
        %cond3A_415 = arith.cmpi ne, %convert_element_type3A_413, %cond3A_414 : i32
        scf.if %cond3A_415 {
          %sub3A_424 = arith.constant 1 : i32
          %sub3A_425 = arith.subi %add3A_298, %sub3A_424 : i32
          %mul3A_426 = arith.constant 800 : i32
          %mul3A_427 = arith.muli %sub3A_425, %mul3A_426 : i32
          %add3A_428 = arith.addi %mul3A_2, %mul3A_427 : i32
          %jit3A_429 = arith.constant 200 : i32
          %div3A_430 = arith.divsi %add3A_428, %jit3A_429 : i32
          %sign3A_431 = arith.constant 0 : i32
          %sign3A_432 = arith.cmpi sgt, %add3A_428, %sign3A_431 : i32
          %sign3A_433 = arith.extui %sign3A_432 : i1 to i32
          %sign3A_434 = arith.constant 0 : i32
          %sign3A_435 = arith.cmpi slt, %add3A_428, %sign3A_434 : i32
          %sign3A_436 = arith.extui %sign3A_435 : i1 to i32
          %sign3A_437 = arith.subi %sign3A_433, %sign3A_436 : i32
          %sign3A_438 = arith.constant 0 : i32
          %sign3A_439 = arith.cmpi sgt, %jit3A_429, %sign3A_438 : i32
          %sign3A_440 = arith.extui %sign3A_439 : i1 to i32
          %sign3A_441 = arith.constant 0 : i32
          %sign3A_442 = arith.cmpi slt, %jit3A_429, %sign3A_441 : i32
          %sign3A_443 = arith.extui %sign3A_442 : i1 to i32
          %sign3A_444 = arith.subi %sign3A_440, %sign3A_443 : i32
          %ne3A_445 = arith.cmpi ne, %sign3A_437, %sign3A_444 : i32
          %rem3A_446 = arith.remsi %add3A_428, %jit3A_429 : i32
          %ne3A_447 = arith.constant 0 : i32
          %ne3A_448 = arith.cmpi ne, %rem3A_446, %ne3A_447 : i32
          %and3A_449 = arith.andi %ne3A_445, %ne3A_448 : i1
          %sub3A_450 = arith.constant 1 : i32
          %sub3A_451 = arith.subi %div3A_430, %sub3A_450 : i32
          %select_n3A_452 = arith.select %and3A_449, %sub3A_451, %div3A_430 : i32
          %add3A_453 = arith.constant 0 : i32
          %add3A_454 = arith.addi %select_n3A_452, %add3A_453 : i32
          %dma_wait3A_455 = arith.constant 0 : i32
          %dma_wait3A_456 = arith.constant 0 : i32
          %dma_wait3A_457 = tpu.memref_slice %arg7[%dma_wait3A_455, %dma_wait3A_456] : memref<800x64xf32, #tpu.memory_space<vmem>> -> memref<200x64xf32, #tpu.memory_space<vmem>>
          %dma_wait3A_458 = arith.constant 0 : i32
          %dma_wait3A_459 = arith.constant 0 : i32
          %dma_wait3A_460 = tpu.memref_slice %arg4[%add3A_454, %dma_wait3A_458, %dma_wait3A_459] : memref<4096x200x128xf32, #tpu.memory_space<hbm>> -> memref<1x200x64xf32, #tpu.memory_space<hbm>>
          %dma_wait3A_461 = tpu.memref_squeeze %dma_wait3A_460 : memref<1x200x64xf32, #tpu.memory_space<hbm>> -> memref<200x64xf32, #tpu.memory_space<hbm>>
          %dma_wait3A_462 = arith.constant 0 : i32
          %dma_wait3A_463 = arith.constant 0 : i32
          %dma_wait3A_464 = tpu.memref_slice %arg4[%add3A_454, %dma_wait3A_462, %dma_wait3A_463] : memref<4096x200x128xf32, #tpu.memory_space<hbm>> -> memref<1x200x64xf32, #tpu.memory_space<hbm>>
          %dma_wait3A_465 = tpu.memref_squeeze %dma_wait3A_464 : memref<1x200x64xf32, #tpu.memory_space<hbm>> -> memref<200x64xf32, #tpu.memory_space<hbm>>
          %dma_wait3A_466 = arith.constant 0 : i32
          %dma_wait3A_467 = arith.constant 0 : i32
          %dma_wait3A_468 = tpu.memref_slice %arg7[%dma_wait3A_466, %dma_wait3A_467] : memref<800x64xf32, #tpu.memory_space<vmem>> -> memref<200x64xf32, #tpu.memory_space<vmem>>
          tpu.wait_dma2 semaphore(%arg11 : memref<!tpu.dma_semaphore, #tpu.memory_space<semaphore_mem>>) src(%dma_wait3A_468 : memref<200x64xf32, #tpu.memory_space<vmem>>) dst(%dma_wait3A_465 : memref<200x64xf32, #tpu.memory_space<hbm>>)
          %add3A_469 = arith.constant 1 : i32
          %add3A_470 = arith.addi %select_n3A_452, %add3A_469 : i32
          %dma_wait3A_471 = arith.constant 200 : i32
          %dma_wait3A_472 = arith.constant 0 : i32
          %dma_wait3A_473 = tpu.memref_slice %arg7[%dma_wait3A_471, %dma_wait3A_472] : memref<800x64xf32, #tpu.memory_space<vmem>> -> memref<200x64xf32, #tpu.memory_space<vmem>>
          %dma_wait3A_474 = arith.constant 0 : i32
          %dma_wait3A_475 = arith.constant 0 : i32
          %dma_wait3A_476 = tpu.memref_slice %arg4[%add3A_470, %dma_wait3A_474, %dma_wait3A_475] : memref<4096x200x128xf32, #tpu.memory_space<hbm>> -> memref<1x200x64xf32, #tpu.memory_space<hbm>>
          %dma_wait3A_477 = tpu.memref_squeeze %dma_wait3A_476 : memref<1x200x64xf32, #tpu.memory_space<hbm>> -> memref<200x64xf32, #tpu.memory_space<hbm>>
          %dma_wait3A_478 = arith.constant 0 : i32
          %dma_wait3A_479 = arith.constant 0 : i32
          %dma_wait3A_480 = tpu.memref_slice %arg4[%add3A_470, %dma_wait3A_478, %dma_wait3A_479] : memref<4096x200x128xf32, #tpu.memory_space<hbm>> -> memref<1x200x64xf32, #tpu.memory_space<hbm>>
          %dma_wait3A_481 = tpu.memref_squeeze %dma_wait3A_480 : memref<1x200x64xf32, #tpu.memory_space<hbm>> -> memref<200x64xf32, #tpu.memory_space<hbm>>
          %dma_wait3A_482 = arith.constant 200 : i32
          %dma_wait3A_483 = arith.constant 0 : i32
          %dma_wait3A_484 = tpu.memref_slice %arg7[%dma_wait3A_482, %dma_wait3A_483] : memref<800x64xf32, #tpu.memory_space<vmem>> -> memref<200x64xf32, #tpu.memory_space<vmem>>
          tpu.wait_dma2 semaphore(%arg11 : memref<!tpu.dma_semaphore, #tpu.memory_space<semaphore_mem>>) src(%dma_wait3A_484 : memref<200x64xf32, #tpu.memory_space<vmem>>) dst(%dma_wait3A_481 : memref<200x64xf32, #tpu.memory_space<hbm>>)
          %add3A_485 = arith.constant 2 : i32
          %add3A_486 = arith.addi %select_n3A_452, %add3A_485 : i32
          %dma_wait3A_487 = arith.constant 400 : i32
          %dma_wait3A_488 = arith.constant 0 : i32
          %dma_wait3A_489 = tpu.memref_slice %arg7[%dma_wait3A_487, %dma_wait3A_488] : memref<800x64xf32, #tpu.memory_space<vmem>> -> memref<200x64xf32, #tpu.memory_space<vmem>>
          %dma_wait3A_490 = arith.constant 0 : i32
          %dma_wait3A_491 = arith.constant 0 : i32
          %dma_wait3A_492 = tpu.memref_slice %arg4[%add3A_486, %dma_wait3A_490, %dma_wait3A_491] : memref<4096x200x128xf32, #tpu.memory_space<hbm>> -> memref<1x200x64xf32, #tpu.memory_space<hbm>>
          %dma_wait3A_493 = tpu.memref_squeeze %dma_wait3A_492 : memref<1x200x64xf32, #tpu.memory_space<hbm>> -> memref<200x64xf32, #tpu.memory_space<hbm>>
          %dma_wait3A_494 = arith.constant 0 : i32
          %dma_wait3A_495 = arith.constant 0 : i32
          %dma_wait3A_496 = tpu.memref_slice %arg4[%add3A_486, %dma_wait3A_494, %dma_wait3A_495] : memref<4096x200x128xf32, #tpu.memory_space<hbm>> -> memref<1x200x64xf32, #tpu.memory_space<hbm>>
          %dma_wait3A_497 = tpu.memref_squeeze %dma_wait3A_496 : memref<1x200x64xf32, #tpu.memory_space<hbm>> -> memref<200x64xf32, #tpu.memory_space<hbm>>
          %dma_wait3A_498 = arith.constant 400 : i32
          %dma_wait3A_499 = arith.constant 0 : i32
          %dma_wait3A_500 = tpu.memref_slice %arg7[%dma_wait3A_498, %dma_wait3A_499] : memref<800x64xf32, #tpu.memory_space<vmem>> -> memref<200x64xf32, #tpu.memory_space<vmem>>
          tpu.wait_dma2 semaphore(%arg11 : memref<!tpu.dma_semaphore, #tpu.memory_space<semaphore_mem>>) src(%dma_wait3A_500 : memref<200x64xf32, #tpu.memory_space<vmem>>) dst(%dma_wait3A_497 : memref<200x64xf32, #tpu.memory_space<hbm>>)
          %add3A_501 = arith.constant 3 : i32
          %add3A_502 = arith.addi %select_n3A_452, %add3A_501 : i32
          %dma_wait3A_503 = arith.constant 600 : i32
          %dma_wait3A_504 = arith.constant 0 : i32
          %dma_wait3A_505 = tpu.memref_slice %arg7[%dma_wait3A_503, %dma_wait3A_504] : memref<800x64xf32, #tpu.memory_space<vmem>> -> memref<200x64xf32, #tpu.memory_space<vmem>>
          %dma_wait3A_506 = arith.constant 0 : i32
          %dma_wait3A_507 = arith.constant 0 : i32
          %dma_wait3A_508 = tpu.memref_slice %arg4[%add3A_502, %dma_wait3A_506, %dma_wait3A_507] : memref<4096x200x128xf32, #tpu.memory_space<hbm>> -> memref<1x200x64xf32, #tpu.memory_space<hbm>>
          %dma_wait3A_509 = tpu.memref_squeeze %dma_wait3A_508 : memref<1x200x64xf32, #tpu.memory_space<hbm>> -> memref<200x64xf32, #tpu.memory_space<hbm>>
          %dma_wait3A_510 = arith.constant 0 : i32
          %dma_wait3A_511 = arith.constant 0 : i32
          %dma_wait3A_512 = tpu.memref_slice %arg4[%add3A_502, %dma_wait3A_510, %dma_wait3A_511] : memref<4096x200x128xf32, #tpu.memory_space<hbm>> -> memref<1x200x64xf32, #tpu.memory_space<hbm>>
          %dma_wait3A_513 = tpu.memref_squeeze %dma_wait3A_512 : memref<1x200x64xf32, #tpu.memory_space<hbm>> -> memref<200x64xf32, #tpu.memory_space<hbm>>
          %dma_wait3A_514 = arith.constant 600 : i32
          %dma_wait3A_515 = arith.constant 0 : i32
          %dma_wait3A_516 = tpu.memref_slice %arg7[%dma_wait3A_514, %dma_wait3A_515] : memref<800x64xf32, #tpu.memory_space<vmem>> -> memref<200x64xf32, #tpu.memory_space<vmem>>
          tpu.wait_dma2 semaphore(%arg11 : memref<!tpu.dma_semaphore, #tpu.memory_space<semaphore_mem>>) src(%dma_wait3A_516 : memref<200x64xf32, #tpu.memory_space<vmem>>) dst(%dma_wait3A_513 : memref<200x64xf32, #tpu.memory_space<hbm>>)
        } else {
        }
        %add3A_416 = arith.constant 1 : i32
        %add3A_417 = arith.addi %add3A_298, %add3A_416 : i32
        %mul3A_418 = arith.constant 800 : i32
        %mul3A_419 = arith.muli %add3A_417, %mul3A_418 : i32
        %add3A_420 = arith.addi %mul3A_2, %mul3A_419 : i32
        "tpu.region"() ({
          %run_scoped3A = tpu.sem_alloc : memref<!tpu.dma_semaphore, #tpu.memory_space<semaphore_mem>>
          %dma_start3A_424 = tpu.memref_slice %arg2[%add3A_420] : memref<819200xi32, #tpu.memory_space<hbm>> -> memref<800xi32, #tpu.memory_space<hbm>>
          %dma_start3A_425 = tpu.memref_slice %arg2[%add3A_420] : memref<819200xi32, #tpu.memory_space<hbm>> -> memref<800xi32, #tpu.memory_space<hbm>>
          tpu.enqueue_dma source(%dma_start3A_425 : memref<800xi32, #tpu.memory_space<hbm>>) target(%arg5 : memref<800xi32, #tpu.memory_space<vmem>>) target_semaphore(%run_scoped3A : memref<!tpu.dma_semaphore, #tpu.memory_space<semaphore_mem>>)
          %dma_wait3A_426 = tpu.memref_slice %arg2[%add3A_420] : memref<819200xi32, #tpu.memory_space<hbm>> -> memref<800xi32, #tpu.memory_space<hbm>>
          %dma_wait3A_427 = tpu.memref_slice %arg2[%add3A_420] : memref<819200xi32, #tpu.memory_space<hbm>> -> memref<800xi32, #tpu.memory_space<hbm>>
          tpu.wait_dma2 semaphore(%run_scoped3A : memref<!tpu.dma_semaphore, #tpu.memory_space<semaphore_mem>>) src(%dma_wait3A_427 : memref<800xi32, #tpu.memory_space<hbm>>) dst(%arg5 : memref<800xi32, #tpu.memory_space<vmem>>)
          tpu.yield
        }) : () -> ()
        %dma_start3A_421 = arith.constant 0 : i32
        %dma_start3A_422 = arith.constant 0 : i32
        %dma_start3A_423 = tpu.memref_slice %arg3[%dma_start3A_421, %dma_start3A_422] : memref<1000000x64xf32, #tpu.memory_space<hbm>> -> memref<1000000x64xf32, #tpu.memory_space<hbm>>
        tpu.enqueue_indirect_dma source(%dma_start3A_423 : memref<1000000x64xf32, #tpu.memory_space<hbm>>) target(%arg7 : memref<800x64xf32, #tpu.memory_space<vmem>>) offsets(%arg5 : memref<800xi32, #tpu.memory_space<vmem>>) semaphore(%arg9 : memref<!tpu.dma_semaphore, #tpu.memory_space<semaphore_mem>>)
      } else {
      }
    }
    %scan3A_9 = arith.constant 16 : i32
    %add3A_10 = arith.constant 24000 : i32
    %add3A_11 = arith.addi %mul3A_2, %add3A_10 : i32
    %jit3A = arith.constant 200 : i32
    %div3A = arith.divsi %add3A_11, %jit3A : i32
    %sign3A = arith.constant 0 : i32
    %sign3A_12 = arith.cmpi sgt, %add3A_11, %sign3A : i32
    %sign3A_13 = arith.extui %sign3A_12 : i1 to i32
    %sign3A_14 = arith.constant 0 : i32
    %sign3A_15 = arith.cmpi slt, %add3A_11, %sign3A_14 : i32
    %sign3A_16 = arith.extui %sign3A_15 : i1 to i32
    %sign3A_17 = arith.subi %sign3A_13, %sign3A_16 : i32
    %sign3A_18 = arith.constant 0 : i32
    %sign3A_19 = arith.cmpi sgt, %jit3A, %sign3A_18 : i32
    %sign3A_20 = arith.extui %sign3A_19 : i1 to i32
    %sign3A_21 = arith.constant 0 : i32
    %sign3A_22 = arith.cmpi slt, %jit3A, %sign3A_21 : i32
    %sign3A_23 = arith.extui %sign3A_22 : i1 to i32
    %sign3A_24 = arith.subi %sign3A_20, %sign3A_23 : i32
    %ne3A = arith.cmpi ne, %sign3A_17, %sign3A_24 : i32
    %rem3A = arith.remsi %add3A_11, %jit3A : i32
    %ne3A_25 = arith.constant 0 : i32
    %ne3A_26 = arith.cmpi ne, %rem3A, %ne3A_25 : i32
    %and3A = arith.andi %ne3A, %ne3A_26 : i1
    %sub3A = arith.constant 1 : i32
    %sub3A_27 = arith.subi %div3A, %sub3A : i32
    %select_n3A = arith.select %and3A, %sub3A_27, %div3A : i32
    %add3A_28 = arith.constant 0 : i32
    %add3A_29 = arith.addi %select_n3A, %add3A_28 : i32
    %dma_wait3A = arith.constant 0 : i32
    %dma_wait3A_30 = arith.constant 0 : i32
    %dma_wait3A_31 = tpu.memref_slice %arg7[%dma_wait3A, %dma_wait3A_30] : memref<800x64xf32, #tpu.memory_space<vmem>> -> memref<200x64xf32, #tpu.memory_space<vmem>>
    %dma_wait3A_32 = arith.constant 0 : i32
    %dma_wait3A_33 = arith.constant 0 : i32
    %dma_wait3A_34 = tpu.memref_slice %arg4[%add3A_29, %dma_wait3A_32, %dma_wait3A_33] : memref<4096x200x128xf32, #tpu.memory_space<hbm>> -> memref<1x200x64xf32, #tpu.memory_space<hbm>>
    %dma_wait3A_35 = tpu.memref_squeeze %dma_wait3A_34 : memref<1x200x64xf32, #tpu.memory_space<hbm>> -> memref<200x64xf32, #tpu.memory_space<hbm>>
    %dma_wait3A_36 = arith.constant 0 : i32
    %dma_wait3A_37 = arith.constant 0 : i32
    %dma_wait3A_38 = tpu.memref_slice %arg4[%add3A_29, %dma_wait3A_36, %dma_wait3A_37] : memref<4096x200x128xf32, #tpu.memory_space<hbm>> -> memref<1x200x64xf32, #tpu.memory_space<hbm>>
    %dma_wait3A_39 = tpu.memref_squeeze %dma_wait3A_38 : memref<1x200x64xf32, #tpu.memory_space<hbm>> -> memref<200x64xf32, #tpu.memory_space<hbm>>
    %dma_wait3A_40 = arith.constant 0 : i32
    %dma_wait3A_41 = arith.constant 0 : i32
    %dma_wait3A_42 = tpu.memref_slice %arg7[%dma_wait3A_40, %dma_wait3A_41] : memref<800x64xf32, #tpu.memory_space<vmem>> -> memref<200x64xf32, #tpu.memory_space<vmem>>
    tpu.wait_dma2 semaphore(%arg11 : memref<!tpu.dma_semaphore, #tpu.memory_space<semaphore_mem>>) src(%dma_wait3A_42 : memref<200x64xf32, #tpu.memory_space<vmem>>) dst(%dma_wait3A_39 : memref<200x64xf32, #tpu.memory_space<hbm>>)
    %add3A_43 = arith.constant 1 : i32
    %add3A_44 = arith.addi %select_n3A, %add3A_43 : i32
    %dma_wait3A_45 = arith.constant 200 : i32
    %dma_wait3A_46 = arith.constant 0 : i32
    %dma_wait3A_47 = tpu.memref_slice %arg7[%dma_wait3A_45, %dma_wait3A_46] : memref<800x64xf32, #tpu.memory_space<vmem>> -> memref<200x64xf32, #tpu.memory_space<vmem>>
    %dma_wait3A_48 = arith.constant 0 : i32
    %dma_wait3A_49 = arith.constant 0 : i32
    %dma_wait3A_50 = tpu.memref_slice %arg4[%add3A_44, %dma_wait3A_48, %dma_wait3A_49] : memref<4096x200x128xf32, #tpu.memory_space<hbm>> -> memref<1x200x64xf32, #tpu.memory_space<hbm>>
    %dma_wait3A_51 = tpu.memref_squeeze %dma_wait3A_50 : memref<1x200x64xf32, #tpu.memory_space<hbm>> -> memref<200x64xf32, #tpu.memory_space<hbm>>
    %dma_wait3A_52 = arith.constant 0 : i32
    %dma_wait3A_53 = arith.constant 0 : i32
    %dma_wait3A_54 = tpu.memref_slice %arg4[%add3A_44, %dma_wait3A_52, %dma_wait3A_53] : memref<4096x200x128xf32, #tpu.memory_space<hbm>> -> memref<1x200x64xf32, #tpu.memory_space<hbm>>
    %dma_wait3A_55 = tpu.memref_squeeze %dma_wait3A_54 : memref<1x200x64xf32, #tpu.memory_space<hbm>> -> memref<200x64xf32, #tpu.memory_space<hbm>>
    %dma_wait3A_56 = arith.constant 200 : i32
    %dma_wait3A_57 = arith.constant 0 : i32
    %dma_wait3A_58 = tpu.memref_slice %arg7[%dma_wait3A_56, %dma_wait3A_57] : memref<800x64xf32, #tpu.memory_space<vmem>> -> memref<200x64xf32, #tpu.memory_space<vmem>>
    tpu.wait_dma2 semaphore(%arg11 : memref<!tpu.dma_semaphore, #tpu.memory_space<semaphore_mem>>) src(%dma_wait3A_58 : memref<200x64xf32, #tpu.memory_space<vmem>>) dst(%dma_wait3A_55 : memref<200x64xf32, #tpu.memory_space<hbm>>)
    %add3A_59 = arith.constant 2 : i32
    %add3A_60 = arith.addi %select_n3A, %add3A_59 : i32
    %dma_wait3A_61 = arith.constant 400 : i32
    %dma_wait3A_62 = arith.constant 0 : i32
    %dma_wait3A_63 = tpu.memref_slice %arg7[%dma_wait3A_61, %dma_wait3A_62] : memref<800x64xf32, #tpu.memory_space<vmem>> -> memref<200x64xf32, #tpu.memory_space<vmem>>
    %dma_wait3A_64 = arith.constant 0 : i32
    %dma_wait3A_65 = arith.constant 0 : i32
    %dma_wait3A_66 = tpu.memref_slice %arg4[%add3A_60, %dma_wait3A_64, %dma_wait3A_65] : memref<4096x200x128xf32, #tpu.memory_space<hbm>> -> memref<1x200x64xf32, #tpu.memory_space<hbm>>
    %dma_wait3A_67 = tpu.memref_squeeze %dma_wait3A_66 : memref<1x200x64xf32, #tpu.memory_space<hbm>> -> memref<200x64xf32, #tpu.memory_space<hbm>>
    %dma_wait3A_68 = arith.constant 0 : i32
    %dma_wait3A_69 = arith.constant 0 : i32
    %dma_wait3A_70 = tpu.memref_slice %arg4[%add3A_60, %dma_wait3A_68, %dma_wait3A_69] : memref<4096x200x128xf32, #tpu.memory_space<hbm>> -> memref<1x200x64xf32, #tpu.memory_space<hbm>>
    %dma_wait3A_71 = tpu.memref_squeeze %dma_wait3A_70 : memref<1x200x64xf32, #tpu.memory_space<hbm>> -> memref<200x64xf32, #tpu.memory_space<hbm>>
    %dma_wait3A_72 = arith.constant 400 : i32
    %dma_wait3A_73 = arith.constant 0 : i32
    %dma_wait3A_74 = tpu.memref_slice %arg7[%dma_wait3A_72, %dma_wait3A_73] : memref<800x64xf32, #tpu.memory_space<vmem>> -> memref<200x64xf32, #tpu.memory_space<vmem>>
    tpu.wait_dma2 semaphore(%arg11 : memref<!tpu.dma_semaphore, #tpu.memory_space<semaphore_mem>>) src(%dma_wait3A_74 : memref<200x64xf32, #tpu.memory_space<vmem>>) dst(%dma_wait3A_71 : memref<200x64xf32, #tpu.memory_space<hbm>>)
    %add3A_75 = arith.constant 3 : i32
    %add3A_76 = arith.addi %select_n3A, %add3A_75 : i32
    %dma_wait3A_77 = arith.constant 600 : i32
    %dma_wait3A_78 = arith.constant 0 : i32
    %dma_wait3A_79 = tpu.memref_slice %arg7[%dma_wait3A_77, %dma_wait3A_78] : memref<800x64xf32, #tpu.memory_space<vmem>> -> memref<200x64xf32, #tpu.memory_space<vmem>>
    %dma_wait3A_80 = arith.constant 0 : i32
    %dma_wait3A_81 = arith.constant 0 : i32
    %dma_wait3A_82 = tpu.memref_slice %arg4[%add3A_76, %dma_wait3A_80, %dma_wait3A_81] : memref<4096x200x128xf32, #tpu.memory_space<hbm>> -> memref<1x200x64xf32, #tpu.memory_space<hbm>>
    %dma_wait3A_83 = tpu.memref_squeeze %dma_wait3A_82 : memref<1x200x64xf32, #tpu.memory_space<hbm>> -> memref<200x64xf32, #tpu.memory_space<hbm>>
    %dma_wait3A_84 = arith.constant 0 : i32
    %dma_wait3A_85 = arith.constant 0 : i32
    %dma_wait3A_86 = tpu.memref_slice %arg4[%add3A_76, %dma_wait3A_84, %dma_wait3A_85] : memref<4096x200x128xf32, #tpu.memory_space<hbm>> -> memref<1x200x64xf32, #tpu.memory_space<hbm>>
    %dma_wait3A_87 = tpu.memref_squeeze %dma_wait3A_86 : memref<1x200x64xf32, #tpu.memory_space<hbm>> -> memref<200x64xf32, #tpu.memory_space<hbm>>
    %dma_wait3A_88 = arith.constant 600 : i32
    %dma_wait3A_89 = arith.constant 0 : i32
    %dma_wait3A_90 = tpu.memref_slice %arg7[%dma_wait3A_88, %dma_wait3A_89] : memref<800x64xf32, #tpu.memory_space<vmem>> -> memref<200x64xf32, #tpu.memory_space<vmem>>
    tpu.wait_dma2 semaphore(%arg11 : memref<!tpu.dma_semaphore, #tpu.memory_space<semaphore_mem>>) src(%dma_wait3A_90 : memref<200x64xf32, #tpu.memory_space<vmem>>) dst(%dma_wait3A_87 : memref<200x64xf32, #tpu.memory_space<hbm>>)
    %add3A_91 = arith.constant 24800 : i32
    %add3A_92 = arith.addi %mul3A_2, %add3A_91 : i32
    %jit3A_93 = arith.constant 200 : i32
    %div3A_94 = arith.divsi %add3A_92, %jit3A_93 : i32
    %sign3A_95 = arith.constant 0 : i32
    %sign3A_96 = arith.cmpi sgt, %add3A_92, %sign3A_95 : i32
    %sign3A_97 = arith.extui %sign3A_96 : i1 to i32
    %sign3A_98 = arith.constant 0 : i32
    %sign3A_99 = arith.cmpi slt, %add3A_92, %sign3A_98 : i32
    %sign3A_100 = arith.extui %sign3A_99 : i1 to i32
    %sign3A_101 = arith.subi %sign3A_97, %sign3A_100 : i32
    %sign3A_102 = arith.constant 0 : i32
    %sign3A_103 = arith.cmpi sgt, %jit3A_93, %sign3A_102 : i32
    %sign3A_104 = arith.extui %sign3A_103 : i1 to i32
    %sign3A_105 = arith.constant 0 : i32
    %sign3A_106 = arith.cmpi slt, %jit3A_93, %sign3A_105 : i32
    %sign3A_107 = arith.extui %sign3A_106 : i1 to i32
    %sign3A_108 = arith.subi %sign3A_104, %sign3A_107 : i32
    %ne3A_109 = arith.cmpi ne, %sign3A_101, %sign3A_108 : i32
    %rem3A_110 = arith.remsi %add3A_92, %jit3A_93 : i32
    %ne3A_111 = arith.constant 0 : i32
    %ne3A_112 = arith.cmpi ne, %rem3A_110, %ne3A_111 : i32
    %and3A_113 = arith.andi %ne3A_109, %ne3A_112 : i1
    %sub3A_114 = arith.constant 1 : i32
    %sub3A_115 = arith.subi %div3A_94, %sub3A_114 : i32
    %select_n3A_116 = arith.select %and3A_113, %sub3A_115, %div3A_94 : i32
    %add3A_117 = arith.constant 0 : i32
    %add3A_118 = arith.addi %select_n3A_116, %add3A_117 : i32
    %dma_wait3A_119 = arith.constant 0 : i32
    %dma_wait3A_120 = arith.constant 0 : i32
    %dma_wait3A_121 = tpu.memref_slice %arg8[%dma_wait3A_119, %dma_wait3A_120] : memref<800x64xf32, #tpu.memory_space<vmem>> -> memref<200x64xf32, #tpu.memory_space<vmem>>
    %dma_wait3A_122 = arith.constant 0 : i32
    %dma_wait3A_123 = arith.constant 0 : i32
    %dma_wait3A_124 = tpu.memref_slice %arg4[%add3A_118, %dma_wait3A_122, %dma_wait3A_123] : memref<4096x200x128xf32, #tpu.memory_space<hbm>> -> memref<1x200x64xf32, #tpu.memory_space<hbm>>
    %dma_wait3A_125 = tpu.memref_squeeze %dma_wait3A_124 : memref<1x200x64xf32, #tpu.memory_space<hbm>> -> memref<200x64xf32, #tpu.memory_space<hbm>>
    %dma_wait3A_126 = arith.constant 0 : i32
    %dma_wait3A_127 = arith.constant 0 : i32
    %dma_wait3A_128 = tpu.memref_slice %arg4[%add3A_118, %dma_wait3A_126, %dma_wait3A_127] : memref<4096x200x128xf32, #tpu.memory_space<hbm>> -> memref<1x200x64xf32, #tpu.memory_space<hbm>>
    %dma_wait3A_129 = tpu.memref_squeeze %dma_wait3A_128 : memref<1x200x64xf32, #tpu.memory_space<hbm>> -> memref<200x64xf32, #tpu.memory_space<hbm>>
    %dma_wait3A_130 = arith.constant 0 : i32
    %dma_wait3A_131 = arith.constant 0 : i32
    %dma_wait3A_132 = tpu.memref_slice %arg8[%dma_wait3A_130, %dma_wait3A_131] : memref<800x64xf32, #tpu.memory_space<vmem>> -> memref<200x64xf32, #tpu.memory_space<vmem>>
    tpu.wait_dma2 semaphore(%arg12 : memref<!tpu.dma_semaphore, #tpu.memory_space<semaphore_mem>>) src(%dma_wait3A_132 : memref<200x64xf32, #tpu.memory_space<vmem>>) dst(%dma_wait3A_129 : memref<200x64xf32, #tpu.memory_space<hbm>>)
    %add3A_133 = arith.constant 1 : i32
    %add3A_134 = arith.addi %select_n3A_116, %add3A_133 : i32
    %dma_wait3A_135 = arith.constant 200 : i32
    %dma_wait3A_136 = arith.constant 0 : i32
    %dma_wait3A_137 = tpu.memref_slice %arg8[%dma_wait3A_135, %dma_wait3A_136] : memref<800x64xf32, #tpu.memory_space<vmem>> -> memref<200x64xf32, #tpu.memory_space<vmem>>
    %dma_wait3A_138 = arith.constant 0 : i32
    %dma_wait3A_139 = arith.constant 0 : i32
    %dma_wait3A_140 = tpu.memref_slice %arg4[%add3A_134, %dma_wait3A_138, %dma_wait3A_139] : memref<4096x200x128xf32, #tpu.memory_space<hbm>> -> memref<1x200x64xf32, #tpu.memory_space<hbm>>
    %dma_wait3A_141 = tpu.memref_squeeze %dma_wait3A_140 : memref<1x200x64xf32, #tpu.memory_space<hbm>> -> memref<200x64xf32, #tpu.memory_space<hbm>>
    %dma_wait3A_142 = arith.constant 0 : i32
    %dma_wait3A_143 = arith.constant 0 : i32
    %dma_wait3A_144 = tpu.memref_slice %arg4[%add3A_134, %dma_wait3A_142, %dma_wait3A_143] : memref<4096x200x128xf32, #tpu.memory_space<hbm>> -> memref<1x200x64xf32, #tpu.memory_space<hbm>>
    %dma_wait3A_145 = tpu.memref_squeeze %dma_wait3A_144 : memref<1x200x64xf32, #tpu.memory_space<hbm>> -> memref<200x64xf32, #tpu.memory_space<hbm>>
    %dma_wait3A_146 = arith.constant 200 : i32
    %dma_wait3A_147 = arith.constant 0 : i32
    %dma_wait3A_148 = tpu.memref_slice %arg8[%dma_wait3A_146, %dma_wait3A_147] : memref<800x64xf32, #tpu.memory_space<vmem>> -> memref<200x64xf32, #tpu.memory_space<vmem>>
    tpu.wait_dma2 semaphore(%arg12 : memref<!tpu.dma_semaphore, #tpu.memory_space<semaphore_mem>>) src(%dma_wait3A_148 : memref<200x64xf32, #tpu.memory_space<vmem>>) dst(%dma_wait3A_145 : memref<200x64xf32, #tpu.memory_space<hbm>>)
    %add3A_149 = arith.constant 2 : i32
    %add3A_150 = arith.addi %select_n3A_116, %add3A_149 : i32
    %dma_wait3A_151 = arith.constant 400 : i32
    %dma_wait3A_152 = arith.constant 0 : i32
    %dma_wait3A_153 = tpu.memref_slice %arg8[%dma_wait3A_151, %dma_wait3A_152] : memref<800x64xf32, #tpu.memory_space<vmem>> -> memref<200x64xf32, #tpu.memory_space<vmem>>
    %dma_wait3A_154 = arith.constant 0 : i32
    %dma_wait3A_155 = arith.constant 0 : i32
    %dma_wait3A_156 = tpu.memref_slice %arg4[%add3A_150, %dma_wait3A_154, %dma_wait3A_155] : memref<4096x200x128xf32, #tpu.memory_space<hbm>> -> memref<1x200x64xf32, #tpu.memory_space<hbm>>
    %dma_wait3A_157 = tpu.memref_squeeze %dma_wait3A_156 : memref<1x200x64xf32, #tpu.memory_space<hbm>> -> memref<200x64xf32, #tpu.memory_space<hbm>>
    %dma_wait3A_158 = arith.constant 0 : i32
    %dma_wait3A_159 = arith.constant 0 : i32
    %dma_wait3A_160 = tpu.memref_slice %arg4[%add3A_150, %dma_wait3A_158, %dma_wait3A_159] : memref<4096x200x128xf32, #tpu.memory_space<hbm>> -> memref<1x200x64xf32, #tpu.memory_space<hbm>>
    %dma_wait3A_161 = tpu.memref_squeeze %dma_wait3A_160 : memref<1x200x64xf32, #tpu.memory_space<hbm>> -> memref<200x64xf32, #tpu.memory_space<hbm>>
    %dma_wait3A_162 = arith.constant 400 : i32
    %dma_wait3A_163 = arith.constant 0 : i32
    %dma_wait3A_164 = tpu.memref_slice %arg8[%dma_wait3A_162, %dma_wait3A_163] : memref<800x64xf32, #tpu.memory_space<vmem>> -> memref<200x64xf32, #tpu.memory_space<vmem>>
    tpu.wait_dma2 semaphore(%arg12 : memref<!tpu.dma_semaphore, #tpu.memory_space<semaphore_mem>>) src(%dma_wait3A_164 : memref<200x64xf32, #tpu.memory_space<vmem>>) dst(%dma_wait3A_161 : memref<200x64xf32, #tpu.memory_space<hbm>>)
    %add3A_165 = arith.constant 3 : i32
    %add3A_166 = arith.addi %select_n3A_116, %add3A_165 : i32
    %dma_wait3A_167 = arith.constant 600 : i32
    %dma_wait3A_168 = arith.constant 0 : i32
    %dma_wait3A_169 = tpu.memref_slice %arg8[%dma_wait3A_167, %dma_wait3A_168] : memref<800x64xf32, #tpu.memory_space<vmem>> -> memref<200x64xf32, #tpu.memory_space<vmem>>
    %dma_wait3A_170 = arith.constant 0 : i32
    %dma_wait3A_171 = arith.constant 0 : i32
    %dma_wait3A_172 = tpu.memref_slice %arg4[%add3A_166, %dma_wait3A_170, %dma_wait3A_171] : memref<4096x200x128xf32, #tpu.memory_space<hbm>> -> memref<1x200x64xf32, #tpu.memory_space<hbm>>
    %dma_wait3A_173 = tpu.memref_squeeze %dma_wait3A_172 : memref<1x200x64xf32, #tpu.memory_space<hbm>> -> memref<200x64xf32, #tpu.memory_space<hbm>>
    %dma_wait3A_174 = arith.constant 0 : i32
    %dma_wait3A_175 = arith.constant 0 : i32
    %dma_wait3A_176 = tpu.memref_slice %arg4[%add3A_166, %dma_wait3A_174, %dma_wait3A_175] : memref<4096x200x128xf32, #tpu.memory_space<hbm>> -> memref<1x200x64xf32, #tpu.memory_space<hbm>>
    %dma_wait3A_177 = tpu.memref_squeeze %dma_wait3A_176 : memref<1x200x64xf32, #tpu.memory_space<hbm>> -> memref<200x64xf32, #tpu.memory_space<hbm>>
    %dma_wait3A_178 = arith.constant 600 : i32
    %dma_wait3A_179 = arith.constant 0 : i32
    %dma_wait3A_180 = tpu.memref_slice %arg8[%dma_wait3A_178, %dma_wait3A_179] : memref<800x64xf32, #tpu.memory_space<vmem>> -> memref<200x64xf32, #tpu.memory_space<vmem>>
    tpu.wait_dma2 semaphore(%arg12 : memref<!tpu.dma_semaphore, #tpu.memory_space<semaphore_mem>>) src(%dma_wait3A_180 : memref<200x64xf32, #tpu.memory_space<vmem>>) dst(%dma_wait3A_177 : memref<200x64xf32, #tpu.memory_space<hbm>>)
    return
  }
}

</mosaic_0001>

<sc_bundles>
// kernel: kernel.3.cloned.1.call-start
scs
__scs_entry_jumppad:
0x0: {  	(pc) =	sbr.rel $0x88, $3  }
0x1: {  	(tag) =	ssettag $0x0;
	lr =	simm.s32 $0x1  }
0x2: {  	[smem:$0x3F9F] =	sst lr;
	_ =	strace $0xD0000000  }
0x3: {  	_ = 	snop  }
0x4: {  	_ = 	snop  }
0x5: {  	_ = 	snop  }
0x6: {  	_ = 	snop  }
0x7: {  	_ = 	snop  }
__scs_overlays_trampoline_lowered:
0x8: {  	[smem:$0x3FAE] =	sst s0  }
0x9: {  	[smem:$0x3FAF] =	sst s1  }
0xa: {  	[smem:$0x3FB0] =	sst s2  }
0xb: {  	[smem:$0x3FB1] =	sst s3  }
0xc: {  	[smem:$0x3FB2] =	sst s4  }
0xd: {  	[smem:$0x3FB3] =	sst s5  }
0xe: {  	[smem:$0x3FB4] =	sst s6  }
0xf: {  	[smem:$0x3FB5] =	sst s7  }
0x10: {  	[smem:$0x3FB6] =	sst s8  }
0x11: {  	[smem:$0x3FB7] =	sst s9;
	s0 =	simm.s32 @!p0 $0x0  }
0x12: {  	s1 =	sld [smem:$0x3F9D];
	s0 =	simm.s32 @p0 $0x1  }
0x13: {  	[smem:$0x3FB8] =	sst s0;
	s0 =	simm.s32 @!p1 $0x0  }
0x14: {  	s2 =	sld [smem:$0x3F9C];
	s0 =	simm.s32 @p1 $0x1  }
0x15: {  	[smem:$0x3FB9] =	sst s0;
	s0 =	simm.s32 @!p2 $0x0  }
0x16: {  	s3 =	sld [smem:$0x3FDB];
	s0 =	simm.s32 @p2 $0x1  }
0x17: {  	s4 =	simm.s32 $0x1BF5;
	[smem:$0x3FBB] =	sst s0  }
0x18: {  	s0 =	sld [smem:$0x3F9E];
	_ =	swait.ge [sflag:s4], $0x0  }
0x19: {  	s7 =	sld [smem:$0x3F9F]  }
0x1a: {  	s8 =	sadd.s32 $0xFFFFE003, lr  }
0x1b: {  	s9 =	sadd.s32 $0xFFFFFEF7, lr;
	s5 =	simm.s32 $0xFFFFFFFF;
	p2 =	slt.u32 s8, $0xFFFFF086  }
0x1c: {  	p1 =	slt.u32 s9, $0xF7A;
	s5 =	simm.s32 @!p2 $0x0  }
0x1d: {  	s5 =	simm.s32 @p1 $0x1;
	p0 =	seq.s32 s7, s2  }
0x1e: {  	s7 =	smul.u32 @!p0 $0xF7A, s2;
	p2 =	seq.s32 @!p0 s5, $0x0  }
0x1f: {  	s9 =	smul.u32 $0xF7A, s1;
	s8 =	simm.s32 @!p0 $0x1BF5;
	p2 =	por !p2, p0  }
0x20: {  	[sflag:s8] =	ssyncset.s32 @!p0 $0xFFFFF086;
	s6 =	sadd.s32 @!p0 s3, s7;
	s7 =	simm.s32 @!p0 $0x108  }
0x21: {  	s3 =	sadd.s32 s3, s9;
	s6 =	sadd.s32 @!p0 $0x88, s6;
	s7 =	simm.s32 @p2 $0x1082  }
0x22: {  	[simem:s7], [sflag:s8] =	dma.local @!p0 [hbm:s6], $0xF7A  }
0x23: {  	s9 =	sor.u32 $0xD0000000, s2;
	s6 =	simm.s32 $0x108;
	_ =	swait.ge @!p0 [sflag:s8], $0x0  }
0x24: {  	s3 =	sadd.s32 $0x88, s3;
	s6 =	simm.s32 @!p1 $0x1082;
	[sflag:s4] =	ssyncset.s32 $0xFFFFF086  }
0x25: {  	[simem:s6], [sflag:s4] =	dma.local [hbm:s3], $0xF7A  }
0x26: {  	[smem:$0x3F9F] =	sst s1;
	(tag) =	ssettag s2;
	_ =	strace s9  }
0x27: {  	s1 =	sld [smem:$0x3FAF]  }
0x28: {  	s2 =	sld [smem:$0x3FB0]  }
0x29: {  	s4 =	sld [smem:$0x3FB2]  }
0x2a: {  	p0 =	seq.s32 s5, $0x0;
	s5 =	sld [smem:$0x3FB3]  }
0x2b: {  	s6 =	sld [smem:$0x3FB4]  }
0x2c: {  	s7 =	sld [smem:$0x3FB5]  }
0x2d: {  	s3 =	simm.s32 $0x108;
	s8 =	sld [smem:$0x3FB6]  }
0x2e: {  	s3 =	simm.s32 @!p0 $0x1082;
	s9 =	sld [smem:$0x3FB7]  }
0x2f: {  	lr =	sadd.s32 s0, s3;
	s0 =	sld [smem:$0x3FAE]  }
0x30: {  	s3 =	sld [smem:$0x3FB1]  }
0x31: {  	[smem:$0x3FBA] =	sst s10  }
0x32: {  	s10 =	sld [smem:$0x3FB8];
	_ =	sdelay $0x3  }
0x33: {  	p0 =	seq.s32 s10, $0x1;
	s10 =	sld [smem:$0x3FBA];
	_ =	sdelay $0x3  }
0x34: {  	[smem:$0x3FBA] =	sst s10  }
0x35: {  	s10 =	sld [smem:$0x3FB9];
	_ =	sdelay $0x3  }
0x36: {  	p1 =	seq.s32 s10, $0x1;
	s10 =	sld [smem:$0x3FBA];
	_ =	sdelay $0x3  }
0x37: {  	[smem:$0x3FBA] =	sst s10  }
0x38: {  	s10 =	sld [smem:$0x3FBB]  }
0x39: {  	_ = 	snop;
	(pc) =	sbr.ind lr, $3  }
0x3a: {  	_ = 	snop  }
0x3b: {  	_ = 	snop  }
0x3c: {  	p2 =	seq.s32 s10, $0x1;
	s10 =	sld [smem:$0x3FBA]  }
0x3d: {  	_ =	shalt  }
0x3e: {  	_ =	shalt  }
0x3f: {  	_ =	shalt  }
0x40: {  	_ =	shalt  }
0x41: {  	_ =	shalt  }
0x42: {  	_ =	shalt  }
0x43: {  	_ =	shalt  }
0x44: {  	_ =	shalt  }
0x45: {  	_ =	shalt  }
0x46: {  	_ =	shalt  }
0x47: {  	_ =	shalt  }
0x48: {  	_ =	shalt  }
0x49: {  	_ =	shalt  }
0x4a: {  	_ =	shalt  }
0x4b: {  	_ =	shalt  }
0x4c: {  	_ =	shalt  }
0x4d: {  	_ =	shalt  }
0x4e: {  	_ =	shalt  }
0x4f: {  	_ =	shalt  }
0x50: {  	_ =	shalt  }
0x51: {  	_ =	shalt  }
0x52: {  	_ =	shalt  }
0x53: {  	_ =	shalt  }
0x54: {  	_ =	shalt  }
0x55: {  	_ =	shalt  }
0x56: {  	_ =	shalt  }
0x57: {  	_ =	shalt  }
0x58: {  	_ =	shalt  }
0x59: {  	_ =	shalt  }
0x5a: {  	_ =	shalt  }
0x5b: {  	_ =	shalt  }
0x5c: {  	_ =	shalt  }
0x5d: {  	_ =	shalt  }
0x5e: {  	_ =	shalt  }
0x5f: {  	_ =	shalt  }
0x60: {  	_ =	shalt  }
0x61: {  	_ =	shalt  }
0x62: {  	_ =	shalt  }
0x63: {  	_ =	shalt  }
0x64: {  	_ =	shalt  }
0x65: {  	_ =	shalt  }
0x66: {  	_ =	shalt  }
0x67: {  	_ =	shalt  }
0x68: {  	_ =	shalt  }
0x69: {  	_ =	shalt  }
0x6a: {  	_ =	shalt  }
0x6b: {  	_ =	shalt  }
0x6c: {  	_ =	shalt  }
0x6d: {  	_ =	shalt  }
0x6e: {  	_ =	shalt  }
0x6f: {  	_ =	shalt  }
0x70: {  	_ =	shalt  }
0x71: {  	_ =	shalt  }
0x72: {  	_ =	shalt  }
0x73: {  	_ =	shalt  }
0x74: {  	_ =	shalt  }
0x75: {  	_ =	shalt  }
0x76: {  	_ =	shalt  }
0x77: {  	_ =	shalt  }
0x78: {  	_ =	shalt  }
0x79: {  	_ =	shalt  }
0x7a: {  	_ =	shalt  }
0x7b: {  	_ =	shalt  }
0x7c: {  	_ =	shalt  }
0x7d: {  	_ =	shalt  }
0x7e: {  	_ =	shalt  }
0x7f: {  	_ =	shalt  }
0x80: {  	_ =	shalt  }
0x81: {  	_ =	shalt  }
0x82: {  	_ =	shalt  }
0x83: {  	_ =	shalt  }
0x84: {  	_ =	shalt  }
0x85: {  	_ =	shalt  }
0x86: {  	_ =	shalt  }
0x87: {  	_ =	shalt  }
.Lfunc_end0:
.L_simem_size_0:
called_computation.1_lowered:
.L_overlay_start_0:
0x88: {  	s2 =	sld [smem:$0x3FD9]  }
0x89: {  	s3 =	sld [smem:$0x3FFE];
	_ =	sdelay $0x1  }
0x8a: {  	s1 =	srdreg.scid  }
0x8b: {  	s0 =	sand.u32 $0x1, s1  }
0x8c: {  	s17 =	sshll.u32 s0, $0xA;
	s2 =	sadd.s32 s3, s2  }
0x8d: {  	s2 =	sadd.s32 s2, s17  }
0x8e: {  	[smem:$0x3FC6] =	sst s2  }
0x8f: {  	_ = 	snop  }
0x90: {  	s2 =	sld [smem:$0x3FD0];
	(tm) =	ssettm $0x1  }
0x91: {  	s18 =	sld [smem:$0x3FFB];
	_ =	sdelay $0x3  }
0x92: {  	_ =	strace s18  }
0x93: {  	s3 =	sld [smem:$0x3FFC];
	_ =	sdelay $0x3  }
0x94: {  	_ =	strace s3  }
0x95: {  	s3 =	sld [smem:$0x3FFD];
	_ =	sdelay $0x3  }
0x96: {  	_ =	strace s3  }
0x97: {  	_ =	strace $0x8FFFFFFF  }
0x98: {  	s19 =	sld [smem:$0x3FDB];
	_ =	sdelay $0x1  }
0x99: {  	s4 =	simm.s32 $_scs_section_size  }
0x9a: {  	s5 =	simm.s32 $_size__tile_overlayer_lowered;
	s6 =	simm.s32 $_tile_overlayer_lowered  }
0x9b: {  	s22 =	simm.s32 $0x1BFF;
	s21 =	sshll.u32 s6, $0x1;
	s3 =	sadd.s32 s4, s19  }
0x9c: {  	s7 =	simm.s32 $0x0;
	s20 =	sshll.u32 s5, $0x1;
	s5 =	sadd.s32 s21, s3  }
0x9d: {  	[timem:s7], [sflag:s22] =	dma.local [hbm:s5], s20  }
0x9e: {  	_ =	swait.ge [sflag:s22], s20  }
0x9f: {  	s4 =	ssub.s32 $0x0, s20;
	[sflag:s22] =	ssyncset.done $0x0  }
0xa0: {  	[sflag:s22] =	ssyncadd.s32 s4;
	_ =	sdelay $0x1  }
0xa1: {  	s23 =	simm.s32 $0x1B8B  }
0xa2: {  	_ =	swait.ge [sflag:s23], $0x1  }
0xa3: {  	[sflag:s23] =	ssyncset.done $0x0  }
0xa4: {  	s25 =	simm.s32 $0x1B8E;
	s24 =	sld [smem:$0x3FFE];
	[sflag:s23] =	ssyncadd.s32 $0xFFFFFFFF  }
0xa5: {  	s26 =	simm.s32 $execute0_lowered;
	[smem:$0x3FD2] =	sst s25  }
0xa6: {  	s5 =	sshll.u32 s26, $0x1;
	_ =	strace $0x80000046;
	[dreg:$0x1] =	wrdreg $0xFFFFFFFF  }
0xa7: {  	s28 =	simm.s32 $_size_execute0_lowered;
	s3 =	sadd.s32 s3, s5;
	[dreg:$0x0] =	wrdreg $0x0  }
0xa8: {  	s5 =	sshll.u32 s28, $0x1;
	[dreg:$0x2] =	wrdreg s3  }
0xa9: {  	[dreg:$0x3] =	wrdreg s5  }
0xaa: {  	[dreg:$0x4] =	wrdreg $0xC0  }
0xab: {  	_ =	task [dreg:s7], $0x5FFFF  }
0xac: {  	[dreg:$0x1] =	wrdreg $0xFFFFFFFF  }
0xad: {  	[dreg:$0x0] =	wrdreg $0x60  }
0xae: {  	[dreg:$0x2] =	wrdreg s2  }
0xaf: {  	[dreg:$0x3] =	wrdreg s24  }
0xb0: {  	[dreg:$0x4] =	wrdreg $0x9  }
0xb1: {  	_ =	task.clear_ibuf [dreg:s7], $0x5FFFF;
	_ =	strace $0x90000046  }
0xb2: {  	s29 =	simm.s32 $0x9;
	_ =	strace $0x80000048  }
0xb3: {  	_ =	swait.ge [sflag:s29], $0x1  }
0xb4: {  	[sflag:s29] =	ssyncadd.s32 $0xFFFFFFFF  }
0xb5: {  	_ =	strace $0x90000048  }
0xb6: {  	_ =	sfence  }
0xb7: {  	s30 =	sld [smem:$0x0];
	_ =	sdelay $0x2  }
0xb8: {  	s31 =	sshll.u32 s1, $0xD;
	s1 =	sshrl.u32 s1, $0x2  }
0xb9: {  	s3 =	sand.u32 $0x4000, s31;
	s1 =	sadd.s32 s1, s30  }
0xba: {  	s0 =	sor.u32 s3, s0;
	s1 =	sshll.u32 s1, $0x11  }
0xbb: {  	s0 =	sor.u32 s1, s0  }
0xbc: {  	s0 =	sadd.s32 $0x8F2B, s0  }
0xbd: {  	[sflag:s0] =	ssyncadd.remote.s32 $0x1  }
0xbe: {  	_ =	sfence.sel $0xFFFF  }
0xbf: {  	[dreg:$0x0] =	wrdreg $0xFFFFFFFF;
	(pc) =	sbr.abs _section_cstart, $3  }
0xc0: {  	[dreg:$0x1] =	wrdreg $0xFFFFFFFF  }
0xc1: {  	_ =	task.clear_ibuf [dreg:s7], $0x2FFFF;
	_ =	strace $0x9FFFFFFF  }
0xc2: {  	(tm) =	ssettm $0x7FFFFFFF  }
0xc3: {  	_ =	shalt  }
tec
execute0_lowered:
.L_overlay_start_1:
0x0: {  	(tag) =	ssettag $0x1  }
0x1: {  	s2 =	rddreg [dreg:$0x0];
	s0 =	srdreg.scid  }
0x2: {  	s3 =	stileid.u32;
	s1 =	rddreg [dreg:$0x1];
	s11 =	simm.s32 $0x5  }
0x3: {  	s12 =	simm.s32 $0x320;
	s13 =	simm.s32 $0x640;
	s14 =	simm.s32 $0x1  }
0x4: {  	s15 =	simm.s32 $0x40;
	s16 =	simm.s32 $0x80;
	s17 =	simm.s32 $0x3840  }
0x5: {  	s18 =	simm.s32 $0x6A40;
	s19 =	simm.s32 $0x9C40;
	s20 =	simm.s32 $0xCE40  }
0x6: {  	s21 =	simm.s32 $0x2;
	s22 =	simm.s32 $0x10040;
	s23 =	simm.s32 $0x13240  }
0x7: {  	s24 =	simm.s32 $0x16440;
	s0 =	sand.u32 $0x1, s0;
	s4 =	sshll.u32 s3, $0x1  }
0x8: {  	s25 =	simm.s32 $0x3;
	s26 =	simm.s32 $0x4;
	s4 =	sor.u32 s0, s4  }
0x9: {  	s28 =	simm.s32 $0x0;
	s0 =	ssub.s32 $0x2, s0;
	s4 =	smul.u32 $0x6400, s4  }
.Ltmp0:
0xa: {  	s3 =	simm.s32 $0x0;
	s7 =	sshrl.u32 s0, $0x1;
	(pc) =	sbr.rel .LBB2_1-.Ltmp0, $4  }
0xb: {  	s5 =	sadd.s32 $0xF42E00, s1;
	s6 =	sadd.s32 $0xA00, s1;
	s0 =	ssub.s32 s0, s7  }
0xc: {  	[smem:$0x7FF] =	sst s3;
	s31 =	sshrl.u32 s4, $0x3;
	s0 =	smax.u32 s0, $0x1  }
0xd: {  	_ =	strace $0x80000047;
	s1 =	sadd.s32 s2, s31;
	[dreg:$0x4] =	wrdreg s0  }
0xe: {  	v0 =	vimm.s32 $0x0;
	s8 =	sor.u32 $0x320, s4;
	s9 =	sadd.s32 $0x640, s4;
	[dreg:$0x3] =	wrdreg s1  }
.LBB2_18:
0xf: {  	_ =	swait.ge [sflag:s26], $0x3200  }
0x10: {  	[sflag:s26] =	ssyncset.done $0x0  }
0x11: {  	[sflag:s26] =	ssyncadd.s32 $0xFFFFCE00  }
0x12: {  	_ =	swait.ge [sflag:s26], $0x3200  }
0x13: {  	[sflag:s26] =	ssyncset.done $0x0  }
0x14: {  	[sflag:s26] =	ssyncadd.s32 $0xFFFFCE00  }
0x15: {  	_ =	swait.ge [sflag:s26], $0x3200  }
0x16: {  	[sflag:s26] =	ssyncset.done $0x0  }
0x17: {  	[sflag:s26] =	ssyncadd.s32 $0xFFFFCE00  }
0x18: {  	_ =	swait.ge [sflag:s26], $0x3200  }
0x19: {  	s28 =	sadd.s32 $0x1, s28;
	s0 =	rddreg [dreg:$0x4]  }
0x1a: {  	p0 =	sne.s32 s28, s0  }
.Ltmp1:
0x1b: {  	_ = 	snop;
	(pc) =	sbr.rel @!p0 .LBB2_19-.Ltmp1, $3  }
0x1c: {  	_ =	sdelay $0x1  }
0x1d: {  	[sflag:s26] =	ssyncset.done $0x0  }
0x1e: {  	[sflag:s26] =	ssyncadd.s32 $0xFFFFCE00  }
.LBB2_1:
0x1f: {  	s0 =	rddreg [dreg:$0x3]  }
0x20: {  	[tilespmem:s3], [sflag:$0x5] =	stream.linear.gather [hbm4b:s0+s3], $0x320, $0x38;
	[tilespmem:$0x19640] =	vst v63  }
0x21: {  	_ =	swait.ge [sflag:s11], $0x320  }
0x22: {  	[sflag:s11] =	ssyncset.done $0x0  }
0x23: {  	s29 =	simm.s32 $0x0;
	[sflag:s11] =	ssyncadd.s32 $0xFFFFFCE0  }
0x24: {  	[tilespmem:s13], [sflag:$0x1] =	stream.indirect.gather [hbm4b:s5+s12], $0x40, s3, s12, $0xb8;
	[tilespmem:$0x19640] =	vst v63  }
.LBB2_2:
0x25: {  	_ =	swait.ge [sflag:s14], $0xC800  }
0x26: {  	[sflag:s14] =	ssyncset.done $0x0  }
0x27: {  	s0 =	simm.s32 $0x0;
	[sflag:s14] =	ssyncadd.s32 $0xFFFF3800  }
0x28: {  	v1 =	vld [tilespmem:s0+$0x0]  }
0x29: {  	s10 =	simm.s32 $0x10  }
0x2a: {  	s30 =	simm.s32 $0x20;
	v2 =	vld [tilespmem:s10+$0x0]  }
0x2b: {  	v3 =	vld [tilespmem:s30+$0x0];
	_ =	sdelay $0x1  }
0x2c: {  	vm0 =	veq.s32 v1, $0x0  }
0x2d: {  	v1 =	vsel vm0, $0x1, v0  }
0x2e: {  	vm13 =	veq.s32 v2, $0x0;
	(xrf0) =	vadd.scan.msk.s32 $0xffff, v1  }
0x2f: {  	vm14 =	veq.s32 v3, $0x0;
	v1 =	vsel vm13, $0x1, v0  }
0x30: {  	(xrf0) =	vadd.scan.msk.s32 $0xffff, v1;
	v1 =	vsel vm14, $0x1, v0  }
0x31: {  	s31 =	simm.s32 $0x30;
	(xrf0) =	vadd.scan.msk.s32 $0xffff, v1  }
0x32: {  	v2 =	vld [tilespmem:s31+$0x0];
	_ =	sdelay $0x1  }
0x33: {  	v1, _, _ =	vpop (xrf0)  }
0x34: {  	(v2sf) =	vpush v1, $0xF  }
0x35: {  	v1, _, _ =	vpop (xrf0)  }
0x36: {  	vm15 =	veq.s32 v2, $0x0;
	(v2sf) =	vpush v1, $0xF;
	v2, _, _ =	vpop (xrf0)  }
0x37: {  	(v2sf) =	vpush v2, $0xF;
	_ =	sdelay $0x5  }
0x38: {  	s30 =	simm.s32 $0x40;
	v1 =	vsel vm15, $0x1, v0  }
0x39: {  	(xrf0) =	vadd.scan.msk.s32 $0xffff, v1;
	v1 =	vld [tilespmem:s30+$0x0];
	_ =	sdelay $0x1  }
0x3a: {  	s1 =	simm.s32 $0x140;
	s0 =	simm.s32 $0x0  }
.LBB2_3:
0x3b: {  	p0 =	sne.s32 s1, $0xC40  }
.Ltmp2:
0x3c: {  	s30 =	sshra.s32 s1, $0x2;
	(pc) =	sbr.rel @p0 .LBB2_3-.Ltmp2, $4  }
0x3d: {  	s1 =	sadd.s32 $0x40, s1;
	s31 =	spop (v2sf);
	vm0 =	veq.s32 v1, $0x0  }
0x3e: {  	s0 =	sadd.s32 s0, s31;
	v1 =	vld [tilespmem:s30+$0x0];
	v3 =	vsel vm0, $0x1, v0  }
0x3f: {  	(xrf0) =	vadd.scan.msk.s32 $0xffff, v3;
	v2, _, _ =	vpop (xrf0)  }
0x40: {  	(v2sf) =	vpush v2, $0xF  }
0x41: {  	_ =	sdelay $0x1  }
0x42: {  	vm0 =	veq.s32 v1, $0x0  }
0x43: {  	v1 =	vsel vm0, $0x1, v0  }
0x44: {  	(xrf0) =	vadd.scan.msk.s32 $0xffff, v1;
	_ =	sdelay $0x4  }
0x45: {  	v1, _, _ =	vpop (xrf0)  }
0x46: {  	(v2sf) =	vpush v1, $0xF;
	v1, _, _ =	vpop (xrf0)  }
0x47: {  	(v2sf) =	vpush v1, $0xF;
	_ =	sdelay $0xa  }
0x48: {  	s1 =	spop (v2sf)  }
0x49: {  	s0 =	sadd.s32 s0, s1;
	s7 =	spop (v2sf)  }
0x4a: {  	s0 =	sadd.s32 s0, s7;
	s10 =	spop (v2sf)  }
0x4b: {  	s0 =	sadd.s32 s0, s10;
	s30 =	spop (v2sf)  }
0x4c: {  	s0 =	sadd.s32 s0, s30;
	s31 =	spop (v2sf)  }
0x4d: {  	s0 =	sadd.s32 s0, s31  }
0x4e: {  	p0 =	slt.s32 s0, $0x1  }
.Ltmp3:
0x4f: {  	_ = 	snop;
	(pc) =	sbr.rel @p0 .LBB2_9-.Ltmp3, $1  }
0x50: {  	_ =	sdelay $0x3  }
.Ltmp4:
0x51: {  	(pc) =	sbr.rel .LBB2_6-.Ltmp4, $2  }
0x52: {  	_ =	sdelay $0x2  }
0x53: {  	s30 =	simm.s32 $0x0;
	s1 =	simm.s32 $0x840  }
.LBB2_8:
0x54: {  	s30 =	sadd.s32 $0x40, s30  }
0x55: {  	p0 =	sne.s32 s30, $0xC80  }
.Ltmp5:
0x56: {  	_ = 	snop;
	(pc) =	sbr.rel @!p0 .LBB2_9-.Ltmp5, $2  }
0x57: {  	_ =	sdelay $0x2  }
0x58: {  	s1 =	sadd.s32 $0x400, s1  }
.LBB2_6:
0x59: {  	s0 =	sshra.s32 s30, $0x2  }
0x5a: {  	v1 =	vld [tilespmem:s0+$0x0];
	_ =	sdelay $0x4  }
0x5b: {  	vm0 =	veq.s32 v1, $0x0  }
0x5c: {  	v2 =	vsel vm0, $0x1, v0  }
0x5d: {  	(xrf0) =	vadd.scan.msk.s32 $0xffff, v2;
	_ =	sdelay $0x5  }
0x5e: {  	v2, _, _ =	vpop (xrf0)  }
0x5f: {  	(v2sf) =	vpush v2, $0xF;
	_ =	sdelay $0xe  }
0x60: {  	s31 =	spop (v2sf)  }
0x61: {  	p0 =	slt.s32 s31, $0x1  }
.Ltmp6:
0x62: {  	_ = 	snop;
	(pc) =	sbr.rel @p0 .LBB2_8-.Ltmp6, $1  }
0x63: {  	_ =	sdelay $0x3  }
0x64: {  	(v2sf) =	vpush v1, $0x0;
	_ =	sdelay $0x3  }
0x65: {  	(v2sf) =	vpush v1, $0x1;
	_ =	sdelay $0x3  }
0x66: {  	(v2sf) =	vpush v1, $0x2;
	_ =	sdelay $0x3  }
0x67: {  	(v2sf) =	vpush v1, $0x3;
	_ =	sdelay $0x2  }
0x68: {  	s0 =	spop (v2sf)  }
0x69: {  	(v2sf) =	vpush v1, $0x4;
	p0 =	sne.s32 s0, $0x0  }
0x6a: {  	v2 =	vimm.f32 @!p0 $0.0e+00  }
0x6b: {  	[tilespmem:s1+$0xFFFFFE00] =	vst @!p0 v2  }
0x6c: {  	s7 =	spop (v2sf);
	[tilespmem:s1+$0xFFFFFE10] =	vst @!p0 v2  }
0x6d: {  	(v2sf) =	vpush v1, $0x5;
	p1 =	sne.s32 s7, $0x0;
	[tilespmem:s1+$0xFFFFFE20] =	vst @!p0 v2  }
0x6e: {  	[tilespmem:s1+$0xFFFFFE30] =	vst @!p0 v2;
	v2 =	vimm.f32 @!p1 $0.0e+00  }
0x6f: {  	[tilespmem:s1+$0xFFFFFE40] =	vst @!p1 v2  }
0x70: {  	s10 =	spop (v2sf);
	[tilespmem:s1+$0xFFFFFE50] =	vst @!p1 v2  }
0x71: {  	(v2sf) =	vpush v1, $0x6;
	p0 =	sne.s32 s10, $0x0;
	[tilespmem:s1+$0xFFFFFE60] =	vst @!p1 v2  }
0x72: {  	[tilespmem:s1+$0xFFFFFE70] =	vst @!p1 v2;
	v2 =	vimm.f32 @!p0 $0.0e+00  }
0x73: {  	[tilespmem:s1+$0xFFFFFE80] =	vst @!p0 v2  }
0x74: {  	s31 =	spop (v2sf);
	[tilespmem:s1+$0xFFFFFE90] =	vst @!p0 v2  }
0x75: {  	(v2sf) =	vpush v1, $0x7;
	p1 =	sne.s32 s31, $0x0;
	[tilespmem:s1+$0xFFFFFEA0] =	vst @!p0 v2  }
0x76: {  	[tilespmem:s1+$0xFFFFFEB0] =	vst @!p0 v2;
	v2 =	vimm.f32 @!p1 $0.0e+00  }
0x77: {  	[tilespmem:s1+$0xFFFFFEC0] =	vst @!p1 v2  }
0x78: {  	[tilespmem:s1+$0xFFFFFED0] =	vst @!p1 v2;
	s7 =	spop (v2sf)  }
0x79: {  	[tilespmem:s1+$0xFFFFFEE0] =	vst @!p1 v2;
	(v2sf) =	vpush v1, $0x8;
	p0 =	sne.s32 s7, $0x0  }
0x7a: {  	[tilespmem:s1+$0xFFFFFEF0] =	vst @!p1 v2;
	v2 =	vimm.f32 @!p0 $0.0e+00  }
0x7b: {  	[tilespmem:s1+$0xFFFFFF00] =	vst @!p0 v2  }
0x7c: {  	s10 =	spop (v2sf);
	[tilespmem:s1+$0xFFFFFF10] =	vst @!p0 v2  }
0x7d: {  	(v2sf) =	vpush v1, $0x9;
	p1 =	sne.s32 s10, $0x0;
	[tilespmem:s1+$0xFFFFFF20] =	vst @!p0 v2  }
0x7e: {  	[tilespmem:s1+$0xFFFFFF30] =	vst @!p0 v2;
	v2 =	vimm.f32 @!p1 $0.0e+00  }
0x7f: {  	[tilespmem:s1+$0xFFFFFF40] =	vst @!p1 v2  }
0x80: {  	s31 =	spop (v2sf);
	[tilespmem:s1+$0xFFFFFF50] =	vst @!p1 v2  }
0x81: {  	(v2sf) =	vpush v1, $0xA;
	p0 =	sne.s32 s31, $0x0;
	[tilespmem:s1+$0xFFFFFF60] =	vst @!p1 v2  }
0x82: {  	[tilespmem:s1+$0xFFFFFF70] =	vst @!p1 v2;
	v2 =	vimm.f32 @!p0 $0.0e+00  }
0x83: {  	[tilespmem:s1+$0xFFFFFF80] =	vst @!p0 v2  }
0x84: {  	s7 =	spop (v2sf);
	[tilespmem:s1+$0xFFFFFF90] =	vst @!p0 v2  }
0x85: {  	(v2sf) =	vpush v1, $0xB;
	p1 =	sne.s32 s7, $0x0;
	[tilespmem:s1+$0xFFFFFFA0] =	vst @!p0 v2  }
0x86: {  	[tilespmem:s1+$0xFFFFFFB0] =	vst @!p0 v2;
	v2 =	vimm.f32 @!p1 $0.0e+00  }
0x87: {  	[tilespmem:s1+$0xFFFFFFC0] =	vst @!p1 v2  }
0x88: {  	[tilespmem:s1+$0xFFFFFFD0] =	vst @!p1 v2;
	s10 =	spop (v2sf)  }
0x89: {  	[tilespmem:s1+$0xFFFFFFE0] =	vst @!p1 v2;
	(v2sf) =	vpush v1, $0xC;
	p0 =	sne.s32 s10, $0x0  }
0x8a: {  	[tilespmem:s1+$0xFFFFFFF0] =	vst @!p1 v2;
	v2 =	vimm.f32 @!p0 $0.0e+00  }
0x8b: {  	[tilespmem:s1+$0x0] =	vst @!p0 v2  }
0x8c: {  	s31 =	spop (v2sf);
	[tilespmem:s1+$0x10] =	vst @!p0 v2  }
0x8d: {  	(v2sf) =	vpush v1, $0xD;
	p1 =	sne.s32 s31, $0x0;
	[tilespmem:s1+$0x20] =	vst @!p0 v2  }
0x8e: {  	[tilespmem:s1+$0x30] =	vst @!p0 v2;
	v2 =	vimm.f32 @!p1 $0.0e+00  }
0x8f: {  	[tilespmem:s1+$0x40] =	vst @!p1 v2  }
0x90: {  	s7 =	spop (v2sf);
	[tilespmem:s1+$0x50] =	vst @!p1 v2  }
0x91: {  	(v2sf) =	vpush v1, $0xE;
	p0 =	sne.s32 s7, $0x0;
	[tilespmem:s1+$0x60] =	vst @!p1 v2  }
0x92: {  	[tilespmem:s1+$0x70] =	vst @!p1 v2;
	v2 =	vimm.f32 @!p0 $0.0e+00  }
0x93: {  	[tilespmem:s1+$0x80] =	vst @!p0 v2  }
0x94: {  	s10 =	spop (v2sf);
	[tilespmem:s1+$0x90] =	vst @!p0 v2  }
0x95: {  	(v2sf) =	vpush v1, $0xF;
	p1 =	sne.s32 s10, $0x0;
	[tilespmem:s1+$0xA0] =	vst @!p0 v2  }
0x96: {  	[tilespmem:s1+$0xB0] =	vst @!p0 v2;
	v1 =	vimm.f32 @!p1 $0.0e+00  }
0x97: {  	[tilespmem:s1+$0xC0] =	vst @!p1 v1  }
0x98: {  	[tilespmem:s1+$0xD0] =	vst @!p1 v1;
	s31 =	spop (v2sf)  }
0x99: {  	[tilespmem:s1+$0xE0] =	vst @!p1 v1;
	p0 =	sne.s32 s31, $0x0  }
0x9a: {  	[tilespmem:s1+$0xF0] =	vst @!p1 v1;
	v1 =	vimm.f32 @!p0 $0.0e+00  }
0x9b: {  	[tilespmem:s1+$0x100] =	vst @!p0 v1  }
0x9c: {  	s7 =	spop (v2sf);
	[tilespmem:s1+$0x110] =	vst @!p0 v1  }
0x9d: {  	p1 =	sne.s32 s7, $0x0;
	[tilespmem:s1+$0x120] =	vst @!p0 v1  }
0x9e: {  	[tilespmem:s1+$0x130] =	vst @!p0 v1;
	v1 =	vimm.f32 @!p1 $0.0e+00  }
0x9f: {  	[tilespmem:s1+$0x140] =	vst @!p1 v1  }
0xa0: {  	s10 =	spop (v2sf);
	[tilespmem:s1+$0x150] =	vst @!p1 v1  }
0xa1: {  	p0 =	sne.s32 s10, $0x0;
	[tilespmem:s1+$0x160] =	vst @!p1 v1  }
0xa2: {  	[tilespmem:s1+$0x170] =	vst @!p1 v1;
	v1 =	vimm.f32 @!p0 $0.0e+00  }
0xa3: {  	[tilespmem:s1+$0x180] =	vst @!p0 v1  }
0xa4: {  	s31 =	spop (v2sf);
	[tilespmem:s1+$0x190] =	vst @!p0 v1  }
0xa5: {  	p1 =	sne.s32 s31, $0x0;
	[tilespmem:s1+$0x1A0] =	vst @!p0 v1  }
.Ltmp7:
0xa6: {  	[tilespmem:s1+$0x1B0] =	vst @!p0 v1;
	v1 =	vimm.f32 @!p1 $0.0e+00;
	(pc) =	sbr.rel .LBB2_8-.Ltmp7, $4  }
0xa7: {  	[tilespmem:s1+$0x1C0] =	vst @!p1 v1  }
0xa8: {  	[tilespmem:s1+$0x1D0] =	vst @!p1 v1  }
0xa9: {  	[tilespmem:s1+$0x1E0] =	vst @!p1 v1  }
0xaa: {  	[tilespmem:s1+$0x1F0] =	vst @!p1 v1  }
.LBB2_9:
0xab: {  	s30 =	smul.u32 $0x640, s29;
	_ =	sdelay $0x1  }
0xac: {  	s0 =	sadd.s32 s4, s30  }
0xad: {  	s0 =	smulhi.u32 $0x51EB851F, s0;
	_ =	sdelay $0x1  }
0xae: {  	s0 =	sshrl.u32 s0, $0x6  }
0xaf: {  	s1 =	smul.u32 $0xC80, s0  }
0xb0: {  	s0 =	smul.u32 $0x6400, s0;
	_ =	sdelay $0x1  }
0xb1: {  	s1 =	sadd.s32 s6, s1;
	s0 =	sshrl.u32 s0, $0x3  }
0xb2: {  	[hbm4b:s1+s15] =	stream.strided.scatter [tilespmem:s13], [sflag:$0x3], $0x3200, s16, s15, $0x38;
	[tilespmem:$0x19640] =	vst v63  }
0xb3: {  	s0 =	sadd.s32 s6, s0  }
0xb4: {  	s10 =	sadd.s32 $0xC80, s0  }
0xb5: {  	[hbm4b:s10+s15] =	stream.strided.scatter [tilespmem:s17], [sflag:$0x3], $0x3200, s16, s15, $0x38;
	[tilespmem:$0x19640] =	vst v63  }
0xb6: {  	s7 =	sadd.s32 $0x1900, s0  }
0xb7: {  	[hbm4b:s7+s15] =	stream.strided.scatter [tilespmem:s18], [sflag:$0x3], $0x3200, s16, s15, $0x38;
	[tilespmem:$0x19640] =	vst v63  }
0xb8: {  	p0 =	seq.s32 s29, $0x0;
	s0 =	sadd.s32 $0x2580, s0  }
0xb9: {  	[hbm4b:s0+s15] =	stream.strided.scatter [tilespmem:s19], [sflag:$0x3], $0x3200, s16, s15, $0x38;
	[tilespmem:$0x19640] =	vst v63  }
0xba: {  	s0 =	simm.s32 @!p0 $0x4  }
0xbb: {  	_ =	swait.ge @!p0 [sflag:s0], $0x3200  }
0xbc: {  	[sflag:s0] =	ssyncset.done @!p0 $0x0  }
0xbd: {  	[sflag:s0] =	ssyncadd.s32 @!p0 $0xFFFFCE00  }
0xbe: {  	_ =	swait.ge @!p0 [sflag:s0], $0x3200  }
0xbf: {  	[sflag:s0] =	ssyncset.done @!p0 $0x0  }
0xc0: {  	[sflag:s0] =	ssyncadd.s32 @!p0 $0xFFFFCE00  }
0xc1: {  	_ =	swait.ge @!p0 [sflag:s0], $0x3200  }
0xc2: {  	[sflag:s0] =	ssyncset.done @!p0 $0x0  }
0xc3: {  	[sflag:s0] =	ssyncadd.s32 @!p0 $0xFFFFCE00  }
0xc4: {  	s31 =	sadd.s32 s30, s8;
	_ =	swait.ge @!p0 [sflag:s0], $0x3200  }
0xc5: {  	s10 =	sshrl.u32 s31, $0x3;
	[sflag:s0] =	ssyncset.done @!p0 $0x0  }
0xc6: {  	s1 =	sadd.s32 s2, s10;
	[sflag:s0] =	ssyncadd.s32 @!p0 $0xFFFFCE00;
	s0 =	simm.s32 $0x0  }
0xc7: {  	[tilespmem:s12], [sflag:$0x5] =	stream.linear.gather [hbm4b:s1+s0], $0x320, $0x38;
	[tilespmem:$0x19640] =	vst v63  }
0xc8: {  	_ =	swait.ge [sflag:s11], $0x320  }
0xc9: {  	[sflag:s11] =	ssyncset.done $0x0  }
0xca: {  	[sflag:s11] =	ssyncadd.s32 $0xFFFFFCE0  }
0xcb: {  	[tilespmem:s20], [sflag:$0x2] =	stream.indirect.gather [hbm4b:s5+s12], $0x40, s12, s12, $0xb8;
	[tilespmem:$0x19640] =	vst v63  }
0xcc: {  	_ =	swait.ge [sflag:s21], $0xC800  }
0xcd: {  	[sflag:s21] =	ssyncset.done $0x0  }
0xce: {  	s7 =	simm.s32 $0x0;
	[sflag:s21] =	ssyncadd.s32 $0xFFFF3800  }
0xcf: {  	v1 =	vld [tilespmem:s7+$0x320]  }
0xd0: {  	s10 =	simm.s32 $0x10  }
0xd1: {  	v2 =	vld [tilespmem:s10+$0x320];
	s7 =	simm.s32 $0x20  }
0xd2: {  	v3 =	vld [tilespmem:s7+$0x320];
	_ =	sdelay $0x1  }
0xd3: {  	vm0 =	veq.s32 v1, $0x0  }
0xd4: {  	v1 =	vsel vm0, $0x1, v0  }
0xd5: {  	vm13 =	veq.s32 v2, $0x0;
	(xrf0) =	vadd.scan.msk.s32 $0xffff, v1  }
0xd6: {  	vm14 =	veq.s32 v3, $0x0;
	v1 =	vsel vm13, $0x1, v0  }
0xd7: {  	(xrf0) =	vadd.scan.msk.s32 $0xffff, v1;
	v1 =	vsel vm14, $0x1, v0  }
0xd8: {  	s10 =	simm.s32 $0x30;
	(xrf0) =	vadd.scan.msk.s32 $0xffff, v1  }
0xd9: {  	v2 =	vld [tilespmem:s10+$0x320];
	_ =	sdelay $0x1  }
0xda: {  	v1, _, _ =	vpop (xrf0)  }
0xdb: {  	(v2sf) =	vpush v1, $0xF  }
0xdc: {  	v1, _, _ =	vpop (xrf0)  }
0xdd: {  	vm15 =	veq.s32 v2, $0x0;
	(v2sf) =	vpush v1, $0xF;
	v2, _, _ =	vpop (xrf0)  }
0xde: {  	(v2sf) =	vpush v2, $0xF;
	_ =	sdelay $0x5  }
0xdf: {  	s7 =	simm.s32 $0x40;
	v1 =	vsel vm15, $0x1, v0  }
0xe0: {  	(xrf0) =	vadd.scan.msk.s32 $0xffff, v1;
	v1 =	vld [tilespmem:s7+$0x320];
	_ =	sdelay $0x1  }
0xe1: {  	s1 =	simm.s32 $0x140  }
.LBB2_10:
0xe2: {  	p0 =	sne.s32 s1, $0xC40  }
.Ltmp8:
0xe3: {  	s7 =	sshra.s32 s1, $0x2;
	(pc) =	sbr.rel @p0 .LBB2_10-.Ltmp8, $4  }
0xe4: {  	s1 =	sadd.s32 $0x40, s1;
	s10 =	spop (v2sf);
	vm0 =	veq.s32 v1, $0x0  }
0xe5: {  	s0 =	sadd.s32 s0, s10;
	v1 =	vld [tilespmem:s7+$0x320];
	v3 =	vsel vm0, $0x1, v0  }
0xe6: {  	(xrf0) =	vadd.scan.msk.s32 $0xffff, v3;
	v2, _, _ =	vpop (xrf0)  }
0xe7: {  	(v2sf) =	vpush v2, $0xF  }
0xe8: {  	_ =	sdelay $0x1  }
0xe9: {  	vm0 =	veq.s32 v1, $0x0  }
0xea: {  	v1 =	vsel vm0, $0x1, v0  }
0xeb: {  	(xrf0) =	vadd.scan.msk.s32 $0xffff, v1;
	_ =	sdelay $0x4  }
0xec: {  	v1, _, _ =	vpop (xrf0)  }
0xed: {  	(v2sf) =	vpush v1, $0xF;
	v1, _, _ =	vpop (xrf0)  }
0xee: {  	(v2sf) =	vpush v1, $0xF;
	_ =	sdelay $0xa  }
0xef: {  	s1 =	spop (v2sf)  }
0xf0: {  	s0 =	sadd.s32 s0, s1;
	s7 =	spop (v2sf)  }
0xf1: {  	s0 =	sadd.s32 s0, s7;
	s10 =	spop (v2sf)  }
0xf2: {  	s0 =	sadd.s32 s0, s10;
	s7 =	spop (v2sf)  }
0xf3: {  	s0 =	sadd.s32 s0, s7;
	s10 =	spop (v2sf)  }
0xf4: {  	s0 =	sadd.s32 s0, s10  }
0xf5: {  	p0 =	slt.s32 s0, $0x1  }
.Ltmp9:
0xf6: {  	_ = 	snop;
	(pc) =	sbr.rel @p0 .LBB2_16-.Ltmp9, $1  }
0xf7: {  	_ =	sdelay $0x3  }
.Ltmp10:
0xf8: {  	(pc) =	sbr.rel .LBB2_13-.Ltmp10, $2  }
0xf9: {  	_ =	sdelay $0x2  }
0xfa: {  	s1 =	simm.s32 $0x0;
	s0 =	simm.s32 $0xD040  }
.LBB2_15:
0xfb: {  	s1 =	sadd.s32 $0x40, s1  }
0xfc: {  	p0 =	sne.s32 s1, $0xC80  }
.Ltmp11:
0xfd: {  	_ = 	snop;
	(pc) =	sbr.rel @!p0 .LBB2_16-.Ltmp11, $2  }
0xfe: {  	_ =	sdelay $0x2  }
0xff: {  	s0 =	sadd.s32 $0x400, s0  }
.LBB2_13:
0x100: {  	s7 =	sshra.s32 s1, $0x2  }
0x101: {  	v1 =	vld [tilespmem:s7+$0x320];
	_ =	sdelay $0x4  }
0x102: {  	vm0 =	veq.s32 v1, $0x0  }
0x103: {  	v2 =	vsel vm0, $0x1, v0  }
0x104: {  	(xrf0) =	vadd.scan.msk.s32 $0xffff, v2;
	_ =	sdelay $0x5  }
0x105: {  	v2, _, _ =	vpop (xrf0)  }
0x106: {  	(v2sf) =	vpush v2, $0xF;
	_ =	sdelay $0xe  }
0x107: {  	s10 =	spop (v2sf)  }
0x108: {  	p0 =	slt.s32 s10, $0x1  }
.Ltmp12:
0x109: {  	_ = 	snop;
	(pc) =	sbr.rel @p0 .LBB2_15-.Ltmp12, $1  }
0x10a: {  	_ =	sdelay $0x3  }
0x10b: {  	(v2sf) =	vpush v1, $0x0;
	_ =	sdelay $0x3  }
0x10c: {  	(v2sf) =	vpush v1, $0x1;
	_ =	sdelay $0x3  }
0x10d: {  	(v2sf) =	vpush v1, $0x2;
	_ =	sdelay $0x3  }
0x10e: {  	(v2sf) =	vpush v1, $0x3;
	_ =	sdelay $0x2  }
0x10f: {  	s7 =	spop (v2sf)  }
0x110: {  	(v2sf) =	vpush v1, $0x4;
	p0 =	sne.s32 s7, $0x0  }
0x111: {  	v2 =	vimm.f32 @!p0 $0.0e+00  }
0x112: {  	[tilespmem:s0+$0xFFFFFE00] =	vst @!p0 v2  }
0x113: {  	s10 =	spop (v2sf);
	[tilespmem:s0+$0xFFFFFE10] =	vst @!p0 v2  }
0x114: {  	(v2sf) =	vpush v1, $0x5;
	p1 =	sne.s32 s10, $0x0;
	[tilespmem:s0+$0xFFFFFE20] =	vst @!p0 v2  }
0x115: {  	[tilespmem:s0+$0xFFFFFE30] =	vst @!p0 v2;
	v2 =	vimm.f32 @!p1 $0.0e+00  }
0x116: {  	[tilespmem:s0+$0xFFFFFE40] =	vst @!p1 v2  }
0x117: {  	s10 =	spop (v2sf);
	[tilespmem:s0+$0xFFFFFE50] =	vst @!p1 v2  }
0x118: {  	(v2sf) =	vpush v1, $0x6;
	p0 =	sne.s32 s10, $0x0;
	[tilespmem:s0+$0xFFFFFE60] =	vst @!p1 v2  }
0x119: {  	[tilespmem:s0+$0xFFFFFE70] =	vst @!p1 v2;
	v2 =	vimm.f32 @!p0 $0.0e+00  }
0x11a: {  	[tilespmem:s0+$0xFFFFFE80] =	vst @!p0 v2  }
0x11b: {  	s10 =	spop (v2sf);
	[tilespmem:s0+$0xFFFFFE90] =	vst @!p0 v2  }
0x11c: {  	(v2sf) =	vpush v1, $0x7;
	p1 =	sne.s32 s10, $0x0;
	[tilespmem:s0+$0xFFFFFEA0] =	vst @!p0 v2  }
0x11d: {  	[tilespmem:s0+$0xFFFFFEB0] =	vst @!p0 v2;
	v2 =	vimm.f32 @!p1 $0.0e+00  }
0x11e: {  	[tilespmem:s0+$0xFFFFFEC0] =	vst @!p1 v2  }
0x11f: {  	[tilespmem:s0+$0xFFFFFED0] =	vst @!p1 v2;
	s10 =	spop (v2sf)  }
0x120: {  	[tilespmem:s0+$0xFFFFFEE0] =	vst @!p1 v2;
	(v2sf) =	vpush v1, $0x8;
	p0 =	sne.s32 s10, $0x0  }
0x121: {  	[tilespmem:s0+$0xFFFFFEF0] =	vst @!p1 v2;
	v2 =	vimm.f32 @!p0 $0.0e+00  }
0x122: {  	[tilespmem:s0+$0xFFFFFF00] =	vst @!p0 v2  }
0x123: {  	s10 =	spop (v2sf);
	[tilespmem:s0+$0xFFFFFF10] =	vst @!p0 v2  }
0x124: {  	(v2sf) =	vpush v1, $0x9;
	p1 =	sne.s32 s10, $0x0;
	[tilespmem:s0+$0xFFFFFF20] =	vst @!p0 v2  }
0x125: {  	[tilespmem:s0+$0xFFFFFF30] =	vst @!p0 v2;
	v2 =	vimm.f32 @!p1 $0.0e+00  }
0x126: {  	[tilespmem:s0+$0xFFFFFF40] =	vst @!p1 v2  }
0x127: {  	s10 =	spop (v2sf);
	[tilespmem:s0+$0xFFFFFF50] =	vst @!p1 v2  }
0x128: {  	(v2sf) =	vpush v1, $0xA;
	p0 =	sne.s32 s10, $0x0;
	[tilespmem:s0+$0xFFFFFF60] =	vst @!p1 v2  }
0x129: {  	[tilespmem:s0+$0xFFFFFF70] =	vst @!p1 v2;
	v2 =	vimm.f32 @!p0 $0.0e+00  }
0x12a: {  	[tilespmem:s0+$0xFFFFFF80] =	vst @!p0 v2  }
0x12b: {  	s10 =	spop (v2sf);
	[tilespmem:s0+$0xFFFFFF90] =	vst @!p0 v2  }
0x12c: {  	(v2sf) =	vpush v1, $0xB;
	p1 =	sne.s32 s10, $0x0;
	[tilespmem:s0+$0xFFFFFFA0] =	vst @!p0 v2  }
0x12d: {  	[tilespmem:s0+$0xFFFFFFB0] =	vst @!p0 v2;
	v2 =	vimm.f32 @!p1 $0.0e+00  }
0x12e: {  	[tilespmem:s0+$0xFFFFFFC0] =	vst @!p1 v2  }
0x12f: {  	[tilespmem:s0+$0xFFFFFFD0] =	vst @!p1 v2;
	s10 =	spop (v2sf)  }
0x130: {  	[tilespmem:s0+$0xFFFFFFE0] =	vst @!p1 v2;
	(v2sf) =	vpush v1, $0xC;
	p0 =	sne.s32 s10, $0x0  }
0x131: {  	[tilespmem:s0+$0xFFFFFFF0] =	vst @!p1 v2;
	v2 =	vimm.f32 @!p0 $0.0e+00  }
0x132: {  	[tilespmem:s0+$0x0] =	vst @!p0 v2  }
0x133: {  	s10 =	spop (v2sf);
	[tilespmem:s0+$0x10] =	vst @!p0 v2  }
0x134: {  	(v2sf) =	vpush v1, $0xD;
	p1 =	sne.s32 s10, $0x0;
	[tilespmem:s0+$0x20] =	vst @!p0 v2  }
0x135: {  	[tilespmem:s0+$0x30] =	vst @!p0 v2;
	v2 =	vimm.f32 @!p1 $0.0e+00  }
0x136: {  	[tilespmem:s0+$0x40] =	vst @!p1 v2  }
0x137: {  	s10 =	spop (v2sf);
	[tilespmem:s0+$0x50] =	vst @!p1 v2  }
0x138: {  	(v2sf) =	vpush v1, $0xE;
	p0 =	sne.s32 s10, $0x0;
	[tilespmem:s0+$0x60] =	vst @!p1 v2  }
0x139: {  	[tilespmem:s0+$0x70] =	vst @!p1 v2;
	v2 =	vimm.f32 @!p0 $0.0e+00  }
0x13a: {  	[tilespmem:s0+$0x80] =	vst @!p0 v2  }
0x13b: {  	s10 =	spop (v2sf);
	[tilespmem:s0+$0x90] =	vst @!p0 v2  }
0x13c: {  	(v2sf) =	vpush v1, $0xF;
	p1 =	sne.s32 s10, $0x0;
	[tilespmem:s0+$0xA0] =	vst @!p0 v2  }
0x13d: {  	[tilespmem:s0+$0xB0] =	vst @!p0 v2;
	v1 =	vimm.f32 @!p1 $0.0e+00  }
0x13e: {  	[tilespmem:s0+$0xC0] =	vst @!p1 v1  }
0x13f: {  	[tilespmem:s0+$0xD0] =	vst @!p1 v1;
	s10 =	spop (v2sf)  }
0x140: {  	[tilespmem:s0+$0xE0] =	vst @!p1 v1;
	p0 =	sne.s32 s10, $0x0  }
0x141: {  	[tilespmem:s0+$0xF0] =	vst @!p1 v1;
	v1 =	vimm.f32 @!p0 $0.0e+00  }
0x142: {  	[tilespmem:s0+$0x100] =	vst @!p0 v1  }
0x143: {  	s10 =	spop (v2sf);
	[tilespmem:s0+$0x110] =	vst @!p0 v1  }
0x144: {  	p1 =	sne.s32 s10, $0x0;
	[tilespmem:s0+$0x120] =	vst @!p0 v1  }
0x145: {  	[tilespmem:s0+$0x130] =	vst @!p0 v1;
	v1 =	vimm.f32 @!p1 $0.0e+00  }
0x146: {  	[tilespmem:s0+$0x140] =	vst @!p1 v1  }
0x147: {  	s10 =	spop (v2sf);
	[tilespmem:s0+$0x150] =	vst @!p1 v1  }
0x148: {  	p0 =	sne.s32 s10, $0x0;
	[tilespmem:s0+$0x160] =	vst @!p1 v1  }
0x149: {  	[tilespmem:s0+$0x170] =	vst @!p1 v1;
	v1 =	vimm.f32 @!p0 $0.0e+00  }
0x14a: {  	[tilespmem:s0+$0x180] =	vst @!p0 v1  }
0x14b: {  	s10 =	spop (v2sf);
	[tilespmem:s0+$0x190] =	vst @!p0 v1  }
0x14c: {  	p1 =	sne.s32 s10, $0x0;
	[tilespmem:s0+$0x1A0] =	vst @!p0 v1  }
.Ltmp13:
0x14d: {  	[tilespmem:s0+$0x1B0] =	vst @!p0 v1;
	v1 =	vimm.f32 @!p1 $0.0e+00;
	(pc) =	sbr.rel .LBB2_15-.Ltmp13, $4  }
0x14e: {  	[tilespmem:s0+$0x1C0] =	vst @!p1 v1  }
0x14f: {  	[tilespmem:s0+$0x1D0] =	vst @!p1 v1  }
0x150: {  	[tilespmem:s0+$0x1E0] =	vst @!p1 v1  }
0x151: {  	[tilespmem:s0+$0x1F0] =	vst @!p1 v1  }
.LBB2_16:
0x152: {  	s0 =	smulhi.u32 $0x51EB851F, s31;
	_ =	sdelay $0x1  }
0x153: {  	s0 =	sshrl.u32 s0, $0x6  }
0x154: {  	s1 =	smul.u32 $0xC80, s0  }
0x155: {  	s0 =	smul.u32 $0x6400, s0;
	_ =	sdelay $0x1  }
0x156: {  	s1 =	sadd.s32 s6, s1;
	s0 =	sshrl.u32 s0, $0x3  }
0x157: {  	[hbm4b:s1+s15] =	stream.strided.scatter [tilespmem:s20], [sflag:$0x4], $0x3200, s16, s15, $0x38;
	[tilespmem:$0x19640] =	vst v63  }
0x158: {  	s0 =	sadd.s32 s6, s0  }
0x159: {  	s10 =	sadd.s32 $0xC80, s0  }
0x15a: {  	[hbm4b:s10+s15] =	stream.strided.scatter [tilespmem:s22], [sflag:$0x4], $0x3200, s16, s15, $0x38;
	[tilespmem:$0x19640] =	vst v63  }
0x15b: {  	s31 =	sadd.s32 $0x1900, s0  }
0x15c: {  	[hbm4b:s31+s15] =	stream.strided.scatter [tilespmem:s23], [sflag:$0x4], $0x3200, s16, s15, $0x38;
	[tilespmem:$0x19640] =	vst v63  }
0x15d: {  	s0 =	sadd.s32 $0x2580, s0  }
0x15e: {  	[hbm4b:s0+s15] =	stream.strided.scatter [tilespmem:s24], [sflag:$0x4], $0x3200, s16, s15, $0x38;
	[tilespmem:$0x19640] =	vst v63  }
0x15f: {  	_ =	swait.ge [sflag:s25], $0x3200  }
0x160: {  	[sflag:s25] =	ssyncset.done $0x0  }
0x161: {  	[sflag:s25] =	ssyncadd.s32 $0xFFFFCE00  }
0x162: {  	_ =	swait.ge [sflag:s25], $0x3200  }
0x163: {  	[sflag:s25] =	ssyncset.done $0x0  }
0x164: {  	[sflag:s25] =	ssyncadd.s32 $0xFFFFCE00  }
0x165: {  	p0 =	seq.s32 s29, $0xF;
	_ =	swait.ge [sflag:s25], $0x3200  }
.Ltmp14:
0x166: {  	[sflag:s25] =	ssyncset.done $0x0;
	(pc) =	sbr.rel @p0 .LBB2_18-.Ltmp14, $4  }
0x167: {  	[sflag:s25] =	ssyncadd.s32 $0xFFFFCE00  }
0x168: {  	_ =	swait.ge [sflag:s25], $0x3200  }
0x169: {  	[sflag:s25] =	ssyncset.done $0x0  }
0x16a: {  	[sflag:s25] =	ssyncadd.s32 $0xFFFFCE00  }
0x16b: {  	s0 =	sadd.s32 s30, s9  }
0x16c: {  	s0 =	sshrl.u32 s0, $0x3  }
0x16d: {  	s0 =	sadd.s32 s2, s0  }
0x16e: {  	[tilespmem:s3], [sflag:$0x5] =	stream.linear.gather [hbm4b:s0+s3], $0x320, $0x38;
	[tilespmem:$0x19640] =	vst v63  }
.Ltmp15:
0x16f: {  	_ = 	snop;
	(pc) =	sbr.rel .LBB2_2-.Ltmp15, $4  }
0x170: {  	_ =	swait.ge [sflag:s11], $0x320  }
0x171: {  	[sflag:s11] =	ssyncset.done $0x0  }
0x172: {  	s29 =	sadd.s32 $0x1, s29;
	[sflag:s11] =	ssyncadd.s32 $0xFFFFFCE0  }
0x173: {  	[tilespmem:s13], [sflag:$0x1] =	stream.indirect.gather [hbm4b:s5+s12], $0x40, s3, s12, $0xb8;
	[tilespmem:$0x19640] =	vst v63  }
.LBB2_19:
0x174: {  	_ =	sfence.sel $0x180000  }
0x175: {  	[bflag:$0x0] =	sbarrier.arrive $0xFFFF  }
0x176: {  	_ =	strace $0x90000047  }
0x177: {  	s0 =	stileid.u32;
	[bflag:$0x2] =	sbarrier.arrive $0xFFFF  }
0x178: {  	p0 =	sne.s32 s0, $0x0;
	s0 =	rddreg [dreg:$0x2]  }
0x179: {  	s0 =	sadd.s32 @!p0 $0x100000, s0  }
0x17a: {  	[sflag:s0] =	ssyncadd.tile.s32 @!p0 $0x1;
	_ =	shalt  }
.Lfunc_end2:
_tile_overlayer_lowered:
.L_overlay_start_2:
0x17b: {  	(tag) =	ssettag $0x2  }
0x17c: {  	s0 =	rddreg [dreg:$0x0];
	s2 =	stileid.u32  }
0x17d: {  	s1 =	rddreg [dreg:$0x1];
	p0 =	sne.s32 s2, $0x0  }
0x17e: {  	s3 =	rddreg [dreg:$0x2];
	[bflag:$0x3] =	sbarrier.arrive $0xFFFF;
	s2 =	simm.s32 @!p0 $0x1C05  }
0x17f: {  	[timem:s3], [sflag:s2] =	dma.local @!p0 [hbm:s0], s1  }
0x180: {  	s0 =	simm.s32 @!p0 $0x5  }
0x181: {  	_ =	swait.ge @!p0 [sflag:s0], s1  }
0x182: {  	s1 =	ssub.s32 @!p0 $0x0, s1;
	[sflag:s0] =	ssyncset.done @!p0 $0x0  }
0x183: {  	[sflag:s0] =	ssyncadd.s32 @!p0 s1  }
0x184: {  	[bflag:$0x3] =	sbarrier.arrive $0xFFFF  }
0x185: {  	_ =	shalt  }

// kernel: sparse-core-data-format-call.cloned.1.call-start
scs
called_computation_lowered:
.L_overlay_start_0:
0x0: {  	s2 =	sld [smem:$0x3FD9]  }
0x1: {  	s3 =	sld [smem:$0x3FFE];
	_ =	sdelay $0x1  }
0x2: {  	s1 =	srdreg.scid  }
0x3: {  	s0 =	sand.u32 $0x1, s1  }
0x4: {  	s18 =	sshll.u32 s0, $0xA;
	s2 =	sadd.s32 s3, s2  }
0x5: {  	s2 =	sadd.s32 s2, s18  }
0x6: {  	[smem:$0x3FC6] =	sst s2  }
0x7: {  	_ = 	snop  }
0x8: {  	s2 =	sld [smem:$0x3FD0];
	(tm) =	ssettm $0x1  }
0x9: {  	s19 =	sld [smem:$0x3FFB];
	_ =	sdelay $0x3  }
0xa: {  	_ =	strace s19  }
0xb: {  	s3 =	sld [smem:$0x3FFC];
	_ =	sdelay $0x3  }
0xc: {  	_ =	strace s3  }
0xd: {  	s3 =	sld [smem:$0x3FFD];
	_ =	sdelay $0x3  }
0xe: {  	_ =	strace s3  }
0xf: {  	_ =	strace $0x8FFFFFFF  }
0x10: {  	s20 =	sld [smem:$0x3FDB];
	_ =	sdelay $0x1  }
0x11: {  	s4 =	simm.s32 $_scs_section_size  }
0x12: {  	s5 =	simm.s32 $_size__tile_overlayer_lowered;
	s6 =	simm.s32 $_tile_overlayer_lowered  }
0x13: {  	s23 =	simm.s32 $0x1BFF;
	s22 =	sshll.u32 s6, $0x1;
	s3 =	sadd.s32 s4, s20  }
0x14: {  	s7 =	simm.s32 $0x0;
	s21 =	sshll.u32 s5, $0x1;
	s5 =	sadd.s32 s22, s3  }
0x15: {  	[timem:s7], [sflag:s23] =	dma.local [hbm:s5], s21  }
0x16: {  	_ =	swait.ge [sflag:s23], s21  }
0x17: {  	s4 =	ssub.s32 $0x0, s21;
	[sflag:s23] =	ssyncset.done $0x0  }
0x18: {  	[sflag:s23] =	ssyncadd.s32 s4;
	_ =	sdelay $0x1  }
0x19: {  	s24 =	simm.s32 $0x1B8B  }
0x1a: {  	_ =	swait.ge [sflag:s24], $0x1  }
0x1b: {  	[sflag:s24] =	ssyncset.done $0x0  }
0x1c: {  	s26 =	simm.s32 $0x1B8E;
	s25 =	sld [smem:$0x3FFE];
	[sflag:s24] =	ssyncadd.s32 $0xFFFFFFFF  }
0x1d: {  	s27 =	simm.s32 $execute0_lowered;
	[smem:$0x3FD2] =	sst s26  }
0x1e: {  	s5 =	sshll.u32 s27, $0x1;
	_ =	strace $0x80000049;
	[dreg:$0x1] =	wrdreg $0xFFFFFFFF  }
0x1f: {  	s28 =	simm.s32 $_size_execute0_lowered;
	s3 =	sadd.s32 s3, s5;
	[dreg:$0x0] =	wrdreg $0x0  }
0x20: {  	s5 =	sshll.u32 s28, $0x1;
	[dreg:$0x2] =	wrdreg s3  }
0x21: {  	[dreg:$0x3] =	wrdreg s5  }
0x22: {  	[dreg:$0x4] =	wrdreg $0xC0  }
0x23: {  	_ =	task [dreg:s7], $0x5FFFF  }
0x24: {  	[dreg:$0x1] =	wrdreg $0xFFFFFFFF  }
0x25: {  	[dreg:$0x0] =	wrdreg $0x60  }
0x26: {  	[dreg:$0x2] =	wrdreg s25  }
0x27: {  	[dreg:$0x3] =	wrdreg s2  }
0x28: {  	[dreg:$0x4] =	wrdreg $0x9  }
0x29: {  	_ =	task.clear_ibuf [dreg:s7], $0x5FFFF;
	_ =	strace $0x90000049  }
0x2a: {  	s29 =	simm.s32 $0x9;
	_ =	strace $0x8000004B  }
0x2b: {  	_ =	swait.ge [sflag:s29], $0x1  }
0x2c: {  	[sflag:s29] =	ssyncadd.s32 $0xFFFFFFFF  }
0x2d: {  	_ =	strace $0x9000004B  }
0x2e: {  	_ =	sfence  }
0x2f: {  	s30 =	sld [smem:$0x0];
	_ =	sdelay $0x2  }
0x30: {  	s31 =	sshll.u32 s1, $0xD;
	s1 =	sshrl.u32 s1, $0x2  }
0x31: {  	s3 =	sand.u32 $0x4000, s31;
	s1 =	sadd.s32 s1, s30  }
0x32: {  	s0 =	sor.u32 s3, s0;
	s1 =	sshll.u32 s1, $0x11  }
0x33: {  	s0 =	sor.u32 s1, s0  }
0x34: {  	s0 =	sadd.s32 $0x8F2B, s0  }
0x35: {  	[sflag:s0] =	ssyncadd.remote.s32 $0x1  }
0x36: {  	_ =	sfence.sel $0xFFFF  }
0x37: {  	[dreg:$0x0] =	wrdreg $0xFFFFFFFF;
	(pc) =	sbr.abs _section_cstart, $3  }
0x38: {  	[dreg:$0x1] =	wrdreg $0xFFFFFFFF  }
0x39: {  	_ =	task.clear_ibuf [dreg:s7], $0x2FFFF;
	_ =	strace $0x9FFFFFFF  }
0x3a: {  	(tm) =	ssettm $0x7FFFFFFF  }
0x3b: {  	_ =	shalt  }
tec
execute0_lowered:
.L_overlay_start_1:
0x0: {  	(tag) =	ssettag $0x1  }
0x1: {  	s0 =	srdreg.scid  }
0x2: {  	s1 =	sshll.u32 s0, $0x4  }
0x3: {  	s0 =	stileid.u32;
	s1 =	sand.u32 $0x10, s1  }
0x4: {  	s1 =	sor.u32 s0, s1  }
0x5: {  	s6 =	rddreg [dreg:$0x0];
	s4 =	simm.s32 $0x1;
	s2 =	sshll.u32 s1, $0x7  }
0x6: {  	s7 =	simm.s32 $0x2;
	s12 =	simm.s32 $0x0;
	s1 =	ssub.s32 $0x1000, s2  }
0x7: {  	s8 =	simm.s32 $0x8000;
	s13 =	simm.s32 $0x0;
	s3 =	sand.u32 $0xF80, s1  }
0x8: {  	s9 =	simm.s32 $0x0;
	s5 =	sshrl.u32 s1, $0xC;
	p0 =	sne.s32 s3, $0x0  }
.Ltmp0:
0x9: {  	s1 =	rddreg [dreg:$0x2];
	s4 =	simm.s32 @!p0 $0x0;
	(pc) =	sbr.rel .LBB1_1-.Ltmp0, $4  }
0xa: {  	s11 =	simm.s32 $0x0;
	s3 =	rddreg [dreg:$0x1];
	s5 =	sadd.s32 s4, s5  }
0xb: {  	_ =	strace $0x8000004A;
	s4 =	simm.s32 $0x1;
	s5 =	smul.u32 $0xC8, s5  }
0xc: {  	s6 =	sadd.s32 $0xA00, s6;
	s10 =	smov.u32 s2;
	[sflag:s4] =	ssyncpa.u1 $0x0  }
0xd: {  	p0 =	por $0x0, $0x0;
	[sflag:s7] =	ssyncpa.u1 $0x0;
	s7 =	sor.u32 $0x1, s5  }
.LBB1_4:
0xe: {  	s16 =	sshll.u32 s13, $0x3;
	s17 =	sand.u32 $0x78, s13  }
0xf: {  	s30 =	sand.u32 $0x7E00, s13;
	s12 =	sshll.u32 s12, $0xF;
	s16 =	sand.u32 $0xC00, s16  }
0x10: {  	[tilespmem:s15+$0x810 ss:$0x81] =	vst.msk $0xffff, v2;
	s31 =	sand.u32 $0x7, s13;
	s16 =	sor.u32 s17, s16;
	s17 =	sadd.s32 s3, s30  }
0x11: {  	[tilespmem:s15+$0x1020 ss:$0x81] =	vst.msk $0xffff, v0;
	s13 =	sshll.u32 s31, $0x12;
	s12 =	sadd.s32 s12, s17;
	s16 =	sshrl.u32 s16, $0x3  }
0x12: {  	[tilespmem:s15+$0x0 ss:$0x81] =	vst.msk $0xffff, v1;
	s13 =	sor.u32 $0x400, s13;
	s12 =	sadd.s32 s16, s12  }
0x13: {  	[hbm4b:s12+s13] =	stream.strided.scatter [tilespmem:s14], [sflag:$0x2], $0x2000, s8, s13, $0x20;
	[tilespmem:$0x8080] =	vst v63  }
.LBB1_5:
0x14: {  	s14 =	sadd.s32 $0x1, s9  }
0x15: {  	s12 =	sadd.s32 $0x1000, s10;
	s16 =	smov.u32 s10;
	p2 =	sgt.s32 s14, $0xC7  }
0x16: {  	s16 =	smov.u32 @p2 s12  }
0x17: {  	s14 =	simm.s32 @p2 $0x0;
	p2 =	sgt.s32 s16, $0xFFF  }
0x18: {  	s16 =	smov.u32 @p2 s2;
	p2 =	sne.s32 s11, s7  }
.Ltmp1:
0x19: {  	p1 =	slt.u32 s11, $0x2;
	(pc) =	sbr.rel @!p2 .LBB1_6-.Ltmp1, $4  }
0x1a: {  	s15 =	simm.s32 @!p1 $0x2  }
0x1b: {  	s13 =	smov.u32 s10;
	p0 =	por !p0, !p0;
	_ =	swait.ge @!p1 [sflag:s15], $0x2000  }
0x1c: {  	s12 =	smov.u32 s9;
	[sflag:s15] =	ssyncset.done @!p1 $0x0;
	s9 =	smov.u32 s14  }
0x1d: {  	s11 =	sadd.s32 $0x1, s11;
	[sflag:s15] =	ssyncadd.s32 @!p1 $0xFFFFE000;
	s10 =	smov.u32 s16  }
.LBB1_1:
0x1e: {  	p1 =	sge.u32 s11, s5  }
0x1f: {  	s14 =	sand.u32 @!p1 $0x1FFFFFF, s9  }
0x20: {  	s15 =	smulhi.u32 @!p1 $0x147AE15, s14;
	_ =	sdelay $0x1  }
0x21: {  	s15 =	smul.u32 @!p1 $0xC8, s15  }
0x22: {  	s16 =	sxor.u32 @!p1 $0xFFFFFFFF, s11;
	s17 =	smul.u32 @!p1 $0xC80, s10  }
0x23: {  	s31 =	sadd.s32 $0xFFFFFFFF, s11;
	s16 =	sshll.u32 @!p1 s16, $0xD;
	s14 =	ssub.s32 @!p1 s14, s15  }
0x24: {  	s15 =	sand.u32 @!p1 $0x2000, s16;
	s16 =	sadd.s32 @!p1 s6, s17;
	s14 =	sshll.u32 @!p1 s14, $0x4  }
0x25: {  	s17 =	simm.s32 @!p1 $0x6400;
	s14 =	sadd.s32 @!p1 s14, s16;
	s16 =	simm.s32 @!p1 $0x40  }
0x26: {  	[tilespmem:s15], [sflag:$0x1] =	stream.strided.gather @!p1 [hbm4b:s14+s16], $0x2000, s17, s16, $0x38;
	[tilespmem:$0x8080] =	vst v63  }
0x27: {  	p1 =	sge.u32 s31, s5  }
.Ltmp2:
0x28: {  	_ = 	snop;
	(pc) =	sbr.rel @p1 .LBB1_5-.Ltmp2, $1  }
0x29: {  	_ =	sdelay $0x3  }
0x2a: {  	s14 =	simm.s32 $0x1  }
0x2b: {  	_ =	swait.ge [sflag:s4], $0x2000;
	s14 =	simm.s32 @!p0 $0x0  }
0x2c: {  	[sflag:s4] =	ssyncset.done $0x0;
	s15 =	sshll.u32 s14, $0xD  }
0x2d: {  	[sflag:s4] =	ssyncadd.s32 $0xFFFFE000;
	s18 =	sor.u32 $0x20, s15  }
0x2e: {  	s14 =	smul.u32 $0x8100, s14;
	v3 =	vld [tilespmem:s18+$0x10]  }
0x2f: {  	s30 =	sand.u32 $0x1, s11;
	v2 =	vld [tilespmem:s18+$0xFFFFFFF0]  }
0x30: {  	s15 =	smul.u32 $0x8100, s30;
	s14 =	sshrl.u32 s14, $0x2;
	v0 =	vld [tilespmem:s18+$0x0]  }
0x31: {  	v1 =	vld [tilespmem:s18+$0xFFFFFFE0];
	s16 =	sor.u32 $0x4000, s14  }
0x32: {  	s31 =	sshrl.u32 s15, $0x2;
	s15 =	sadd.s32 $0x0, s16  }
0x33: {  	s17 =	simm.s32 $0x4;
	s18 =	sadd.s32 $0x40, s18;
	s14 =	sor.u32 $0x4000, s31;
	[tilespmem:s15+$0x1830 ss:$0x81] =	vst.msk $0xffff, v3  }
.LBB1_3:
0x34: {  	v3 =	vld [tilespmem:s18+$0x10];
	p1 =	sne.s32 s17, $0x1FC;
	[tilespmem:s15+$0x810 ss:$0x81] =	vst.msk $0xffff, v2;
	s19 =	smov.u32 s17;
	s17 =	sadd.s32 $0x4, s17  }
.Ltmp3:
0x35: {  	v2 =	vld [tilespmem:s18+$0xFFFFFFF0];
	[tilespmem:s15+$0x1020 ss:$0x81] =	vst.msk $0xffff, v0;
	(pc) =	sbr.rel @p1 .LBB1_3-.Ltmp3, $4  }
0x36: {  	v0 =	vld [tilespmem:s18+$0x0];
	[tilespmem:s15+$0x0 ss:$0x81] =	vst.msk $0xffff, v1  }
0x37: {  	s15 =	sshra.s32 s19, $0x2;
	v1 =	vld [tilespmem:s18+$0xFFFFFFE0]  }
0x38: {  	s15 =	sadd.s32 s15, s16  }
0x39: {  	s18 =	sadd.s32 $0x40, s18;
	[tilespmem:s15+$0x1830 ss:$0x81] =	vst.msk $0xffff, v3  }
.Ltmp4:
0x3a: {  	_ = 	snop;
	(pc) =	sbr.rel .LBB1_4-.Ltmp4, $1  }
0x3b: {  	_ =	sdelay $0x3  }
.LBB1_6:
0x3c: {  	_ =	sfence.sel $0x180000  }
0x3d: {  	s2 =	simm.s32 $0x1;
	[bflag:$0x0] =	sbarrier.arrive $0xFFFF  }
0x3e: {  	s31 =	simm.s32 $0x2;
	[sflag:s2] =	ssyncpa.u1 $0x1  }
0x3f: {  	[sflag:s31] =	ssyncpa.u1 $0x1  }
0x40: {  	p0 =	sne.s32 s0, $0x0;
	_ =	strace $0x9000004A  }
0x41: {  	s0 =	sadd.s32 @!p0 $0x100000, s1;
	[bflag:$0x2] =	sbarrier.arrive $0xFFFF  }
0x42: {  	[sflag:s0] =	ssyncadd.tile.s32 @!p0 $0x1;
	_ =	shalt  }
.Lfunc_end1:
_tile_overlayer_lowered:
.L_overlay_start_2:
0x43: {  	(tag) =	ssettag $0x2  }
0x44: {  	s0 =	rddreg [dreg:$0x0];
	s2 =	stileid.u32  }
0x45: {  	s1 =	rddreg [dreg:$0x1];
	p0 =	sne.s32 s2, $0x0  }
0x46: {  	s3 =	rddreg [dreg:$0x2];
	[bflag:$0x3] =	sbarrier.arrive $0xFFFF;
	s2 =	simm.s32 @!p0 $0x1C01  }
0x47: {  	[timem:s3], [sflag:s2] =	dma.local @!p0 [hbm:s0], s1  }
0x48: {  	s0 =	simm.s32 @!p0 $0x1  }
0x49: {  	_ =	swait.ge @!p0 [sflag:s0], s1  }
0x4a: {  	s1 =	ssub.s32 @!p0 $0x0, s1;
	[sflag:s0] =	ssyncset.done @!p0 $0x0  }
0x4b: {  	[sflag:s0] =	ssyncadd.s32 @!p0 s1  }
0x4c: {  	[bflag:$0x3] =	sbarrier.arrive $0xFFFF  }
0x4d: {  	_ =	shalt  }

</sc_bundles>
